<compile_context>
chip_gen: v7x
topology: tpu7x:2x2x1
jax: 0.10.2.dev20260603
libtpu: 0.0.44.dev20260713+nightly
codegen_flags: <defaults>
</compile_context>

<pallas_src>
import functools

import jax
import jax.numpy as jnp
from jax import lax
from jax.experimental import pallas as pl
from jax.experimental.pallas import tpu as pltpu
from jax.experimental.pallas import tpu_sc as plsc

DIM = 8192
CELLS = 576
LEVELS = 256
BINS = 9
PAIRS = CELLS * BINS
CHUNK = 512
D_STEPS = DIM // CHUNK

NWORK = 32
ROWS_PER_W = LEVELS // NWORK
PAIRS_SC = 5632
P_PER_W = PAIRS_SC // NWORK

_SC_MESH = plsc.VectorSubcoreMesh(core_axis_name="c", subcore_axis_name="s")


def _sc_counts_body(mag_hbm, out_hbm, row_v, cnt_v, tmp_v, sem0, sem1):
    wid = lax.axis_index("s") * 2 + lax.axis_index("c")
    lane = lax.iota(jnp.int32, 16)
    acc_out = jnp.zeros((16,), jnp.float32)
    unroll = 8
    sems = (sem0, sem1)
    copies = [None, None]
    copies[0] = pltpu.async_copy(mag_hbm.at[wid * ROWS_PER_W], row_v.at[0], sems[0])
    for r in range(ROWS_PER_W):
        cur = r % 2
        copies[cur].wait()
        if r + 1 < ROWS_PER_W:
            copies[1 - cur] = pltpu.async_copy(
                mag_hbm.at[wid * ROWS_PER_W + r + 1], row_v.at[1 - cur], sems[1 - cur])

        def body(i, accs):
            return tuple(
                accs[u] + row_v[cur, pl.ds((i * unroll + u) * 16, 16)]
                for u in range(unroll)
            )

        accs = lax.fori_loop(0, DIM // 16 // unroll, body,
                             tuple(jnp.zeros((16,), jnp.float32) for _ in range(unroll)))
        acc16 = (((accs[0] + accs[1]) + (accs[2] + accs[3]))
                 + ((accs[4] + accs[5]) + (accs[6] + accs[7])))
        for sh in (8, 4, 2, 1):
            tmp_v[...] = acc16
            acc16 = acc16 + plsc.load_gather(tmp_v, [lane ^ sh])
        cnt = (acc16 + float(DIM)) * 0.5
        acc_out = jnp.where(lane == r, cnt, acc_out)
    cnt_v[...] = acc_out
    pltpu.sync_copy(cnt_v, out_hbm.at[wid])


def _sc_gather_body(xf_hbm, cnts_hbm, out_hbm, x_v, cnt_v, c_v):
    wid = lax.axis_index("s") * 2 + lax.axis_index("c")
    base = wid * P_PER_W
    pltpu.sync_copy(xf_hbm.at[pl.ds(base, P_PER_W)], x_v)
    pltpu.sync_copy(cnts_hbm, cnt_v)
    for i in range(P_PER_W // 16):
        xi = x_v[pl.ds(i * 16, 16)]
        idxf = jnp.clip(xi * float(LEVELS - 1) + 0.5, 0.0, float(LEVELS - 1))
        idx = idxf.astype(jnp.int32)
        gidx = ((idx >> 3) << 4) + (idx & 7)
        c_v[pl.ds(i * 16, 16)] = plsc.load_gather(cnt_v, [gidx])
    pltpu.sync_copy(c_v, out_hbm.at[pl.ds(base, P_PER_W)])


@functools.partial(
    pl.kernel,
    out_type=jax.ShapeDtypeStruct((NWORK, 16), jnp.float32),
    mesh=_SC_MESH,
    compiler_params=pltpu.CompilerParams(needs_layout_passes=False),
    scratch_types=[
        pltpu.VMEM((2, DIM), jnp.float32),
        pltpu.VMEM((16,), jnp.float32),
        pltpu.VMEM((16,), jnp.float32),
        pltpu.SemaphoreType.DMA,
        pltpu.SemaphoreType.DMA,
    ],
)
def _sc_counts(mag_hbm, out_hbm, row_v, cnt_v, tmp_v, sem0, sem1):
    _sc_counts_body(mag_hbm, out_hbm, row_v, cnt_v, tmp_v, sem0, sem1)


@functools.partial(
    pl.kernel,
    out_type=jax.ShapeDtypeStruct((PAIRS_SC,), jnp.float32),
    mesh=_SC_MESH,
    compiler_params=pltpu.CompilerParams(needs_layout_passes=False),
    scratch_types=[
        pltpu.VMEM((P_PER_W,), jnp.float32),
        pltpu.VMEM((NWORK * 16,), jnp.float32),
        pltpu.VMEM((P_PER_W,), jnp.float32),
    ],
)
def _sc_gather(xf_hbm, cnts_hbm, out_hbm, x_v, cnt_v, c_v):
    _sc_gather_body(xf_hbm, cnts_hbm, out_hbm, x_v, cnt_v, c_v)


def _main_body(cth_ref, ori_ref, cw_ref, am_ref, out_ref):
    j = pl.program_id(0)
    dvec = (lax.broadcasted_iota(jnp.int32, (1, CHUNK), 1)
            + j * CHUNK).astype(jnp.float32)
    cw = cw_ref[...]
    ori = ori_ref[...]
    cth = cth_ref[...]
    acc = jnp.zeros((1, CHUNK), jnp.float32)
    for b in range(BINS):
        mask = dvec < cth[:, b:b + 1]
        a_b = jnp.sum(jnp.where(mask, cw, 0.0), axis=0, keepdims=True)
        acc = acc + ori[b:b + 1, :] * a_b
    s_col = jnp.sum(ori, axis=0, keepdims=True)
    c_col = jnp.sum(cw, axis=0, keepdims=True)
    mat = 2.0 * acc - s_col * c_col
    partial = jnp.sum(am_ref[...] * mat, axis=1, keepdims=True)

    @pl.when(j == 0)
    def _():
        out_ref[...] = partial

    @pl.when(j > 0)
    def _():
        out_ref[...] = out_ref[...] + partial


def kernel(x, mag_table, ori_w, cell_w, am_w):
    num_classes = am_w.shape[0]
    xf = jnp.pad(jnp.reshape(x, (PAIRS,)), (0, PAIRS_SC - PAIRS))
    cnts = _sc_counts(mag_table)
    c = _sc_gather(xf, jnp.reshape(cnts, (NWORK * 16,)))
    cth = jnp.reshape(c[:PAIRS], (CELLS, BINS))
    scores = pl.pallas_call(
        _main_body,
        grid=(D_STEPS,),
        in_specs=[
            pl.BlockSpec((CELLS, BINS), lambda j: (0, 0)),
            pl.BlockSpec((BINS, CHUNK), lambda j: (0, j)),
            pl.BlockSpec((CELLS, CHUNK), lambda j: (0, j)),
            pl.BlockSpec((num_classes, CHUNK), lambda j: (0, j)),
        ],
        out_specs=pl.BlockSpec((num_classes, 1), lambda j: (0, 0)),
        out_shape=jax.ShapeDtypeStruct((num_classes, 1), jnp.float32),
    )(cth, ori_w, cell_w, am_w)
    return jnp.reshape(scores, (num_classes,))

# --- scband reference (transcript-rebuilt; emitter-appended) ---
"""Pipeline reference for scband-hdchog-71494025609765 (READ-ONLY COPY).

The authoritative reference and input builder live on the scoring server;
editing this copy changes nothing except your own understanding.
"""

import jax, jax.numpy as jnp
import numpy as np

DIM = 8192
CELLS = 576
LEVELS = 256
NUM_CLASSES = 1000
BINS = 9


def _thermometer(levels, dim):
    # Thermometer code for MAP VSA: level i has the first round(i*dim/(levels-1))
    # components set to +1 and the rest to -1 (level 0 is all -1, level L-1 all +1).
    counts = np.round(np.arange(levels) * dim / (levels - 1)).astype(np.int64)
    cols = np.arange(dim)[None, :]
    hv = np.where(cols < counts[:, None], 1.0, -1.0).astype(np.float32)
    return jnp.asarray(hv)


def setup_inputs(seed: int = 0) -> dict:
    key = jax.random.key(seed)
    k1, k2, k3, k4 = jax.random.split(key, 4)
    # HOG descriptor: [cells, bins] magnitudes normalized to [0, 1]
    x = jax.random.uniform(k1, (CELLS, BINS), dtype=jnp.float32)
    # embeddings.Random for MAP: i.i.d. +/-1 hypervectors
    cell_w = jnp.where(jax.random.bernoulli(k2, 0.5, (CELLS, DIM)), 1.0, -1.0).astype(jnp.float32)
    ori_w = jnp.where(jax.random.bernoulli(k3, 0.5, (BINS, DIM)), 1.0, -1.0).astype(jnp.float32)
    # embeddings.Thermometer(levels, dim, low=0.0, high=1.0)
    mag_table = _thermometer(LEVELS, DIM)
    # Associative-memory class prototypes (Centroid-style AM; randn stand-in for trained centroids)
    am_w = jax.random.normal(k4, (NUM_CLASSES, DIM), dtype=jnp.float32)
    return {"x": x, "mag_table": mag_table, "ori_w": ori_w, "cell_w": cell_w, "am_w": am_w}


def reference(x, mag_table, ori_w, cell_w, am_w):
    levels = mag_table.shape[0]
    # Thermometer embedding lookup: value_to_index then gather
    idx = jnp.clip(jnp.round(x * (levels - 1)), 0, levels - 1).astype(jnp.int32)
    mags = jnp.take(mag_table, idx, axis=0)            # [cells, bins, D]
    # bind(ori_hv.weight, mags) for MAP = elementwise multiply (broadcast over cells)
    bound = ori_w[None, :, :] * mags                   # [cells, bins, D]
    # multibundle for MAP = sum over the bundled axis
    grads = jnp.sum(bound, axis=1)                     # [cells, D]
    # bind(cell_hv.weight, grads)
    cells_hv = cell_w * grads                          # [cells, D]
    mat_hv = jnp.sum(cells_hv, axis=0)                 # [D]
    # AM search: dot similarity against class prototypes
    scores = jnp.dot(am_w, mat_hv)                     # [num_classes]
    return scores

if __name__ == "__main__":
    import jax
    _d = setup_inputs()
    print(jax.jit(kernel)(*tuple(_d.values())))

</pallas_src>

<mosaic_0001>
#map = affine_map<(d0, d1) -> (0, 0)>
module attributes {stable_mosaic.version = 14 : i64} {
  func.func @_sc_counts(%arg0: i32, %arg1: i32, %arg2: memref<256x8192xf32, #tpu.memory_space<hbm>>, %arg3: memref<32x16xf32, #tpu.memory_space<hbm>>, %arg4: memref<2x8192xf32, #tpu.memory_space<vmem>>, %arg5: memref<16xf32, #tpu.memory_space<vmem>>, %arg6: memref<16xf32, #tpu.memory_space<vmem>>, %arg7: memref<!tpu.dma_semaphore, #tpu.memory_space<semaphore_mem>>, %arg8: memref<!tpu.dma_semaphore, #tpu.memory_space<semaphore_mem>>) attributes {dimension_semantics = [#tpu.dimension_semantics<core_parallel>, #tpu.dimension_semantics<subcore_parallel>], iteration_bounds = array<i64: 2, 16>, scalar_prefetch = 0 : i64, scratch_operands = 5 : i64, tpu.core_type = #tpu.core_type<sc_vector_subcore>, window_params = [{transform_indices = #map}, {transform_indices = #map}]} {
    %mul3A = arith.constant 2 : i32
    %mul3A_0 = arith.muli %arg1, %mul3A : i32
    %add3A = arith.addi %mul3A_0, %arg0 : i32
    %iota3A = tpu.iota {dimensions = array<i32: 0>} : vector<16xi32>
    %broadcast_in_dim3A = arith.constant 0.000000e+00 : f32
    %broadcast_in_dim3A_1 = vector.broadcast %broadcast_in_dim3A : f32 to vector<16xf32>
    %mul3A_2 = arith.constant 8 : i32
    %mul3A_3 = arith.muli %add3A, %mul3A_2 : i32
    %dma_start3A = arith.constant 0 : i32
    %dma_start3A_4 = arith.constant 0 : i32
    %dma_start3A_5 = tpu.memref_slice %arg4[%dma_start3A, %dma_start3A_4] : memref<2x8192xf32, #tpu.memory_space<vmem>> -> memref<1x8192xf32, #tpu.memory_space<vmem>>
    %dma_start3A_6 = tpu.memref_squeeze %dma_start3A_5 : memref<1x8192xf32, #tpu.memory_space<vmem>> -> memref<8192xf32, #tpu.memory_space<vmem>>
    %dma_start3A_7 = arith.constant 0 : i32
    %dma_start3A_8 = tpu.memref_slice %arg2[%mul3A_3, %dma_start3A_7] : memref<256x8192xf32, #tpu.memory_space<hbm>> -> memref<1x8192xf32, #tpu.memory_space<hbm>>
    %dma_start3A_9 = tpu.memref_squeeze %dma_start3A_8 : memref<1x8192xf32, #tpu.memory_space<hbm>> -> memref<8192xf32, #tpu.memory_space<hbm>>
    %dma_start3A_10 = arith.constant 0 : i32
    %dma_start3A_11 = tpu.memref_slice %arg4[%dma_start3A, %dma_start3A_10] : memref<2x8192xf32, #tpu.memory_space<vmem>> -> memref<1x8192xf32, #tpu.memory_space<vmem>>
    %dma_start3A_12 = tpu.memref_squeeze %dma_start3A_11 : memref<1x8192xf32, #tpu.memory_space<vmem>> -> memref<8192xf32, #tpu.memory_space<vmem>>
    %dma_start3A_13 = arith.constant 0 : i32
    %dma_start3A_14 = tpu.memref_slice %arg2[%mul3A_3, %dma_start3A_13] : memref<256x8192xf32, #tpu.memory_space<hbm>> -> memref<1x8192xf32, #tpu.memory_space<hbm>>
    %dma_start3A_15 = tpu.memref_squeeze %dma_start3A_14 : memref<1x8192xf32, #tpu.memory_space<hbm>> -> memref<8192xf32, #tpu.memory_space<hbm>>
    tpu.enqueue_dma source(%dma_start3A_15 : memref<8192xf32, #tpu.memory_space<hbm>>) target(%dma_start3A_12 : memref<8192xf32, #tpu.memory_space<vmem>>) target_semaphore(%arg7 : memref<!tpu.dma_semaphore, #tpu.memory_space<semaphore_mem>>)
    %dma_wait3A = arith.constant 0 : i32
    %dma_wait3A_16 = arith.constant 0 : i32
    %dma_wait3A_17 = tpu.memref_slice %arg4[%dma_wait3A, %dma_wait3A_16] : memref<2x8192xf32, #tpu.memory_space<vmem>> -> memref<1x8192xf32, #tpu.memory_space<vmem>>
    %dma_wait3A_18 = tpu.memref_squeeze %dma_wait3A_17 : memref<1x8192xf32, #tpu.memory_space<vmem>> -> memref<8192xf32, #tpu.memory_space<vmem>>
    %dma_wait3A_19 = arith.constant 0 : i32
    %dma_wait3A_20 = tpu.memref_slice %arg2[%mul3A_3, %dma_wait3A_19] : memref<256x8192xf32, #tpu.memory_space<hbm>> -> memref<1x8192xf32, #tpu.memory_space<hbm>>
    %dma_wait3A_21 = tpu.memref_squeeze %dma_wait3A_20 : memref<1x8192xf32, #tpu.memory_space<hbm>> -> memref<8192xf32, #tpu.memory_space<hbm>>
    %dma_wait3A_22 = arith.constant 0 : i32
    %dma_wait3A_23 = tpu.memref_slice %arg4[%dma_wait3A, %dma_wait3A_22] : memref<2x8192xf32, #tpu.memory_space<vmem>> -> memref<1x8192xf32, #tpu.memory_space<vmem>>
    %dma_wait3A_24 = tpu.memref_squeeze %dma_wait3A_23 : memref<1x8192xf32, #tpu.memory_space<vmem>> -> memref<8192xf32, #tpu.memory_space<vmem>>
    %dma_wait3A_25 = arith.constant 0 : i32
    %dma_wait3A_26 = tpu.memref_slice %arg2[%mul3A_3, %dma_wait3A_25] : memref<256x8192xf32, #tpu.memory_space<hbm>> -> memref<1x8192xf32, #tpu.memory_space<hbm>>
    %dma_wait3A_27 = tpu.memref_squeeze %dma_wait3A_26 : memref<1x8192xf32, #tpu.memory_space<hbm>> -> memref<8192xf32, #tpu.memory_space<hbm>>
    tpu.wait_dma2 semaphore(%arg7 : memref<!tpu.dma_semaphore, #tpu.memory_space<semaphore_mem>>) src(%dma_wait3A_27 : memref<8192xf32, #tpu.memory_space<hbm>>) dst(%dma_wait3A_24 : memref<8192xf32, #tpu.memory_space<vmem>>)
    %mul3A_28 = arith.constant 8 : i32
    %mul3A_29 = arith.muli %add3A, %mul3A_28 : i32
    %add3A_30 = arith.constant 0 : i32
    %add3A_31 = arith.addi %mul3A_29, %add3A_30 : i32
    %add3A_32 = arith.constant 1 : i32
    %add3A_33 = arith.addi %add3A_31, %add3A_32 : i32
    %dma_start3A_34 = arith.constant 1 : i32
    %dma_start3A_35 = arith.constant 0 : i32
    %dma_start3A_36 = tpu.memref_slice %arg4[%dma_start3A_34, %dma_start3A_35] : memref<2x8192xf32, #tpu.memory_space<vmem>> -> memref<1x8192xf32, #tpu.memory_space<vmem>>
    %dma_start3A_37 = tpu.memref_squeeze %dma_start3A_36 : memref<1x8192xf32, #tpu.memory_space<vmem>> -> memref<8192xf32, #tpu.memory_space<vmem>>
    %dma_start3A_38 = arith.constant 0 : i32
    %dma_start3A_39 = tpu.memref_slice %arg2[%add3A_33, %dma_start3A_38] : memref<256x8192xf32, #tpu.memory_space<hbm>> -> memref<1x8192xf32, #tpu.memory_space<hbm>>
    %dma_start3A_40 = tpu.memref_squeeze %dma_start3A_39 : memref<1x8192xf32, #tpu.memory_space<hbm>> -> memref<8192xf32, #tpu.memory_space<hbm>>
    %dma_start3A_41 = arith.constant 0 : i32
    %dma_start3A_42 = tpu.memref_slice %arg4[%dma_start3A_34, %dma_start3A_41] : memref<2x8192xf32, #tpu.memory_space<vmem>> -> memref<1x8192xf32, #tpu.memory_space<vmem>>
    %dma_start3A_43 = tpu.memref_squeeze %dma_start3A_42 : memref<1x8192xf32, #tpu.memory_space<vmem>> -> memref<8192xf32, #tpu.memory_space<vmem>>
    %dma_start3A_44 = arith.constant 0 : i32
    %dma_start3A_45 = tpu.memref_slice %arg2[%add3A_33, %dma_start3A_44] : memref<256x8192xf32, #tpu.memory_space<hbm>> -> memref<1x8192xf32, #tpu.memory_space<hbm>>
    %dma_start3A_46 = tpu.memref_squeeze %dma_start3A_45 : memref<1x8192xf32, #tpu.memory_space<hbm>> -> memref<8192xf32, #tpu.memory_space<hbm>>
    tpu.enqueue_dma source(%dma_start3A_46 : memref<8192xf32, #tpu.memory_space<hbm>>) target(%dma_start3A_43 : memref<8192xf32, #tpu.memory_space<vmem>>) target_semaphore(%arg8 : memref<!tpu.dma_semaphore, #tpu.memory_space<semaphore_mem>>)
    %broadcast_in_dim3A_47 = arith.constant 0.000000e+00 : f32
    %broadcast_in_dim3A_48 = vector.broadcast %broadcast_in_dim3A_47 : f32 to vector<16xf32>
    %broadcast_in_dim3A_49 = arith.constant 0.000000e+00 : f32
    %broadcast_in_dim3A_50 = vector.broadcast %broadcast_in_dim3A_49 : f32 to vector<16xf32>
    %broadcast_in_dim3A_51 = arith.constant 0.000000e+00 : f32
    %broadcast_in_dim3A_52 = vector.broadcast %broadcast_in_dim3A_51 : f32 to vector<16xf32>
    %broadcast_in_dim3A_53 = arith.constant 0.000000e+00 : f32
    %broadcast_in_dim3A_54 = vector.broadcast %broadcast_in_dim3A_53 : f32 to vector<16xf32>
    %broadcast_in_dim3A_55 = arith.constant 0.000000e+00 : f32
    %broadcast_in_dim3A_56 = vector.broadcast %broadcast_in_dim3A_55 : f32 to vector<16xf32>
    %broadcast_in_dim3A_57 = arith.constant 0.000000e+00 : f32
    %broadcast_in_dim3A_58 = vector.broadcast %broadcast_in_dim3A_57 : f32 to vector<16xf32>
    %broadcast_in_dim3A_59 = arith.constant 0.000000e+00 : f32
    %broadcast_in_dim3A_60 = vector.broadcast %broadcast_in_dim3A_59 : f32 to vector<16xf32>
    %broadcast_in_dim3A_61 = arith.constant 0.000000e+00 : f32
    %broadcast_in_dim3A_62 = vector.broadcast %broadcast_in_dim3A_61 : f32 to vector<16xf32>
    %scan3A = arith.constant 0 : i32
    %scan3A_63 = arith.constant 64 : i32
    %scan3A_64 = arith.addi %scan3A, %scan3A_63 : i32
    %scan3A_65 = arith.constant 1 : i32
    %scan3A_66:8 = scf.for %scan3A_784 = %scan3A to %scan3A_64 step %scan3A_65 iter_args(%scan3A_785 = %broadcast_in_dim3A_48, %scan3A_786 = %broadcast_in_dim3A_50, %scan3A_787 = %broadcast_in_dim3A_52, %scan3A_788 = %broadcast_in_dim3A_54, %scan3A_789 = %broadcast_in_dim3A_56, %scan3A_790 = %broadcast_in_dim3A_58, %scan3A_791 = %broadcast_in_dim3A_60, %scan3A_792 = %broadcast_in_dim3A_62) -> (vector<16xf32>, vector<16xf32>, vector<16xf32>, vector<16xf32>, vector<16xf32>, vector<16xf32>, vector<16xf32>, vector<16xf32>)  : i32 {
      %mul3A_793 = arith.constant 8 : i32
      %mul3A_794 = arith.muli %scan3A_784, %mul3A_793 : i32
      %add3A_795 = arith.constant 0 : i32
      %add3A_796 = arith.addi %mul3A_794, %add3A_795 : i32
      %mul3A_797 = arith.constant 16 : i32
      %mul3A_798 = arith.muli %add3A_796, %mul3A_797 : i32
      %get3A = arith.constant 0 : i32
      %get3A_799 = arith.index_cast %get3A : i32 to index
      %get3A_800 = arith.index_cast %mul3A_798 : i32 to index
      %get3A_801 = tpu.vector_load %arg4[%get3A_799, %get3A_800] {strides = array<i32>} : memref<2x8192xf32, #tpu.memory_space<vmem>>, vector<16xf32>,
      %add3A_802 = arith.addf %scan3A_785, %get3A_801 : vector<16xf32>
      %mul3A_803 = arith.constant 8 : i32
      %mul3A_804 = arith.muli %scan3A_784, %mul3A_803 : i32
      %add3A_805 = arith.constant 1 : i32
      %add3A_806 = arith.addi %mul3A_804, %add3A_805 : i32
      %mul3A_807 = arith.constant 16 : i32
      %mul3A_808 = arith.muli %add3A_806, %mul3A_807 : i32
      %get3A_809 = arith.constant 0 : i32
      %get3A_810 = arith.index_cast %get3A_809 : i32 to index
      %get3A_811 = arith.index_cast %mul3A_808 : i32 to index
      %get3A_812 = tpu.vector_load %arg4[%get3A_810, %get3A_811] {strides = array<i32>} : memref<2x8192xf32, #tpu.memory_space<vmem>>, vector<16xf32>,
      %add3A_813 = arith.addf %scan3A_786, %get3A_812 : vector<16xf32>
      %mul3A_814 = arith.constant 8 : i32
      %mul3A_815 = arith.muli %scan3A_784, %mul3A_814 : i32
      %add3A_816 = arith.constant 2 : i32
      %add3A_817 = arith.addi %mul3A_815, %add3A_816 : i32
      %mul3A_818 = arith.constant 16 : i32
      %mul3A_819 = arith.muli %add3A_817, %mul3A_818 : i32
      %get3A_820 = arith.constant 0 : i32
      %get3A_821 = arith.index_cast %get3A_820 : i32 to index
      %get3A_822 = arith.index_cast %mul3A_819 : i32 to index
      %get3A_823 = tpu.vector_load %arg4[%get3A_821, %get3A_822] {strides = array<i32>} : memref<2x8192xf32, #tpu.memory_space<vmem>>, vector<16xf32>,
      %add3A_824 = arith.addf %scan3A_787, %get3A_823 : vector<16xf32>
      %mul3A_825 = arith.constant 8 : i32
      %mul3A_826 = arith.muli %scan3A_784, %mul3A_825 : i32
      %add3A_827 = arith.constant 3 : i32
      %add3A_828 = arith.addi %mul3A_826, %add3A_827 : i32
      %mul3A_829 = arith.constant 16 : i32
      %mul3A_830 = arith.muli %add3A_828, %mul3A_829 : i32
      %get3A_831 = arith.constant 0 : i32
      %get3A_832 = arith.index_cast %get3A_831 : i32 to index
      %get3A_833 = arith.index_cast %mul3A_830 : i32 to index
      %get3A_834 = tpu.vector_load %arg4[%get3A_832, %get3A_833] {strides = array<i32>} : memref<2x8192xf32, #tpu.memory_space<vmem>>, vector<16xf32>,
      %add3A_835 = arith.addf %scan3A_788, %get3A_834 : vector<16xf32>
      %mul3A_836 = arith.constant 8 : i32
      %mul3A_837 = arith.muli %scan3A_784, %mul3A_836 : i32
      %add3A_838 = arith.constant 4 : i32
      %add3A_839 = arith.addi %mul3A_837, %add3A_838 : i32
      %mul3A_840 = arith.constant 16 : i32
      %mul3A_841 = arith.muli %add3A_839, %mul3A_840 : i32
      %get3A_842 = arith.constant 0 : i32
      %get3A_843 = arith.index_cast %get3A_842 : i32 to index
      %get3A_844 = arith.index_cast %mul3A_841 : i32 to index
      %get3A_845 = tpu.vector_load %arg4[%get3A_843, %get3A_844] {strides = array<i32>} : memref<2x8192xf32, #tpu.memory_space<vmem>>, vector<16xf32>,
      %add3A_846 = arith.addf %scan3A_789, %get3A_845 : vector<16xf32>
      %mul3A_847 = arith.constant 8 : i32
      %mul3A_848 = arith.muli %scan3A_784, %mul3A_847 : i32
      %add3A_849 = arith.constant 5 : i32
      %add3A_850 = arith.addi %mul3A_848, %add3A_849 : i32
      %mul3A_851 = arith.constant 16 : i32
      %mul3A_852 = arith.muli %add3A_850, %mul3A_851 : i32
      %get3A_853 = arith.constant 0 : i32
      %get3A_854 = arith.index_cast %get3A_853 : i32 to index
      %get3A_855 = arith.index_cast %mul3A_852 : i32 to index
      %get3A_856 = tpu.vector_load %arg4[%get3A_854, %get3A_855] {strides = array<i32>} : memref<2x8192xf32, #tpu.memory_space<vmem>>, vector<16xf32>,
      %add3A_857 = arith.addf %scan3A_790, %get3A_856 : vector<16xf32>
      %mul3A_858 = arith.constant 8 : i32
      %mul3A_859 = arith.muli %scan3A_784, %mul3A_858 : i32
      %add3A_860 = arith.constant 6 : i32
      %add3A_861 = arith.addi %mul3A_859, %add3A_860 : i32
      %mul3A_862 = arith.constant 16 : i32
      %mul3A_863 = arith.muli %add3A_861, %mul3A_862 : i32
      %get3A_864 = arith.constant 0 : i32
      %get3A_865 = arith.index_cast %get3A_864 : i32 to index
      %get3A_866 = arith.index_cast %mul3A_863 : i32 to index
      %get3A_867 = tpu.vector_load %arg4[%get3A_865, %get3A_866] {strides = array<i32>} : memref<2x8192xf32, #tpu.memory_space<vmem>>, vector<16xf32>,
      %add3A_868 = arith.addf %scan3A_791, %get3A_867 : vector<16xf32>
      %mul3A_869 = arith.constant 8 : i32
      %mul3A_870 = arith.muli %scan3A_784, %mul3A_869 : i32
      %add3A_871 = arith.constant 7 : i32
      %add3A_872 = arith.addi %mul3A_870, %add3A_871 : i32
      %mul3A_873 = arith.constant 16 : i32
      %mul3A_874 = arith.muli %add3A_872, %mul3A_873 : i32
      %get3A_875 = arith.constant 0 : i32
      %get3A_876 = arith.index_cast %get3A_875 : i32 to index
      %get3A_877 = arith.index_cast %mul3A_874 : i32 to index
      %get3A_878 = tpu.vector_load %arg4[%get3A_876, %get3A_877] {strides = array<i32>} : memref<2x8192xf32, #tpu.memory_space<vmem>>, vector<16xf32>,
      %add3A_879 = arith.addf %scan3A_792, %get3A_878 : vector<16xf32>
      scf.yield %add3A_802, %add3A_813, %add3A_824, %add3A_835, %add3A_846, %add3A_857, %add3A_868, %add3A_879 : vector<16xf32>, vector<16xf32>, vector<16xf32>, vector<16xf32>, vector<16xf32>, vector<16xf32>, vector<16xf32>, vector<16xf32>
    }
    %scan3A_67 = arith.constant 64 : i32
    %add3A_68 = arith.addf %scan3A_66#0, %scan3A_66#1 : vector<16xf32>
    %add3A_69 = arith.addf %scan3A_66#2, %scan3A_66#3 : vector<16xf32>
    %add3A_70 = arith.addf %add3A_68, %add3A_69 : vector<16xf32>
    %add3A_71 = arith.addf %scan3A_66#4, %scan3A_66#5 : vector<16xf32>
    %add3A_72 = arith.addf %scan3A_66#6, %scan3A_66#7 : vector<16xf32>
    %add3A_73 = arith.addf %add3A_71, %add3A_72 : vector<16xf32>
    %add3A_74 = arith.addf %add3A_70, %add3A_73 : vector<16xf32>
    %swap3A = arith.constant 0 : index
    %swap3A_75 = tpu.vector_load %arg6[%swap3A] {strides = array<i32>} : memref<16xf32, #tpu.memory_space<vmem>>, vector<16xf32>,
    tpu.vector_store %arg6[%swap3A], %add3A_74 {strides = array<i32>} : memref<16xf32, #tpu.memory_space<vmem>>, vector<16xf32>,
    %xor3A = arith.constant 8 : i32
    %xor3A_76 = vector.broadcast %xor3A : i32 to vector<16xi32>
    %xor3A_77 = arith.xori %iota3A, %xor3A_76 : vector<16xi32>
    %gather3A = tpu.vector_load_idx %arg6[%xor3A_77] : memref<16xf32, #tpu.memory_space<vmem>>[vector<16xi32>], vector<16xf32>,
    %add3A_78 = arith.addf %add3A_74, %gather3A : vector<16xf32>
    %swap3A_79 = arith.constant 0 : index
    %swap3A_80 = tpu.vector_load %arg6[%swap3A_79] {strides = array<i32>} : memref<16xf32, #tpu.memory_space<vmem>>, vector<16xf32>,
    tpu.vector_store %arg6[%swap3A_79], %add3A_78 {strides = array<i32>} : memref<16xf32, #tpu.memory_space<vmem>>, vector<16xf32>,
    %xor3A_81 = arith.constant 4 : i32
    %xor3A_82 = vector.broadcast %xor3A_81 : i32 to vector<16xi32>
    %xor3A_83 = arith.xori %iota3A, %xor3A_82 : vector<16xi32>
    %gather3A_84 = tpu.vector_load_idx %arg6[%xor3A_83] : memref<16xf32, #tpu.memory_space<vmem>>[vector<16xi32>], vector<16xf32>,
    %add3A_85 = arith.addf %add3A_78, %gather3A_84 : vector<16xf32>
    %swap3A_86 = arith.constant 0 : index
    %swap3A_87 = tpu.vector_load %arg6[%swap3A_86] {strides = array<i32>} : memref<16xf32, #tpu.memory_space<vmem>>, vector<16xf32>,
    tpu.vector_store %arg6[%swap3A_86], %add3A_85 {strides = array<i32>} : memref<16xf32, #tpu.memory_space<vmem>>, vector<16xf32>,
    %xor3A_88 = arith.constant 2 : i32
    %xor3A_89 = vector.broadcast %xor3A_88 : i32 to vector<16xi32>
    %xor3A_90 = arith.xori %iota3A, %xor3A_89 : vector<16xi32>
    %gather3A_91 = tpu.vector_load_idx %arg6[%xor3A_90] : memref<16xf32, #tpu.memory_space<vmem>>[vector<16xi32>], vector<16xf32>,
    %add3A_92 = arith.addf %add3A_85, %gather3A_91 : vector<16xf32>
    %swap3A_93 = arith.constant 0 : index
    %swap3A_94 = tpu.vector_load %arg6[%swap3A_93] {strides = array<i32>} : memref<16xf32, #tpu.memory_space<vmem>>, vector<16xf32>,
    tpu.vector_store %arg6[%swap3A_93], %add3A_92 {strides = array<i32>} : memref<16xf32, #tpu.memory_space<vmem>>, vector<16xf32>,
    %xor3A_95 = arith.constant 1 : i32
    %xor3A_96 = vector.broadcast %xor3A_95 : i32 to vector<16xi32>
    %xor3A_97 = arith.xori %iota3A, %xor3A_96 : vector<16xi32>
    %gather3A_98 = tpu.vector_load_idx %arg6[%xor3A_97] : memref<16xf32, #tpu.memory_space<vmem>>[vector<16xi32>], vector<16xf32>,
    %add3A_99 = arith.addf %add3A_92, %gather3A_98 : vector<16xf32>
    %add3A_100 = arith.constant 8.192000e+03 : f32
    %add3A_101 = vector.broadcast %add3A_100 : f32 to vector<16xf32>
    %add3A_102 = arith.addf %add3A_99, %add3A_101 : vector<16xf32>
    %mul3A_103 = arith.constant 5.000000e-01 : f32
    %mul3A_104 = vector.broadcast %mul3A_103 : f32 to vector<16xf32>
    %mul3A_105 = arith.mulf %add3A_102, %mul3A_104 : vector<16xf32>
    %eq3A = arith.constant 0 : i32
    %eq3A_106 = vector.broadcast %eq3A : i32 to vector<16xi32>
    %eq3A_107 = arith.cmpi eq, %iota3A, %eq3A_106 : vector<16xi32>
    %select_n3A = arith.select %eq3A_107, %mul3A_105, %broadcast_in_dim3A_1 : vector<16xi1>, vector<16xf32>
    %dma_wait3A_108 = arith.constant 1 : i32
    %dma_wait3A_109 = arith.constant 0 : i32
    %dma_wait3A_110 = tpu.memref_slice %arg4[%dma_wait3A_108, %dma_wait3A_109] : memref<2x8192xf32, #tpu.memory_space<vmem>> -> memref<1x8192xf32, #tpu.memory_space<vmem>>
    %dma_wait3A_111 = tpu.memref_squeeze %dma_wait3A_110 : memref<1x8192xf32, #tpu.memory_space<vmem>> -> memref<8192xf32, #tpu.memory_space<vmem>>
    %dma_wait3A_112 = arith.constant 0 : i32
    %dma_wait3A_113 = tpu.memref_slice %arg2[%add3A_33, %dma_wait3A_112] : memref<256x8192xf32, #tpu.memory_space<hbm>> -> memref<1x8192xf32, #tpu.memory_space<hbm>>
    %dma_wait3A_114 = tpu.memref_squeeze %dma_wait3A_113 : memref<1x8192xf32, #tpu.memory_space<hbm>> -> memref<8192xf32, #tpu.memory_space<hbm>>
    %dma_wait3A_115 = arith.constant 0 : i32
    %dma_wait3A_116 = tpu.memref_slice %arg4[%dma_wait3A_108, %dma_wait3A_115] : memref<2x8192xf32, #tpu.memory_space<vmem>> -> memref<1x8192xf32, #tpu.memory_space<vmem>>
    %dma_wait3A_117 = tpu.memref_squeeze %dma_wait3A_116 : memref<1x8192xf32, #tpu.memory_space<vmem>> -> memref<8192xf32, #tpu.memory_space<vmem>>
    %dma_wait3A_118 = arith.constant 0 : i32
    %dma_wait3A_119 = tpu.memref_slice %arg2[%add3A_33, %dma_wait3A_118] : memref<256x8192xf32, #tpu.memory_space<hbm>> -> memref<1x8192xf32, #tpu.memory_space<hbm>>
    %dma_wait3A_120 = tpu.memref_squeeze %dma_wait3A_119 : memref<1x8192xf32, #tpu.memory_space<hbm>> -> memref<8192xf32, #tpu.memory_space<hbm>>
    tpu.wait_dma2 semaphore(%arg8 : memref<!tpu.dma_semaphore, #tpu.memory_space<semaphore_mem>>) src(%dma_wait3A_120 : memref<8192xf32, #tpu.memory_space<hbm>>) dst(%dma_wait3A_117 : memref<8192xf32, #tpu.memory_space<vmem>>)
    %mul3A_121 = arith.constant 8 : i32
    %mul3A_122 = arith.muli %add3A, %mul3A_121 : i32
    %add3A_123 = arith.constant 1 : i32
    %add3A_124 = arith.addi %mul3A_122, %add3A_123 : i32
    %add3A_125 = arith.constant 1 : i32
    %add3A_126 = arith.addi %add3A_124, %add3A_125 : i32
    %dma_start3A_127 = arith.constant 0 : i32
    %dma_start3A_128 = arith.constant 0 : i32
    %dma_start3A_129 = tpu.memref_slice %arg4[%dma_start3A_127, %dma_start3A_128] : memref<2x8192xf32, #tpu.memory_space<vmem>> -> memref<1x8192xf32, #tpu.memory_space<vmem>>
    %dma_start3A_130 = tpu.memref_squeeze %dma_start3A_129 : memref<1x8192xf32, #tpu.memory_space<vmem>> -> memref<8192xf32, #tpu.memory_space<vmem>>
    %dma_start3A_131 = arith.constant 0 : i32
    %dma_start3A_132 = tpu.memref_slice %arg2[%add3A_126, %dma_start3A_131] : memref<256x8192xf32, #tpu.memory_space<hbm>> -> memref<1x8192xf32, #tpu.memory_space<hbm>>
    %dma_start3A_133 = tpu.memref_squeeze %dma_start3A_132 : memref<1x8192xf32, #tpu.memory_space<hbm>> -> memref<8192xf32, #tpu.memory_space<hbm>>
    %dma_start3A_134 = arith.constant 0 : i32
    %dma_start3A_135 = tpu.memref_slice %arg4[%dma_start3A_127, %dma_start3A_134] : memref<2x8192xf32, #tpu.memory_space<vmem>> -> memref<1x8192xf32, #tpu.memory_space<vmem>>
    %dma_start3A_136 = tpu.memref_squeeze %dma_start3A_135 : memref<1x8192xf32, #tpu.memory_space<vmem>> -> memref<8192xf32, #tpu.memory_space<vmem>>
    %dma_start3A_137 = arith.constant 0 : i32
    %dma_start3A_138 = tpu.memref_slice %arg2[%add3A_126, %dma_start3A_137] : memref<256x8192xf32, #tpu.memory_space<hbm>> -> memref<1x8192xf32, #tpu.memory_space<hbm>>
    %dma_start3A_139 = tpu.memref_squeeze %dma_start3A_138 : memref<1x8192xf32, #tpu.memory_space<hbm>> -> memref<8192xf32, #tpu.memory_space<hbm>>
    tpu.enqueue_dma source(%dma_start3A_139 : memref<8192xf32, #tpu.memory_space<hbm>>) target(%dma_start3A_136 : memref<8192xf32, #tpu.memory_space<vmem>>) target_semaphore(%arg7 : memref<!tpu.dma_semaphore, #tpu.memory_space<semaphore_mem>>)
    %broadcast_in_dim3A_140 = arith.constant 0.000000e+00 : f32
    %broadcast_in_dim3A_141 = vector.broadcast %broadcast_in_dim3A_140 : f32 to vector<16xf32>
    %broadcast_in_dim3A_142 = arith.constant 0.000000e+00 : f32
    %broadcast_in_dim3A_143 = vector.broadcast %broadcast_in_dim3A_142 : f32 to vector<16xf32>
    %broadcast_in_dim3A_144 = arith.constant 0.000000e+00 : f32
    %broadcast_in_dim3A_145 = vector.broadcast %broadcast_in_dim3A_144 : f32 to vector<16xf32>
    %broadcast_in_dim3A_146 = arith.constant 0.000000e+00 : f32
    %broadcast_in_dim3A_147 = vector.broadcast %broadcast_in_dim3A_146 : f32 to vector<16xf32>
    %broadcast_in_dim3A_148 = arith.constant 0.000000e+00 : f32
    %broadcast_in_dim3A_149 = vector.broadcast %broadcast_in_dim3A_148 : f32 to vector<16xf32>
    %broadcast_in_dim3A_150 = arith.constant 0.000000e+00 : f32
    %broadcast_in_dim3A_151 = vector.broadcast %broadcast_in_dim3A_150 : f32 to vector<16xf32>
    %broadcast_in_dim3A_152 = arith.constant 0.000000e+00 : f32
    %broadcast_in_dim3A_153 = vector.broadcast %broadcast_in_dim3A_152 : f32 to vector<16xf32>
    %broadcast_in_dim3A_154 = arith.constant 0.000000e+00 : f32
    %broadcast_in_dim3A_155 = vector.broadcast %broadcast_in_dim3A_154 : f32 to vector<16xf32>
    %scan3A_156 = arith.constant 0 : i32
    %scan3A_157 = arith.constant 64 : i32
    %scan3A_158 = arith.addi %scan3A_156, %scan3A_157 : i32
    %scan3A_159 = arith.constant 1 : i32
    %scan3A_160:8 = scf.for %scan3A_784 = %scan3A_156 to %scan3A_158 step %scan3A_159 iter_args(%scan3A_785 = %broadcast_in_dim3A_141, %scan3A_786 = %broadcast_in_dim3A_143, %scan3A_787 = %broadcast_in_dim3A_145, %scan3A_788 = %broadcast_in_dim3A_147, %scan3A_789 = %broadcast_in_dim3A_149, %scan3A_790 = %broadcast_in_dim3A_151, %scan3A_791 = %broadcast_in_dim3A_153, %scan3A_792 = %broadcast_in_dim3A_155) -> (vector<16xf32>, vector<16xf32>, vector<16xf32>, vector<16xf32>, vector<16xf32>, vector<16xf32>, vector<16xf32>, vector<16xf32>)  : i32 {
      %mul3A_793 = arith.constant 8 : i32
      %mul3A_794 = arith.muli %scan3A_784, %mul3A_793 : i32
      %add3A_795 = arith.constant 0 : i32
      %add3A_796 = arith.addi %mul3A_794, %add3A_795 : i32
      %mul3A_797 = arith.constant 16 : i32
      %mul3A_798 = arith.muli %add3A_796, %mul3A_797 : i32
      %get3A = arith.constant 1 : i32
      %get3A_799 = arith.index_cast %get3A : i32 to index
      %get3A_800 = arith.index_cast %mul3A_798 : i32 to index
      %get3A_801 = tpu.vector_load %arg4[%get3A_799, %get3A_800] {strides = array<i32>} : memref<2x8192xf32, #tpu.memory_space<vmem>>, vector<16xf32>,
      %add3A_802 = arith.addf %scan3A_785, %get3A_801 : vector<16xf32>
      %mul3A_803 = arith.constant 8 : i32
      %mul3A_804 = arith.muli %scan3A_784, %mul3A_803 : i32
      %add3A_805 = arith.constant 1 : i32
      %add3A_806 = arith.addi %mul3A_804, %add3A_805 : i32
      %mul3A_807 = arith.constant 16 : i32
      %mul3A_808 = arith.muli %add3A_806, %mul3A_807 : i32
      %get3A_809 = arith.constant 1 : i32
      %get3A_810 = arith.index_cast %get3A_809 : i32 to index
      %get3A_811 = arith.index_cast %mul3A_808 : i32 to index
      %get3A_812 = tpu.vector_load %arg4[%get3A_810, %get3A_811] {strides = array<i32>} : memref<2x8192xf32, #tpu.memory_space<vmem>>, vector<16xf32>,
      %add3A_813 = arith.addf %scan3A_786, %get3A_812 : vector<16xf32>
      %mul3A_814 = arith.constant 8 : i32
      %mul3A_815 = arith.muli %scan3A_784, %mul3A_814 : i32
      %add3A_816 = arith.constant 2 : i32
      %add3A_817 = arith.addi %mul3A_815, %add3A_816 : i32
      %mul3A_818 = arith.constant 16 : i32
      %mul3A_819 = arith.muli %add3A_817, %mul3A_818 : i32
      %get3A_820 = arith.constant 1 : i32
      %get3A_821 = arith.index_cast %get3A_820 : i32 to index
      %get3A_822 = arith.index_cast %mul3A_819 : i32 to index
      %get3A_823 = tpu.vector_load %arg4[%get3A_821, %get3A_822] {strides = array<i32>} : memref<2x8192xf32, #tpu.memory_space<vmem>>, vector<16xf32>,
      %add3A_824 = arith.addf %scan3A_787, %get3A_823 : vector<16xf32>
      %mul3A_825 = arith.constant 8 : i32
      %mul3A_826 = arith.muli %scan3A_784, %mul3A_825 : i32
      %add3A_827 = arith.constant 3 : i32
      %add3A_828 = arith.addi %mul3A_826, %add3A_827 : i32
      %mul3A_829 = arith.constant 16 : i32
      %mul3A_830 = arith.muli %add3A_828, %mul3A_829 : i32
      %get3A_831 = arith.constant 1 : i32
      %get3A_832 = arith.index_cast %get3A_831 : i32 to index
      %get3A_833 = arith.index_cast %mul3A_830 : i32 to index
      %get3A_834 = tpu.vector_load %arg4[%get3A_832, %get3A_833] {strides = array<i32>} : memref<2x8192xf32, #tpu.memory_space<vmem>>, vector<16xf32>,
      %add3A_835 = arith.addf %scan3A_788, %get3A_834 : vector<16xf32>
      %mul3A_836 = arith.constant 8 : i32
      %mul3A_837 = arith.muli %scan3A_784, %mul3A_836 : i32
      %add3A_838 = arith.constant 4 : i32
      %add3A_839 = arith.addi %mul3A_837, %add3A_838 : i32
      %mul3A_840 = arith.constant 16 : i32
      %mul3A_841 = arith.muli %add3A_839, %mul3A_840 : i32
      %get3A_842 = arith.constant 1 : i32
      %get3A_843 = arith.index_cast %get3A_842 : i32 to index
      %get3A_844 = arith.index_cast %mul3A_841 : i32 to index
      %get3A_845 = tpu.vector_load %arg4[%get3A_843, %get3A_844] {strides = array<i32>} : memref<2x8192xf32, #tpu.memory_space<vmem>>, vector<16xf32>,
      %add3A_846 = arith.addf %scan3A_789, %get3A_845 : vector<16xf32>
      %mul3A_847 = arith.constant 8 : i32
      %mul3A_848 = arith.muli %scan3A_784, %mul3A_847 : i32
      %add3A_849 = arith.constant 5 : i32
      %add3A_850 = arith.addi %mul3A_848, %add3A_849 : i32
      %mul3A_851 = arith.constant 16 : i32
      %mul3A_852 = arith.muli %add3A_850, %mul3A_851 : i32
      %get3A_853 = arith.constant 1 : i32
      %get3A_854 = arith.index_cast %get3A_853 : i32 to index
      %get3A_855 = arith.index_cast %mul3A_852 : i32 to index
      %get3A_856 = tpu.vector_load %arg4[%get3A_854, %get3A_855] {strides = array<i32>} : memref<2x8192xf32, #tpu.memory_space<vmem>>, vector<16xf32>,
      %add3A_857 = arith.addf %scan3A_790, %get3A_856 : vector<16xf32>
      %mul3A_858 = arith.constant 8 : i32
      %mul3A_859 = arith.muli %scan3A_784, %mul3A_858 : i32
      %add3A_860 = arith.constant 6 : i32
      %add3A_861 = arith.addi %mul3A_859, %add3A_860 : i32
      %mul3A_862 = arith.constant 16 : i32
      %mul3A_863 = arith.muli %add3A_861, %mul3A_862 : i32
      %get3A_864 = arith.constant 1 : i32
      %get3A_865 = arith.index_cast %get3A_864 : i32 to index
      %get3A_866 = arith.index_cast %mul3A_863 : i32 to index
      %get3A_867 = tpu.vector_load %arg4[%get3A_865, %get3A_866] {strides = array<i32>} : memref<2x8192xf32, #tpu.memory_space<vmem>>, vector<16xf32>,
      %add3A_868 = arith.addf %scan3A_791, %get3A_867 : vector<16xf32>
      %mul3A_869 = arith.constant 8 : i32
      %mul3A_870 = arith.muli %scan3A_784, %mul3A_869 : i32
      %add3A_871 = arith.constant 7 : i32
      %add3A_872 = arith.addi %mul3A_870, %add3A_871 : i32
      %mul3A_873 = arith.constant 16 : i32
      %mul3A_874 = arith.muli %add3A_872, %mul3A_873 : i32
      %get3A_875 = arith.constant 1 : i32
      %get3A_876 = arith.index_cast %get3A_875 : i32 to index
      %get3A_877 = arith.index_cast %mul3A_874 : i32 to index
      %get3A_878 = tpu.vector_load %arg4[%get3A_876, %get3A_877] {strides = array<i32>} : memref<2x8192xf32, #tpu.memory_space<vmem>>, vector<16xf32>,
      %add3A_879 = arith.addf %scan3A_792, %get3A_878 : vector<16xf32>
      scf.yield %add3A_802, %add3A_813, %add3A_824, %add3A_835, %add3A_846, %add3A_857, %add3A_868, %add3A_879 : vector<16xf32>, vector<16xf32>, vector<16xf32>, vector<16xf32>, vector<16xf32>, vector<16xf32>, vector<16xf32>, vector<16xf32>
    }
    %scan3A_161 = arith.constant 64 : i32
    %add3A_162 = arith.addf %scan3A_160#0, %scan3A_160#1 : vector<16xf32>
    %add3A_163 = arith.addf %scan3A_160#2, %scan3A_160#3 : vector<16xf32>
    %add3A_164 = arith.addf %add3A_162, %add3A_163 : vector<16xf32>
    %add3A_165 = arith.addf %scan3A_160#4, %scan3A_160#5 : vector<16xf32>
    %add3A_166 = arith.addf %scan3A_160#6, %scan3A_160#7 : vector<16xf32>
    %add3A_167 = arith.addf %add3A_165, %add3A_166 : vector<16xf32>
    %add3A_168 = arith.addf %add3A_164, %add3A_167 : vector<16xf32>
    %swap3A_169 = arith.constant 0 : index
    %swap3A_170 = tpu.vector_load %arg6[%swap3A_169] {strides = array<i32>} : memref<16xf32, #tpu.memory_space<vmem>>, vector<16xf32>,
    tpu.vector_store %arg6[%swap3A_169], %add3A_168 {strides = array<i32>} : memref<16xf32, #tpu.memory_space<vmem>>, vector<16xf32>,
    %xor3A_171 = arith.constant 8 : i32
    %xor3A_172 = vector.broadcast %xor3A_171 : i32 to vector<16xi32>
    %xor3A_173 = arith.xori %iota3A, %xor3A_172 : vector<16xi32>
    %gather3A_174 = tpu.vector_load_idx %arg6[%xor3A_173] : memref<16xf32, #tpu.memory_space<vmem>>[vector<16xi32>], vector<16xf32>,
    %add3A_175 = arith.addf %add3A_168, %gather3A_174 : vector<16xf32>
    %swap3A_176 = arith.constant 0 : index
    %swap3A_177 = tpu.vector_load %arg6[%swap3A_176] {strides = array<i32>} : memref<16xf32, #tpu.memory_space<vmem>>, vector<16xf32>,
    tpu.vector_store %arg6[%swap3A_176], %add3A_175 {strides = array<i32>} : memref<16xf32, #tpu.memory_space<vmem>>, vector<16xf32>,
    %xor3A_178 = arith.constant 4 : i32
    %xor3A_179 = vector.broadcast %xor3A_178 : i32 to vector<16xi32>
    %xor3A_180 = arith.xori %iota3A, %xor3A_179 : vector<16xi32>
    %gather3A_181 = tpu.vector_load_idx %arg6[%xor3A_180] : memref<16xf32, #tpu.memory_space<vmem>>[vector<16xi32>], vector<16xf32>,
    %add3A_182 = arith.addf %add3A_175, %gather3A_181 : vector<16xf32>
    %swap3A_183 = arith.constant 0 : index
    %swap3A_184 = tpu.vector_load %arg6[%swap3A_183] {strides = array<i32>} : memref<16xf32, #tpu.memory_space<vmem>>, vector<16xf32>,
    tpu.vector_store %arg6[%swap3A_183], %add3A_182 {strides = array<i32>} : memref<16xf32, #tpu.memory_space<vmem>>, vector<16xf32>,
    %xor3A_185 = arith.constant 2 : i32
    %xor3A_186 = vector.broadcast %xor3A_185 : i32 to vector<16xi32>
    %xor3A_187 = arith.xori %iota3A, %xor3A_186 : vector<16xi32>
    %gather3A_188 = tpu.vector_load_idx %arg6[%xor3A_187] : memref<16xf32, #tpu.memory_space<vmem>>[vector<16xi32>], vector<16xf32>,
    %add3A_189 = arith.addf %add3A_182, %gather3A_188 : vector<16xf32>
    %swap3A_190 = arith.constant 0 : index
    %swap3A_191 = tpu.vector_load %arg6[%swap3A_190] {strides = array<i32>} : memref<16xf32, #tpu.memory_space<vmem>>, vector<16xf32>,
    tpu.vector_store %arg6[%swap3A_190], %add3A_189 {strides = array<i32>} : memref<16xf32, #tpu.memory_space<vmem>>, vector<16xf32>,
    %xor3A_192 = arith.constant 1 : i32
    %xor3A_193 = vector.broadcast %xor3A_192 : i32 to vector<16xi32>
    %xor3A_194 = arith.xori %iota3A, %xor3A_193 : vector<16xi32>
    %gather3A_195 = tpu.vector_load_idx %arg6[%xor3A_194] : memref<16xf32, #tpu.memory_space<vmem>>[vector<16xi32>], vector<16xf32>,
    %add3A_196 = arith.addf %add3A_189, %gather3A_195 : vector<16xf32>
    %add3A_197 = arith.constant 8.192000e+03 : f32
    %add3A_198 = vector.broadcast %add3A_197 : f32 to vector<16xf32>
    %add3A_199 = arith.addf %add3A_196, %add3A_198 : vector<16xf32>
    %mul3A_200 = arith.constant 5.000000e-01 : f32
    %mul3A_201 = vector.broadcast %mul3A_200 : f32 to vector<16xf32>
    %mul3A_202 = arith.mulf %add3A_199, %mul3A_201 : vector<16xf32>
    %eq3A_203 = arith.constant 1 : i32
    %eq3A_204 = vector.broadcast %eq3A_203 : i32 to vector<16xi32>
    %eq3A_205 = arith.cmpi eq, %iota3A, %eq3A_204 : vector<16xi32>
    %select_n3A_206 = arith.select %eq3A_205, %mul3A_202, %select_n3A : vector<16xi1>, vector<16xf32>
    %dma_wait3A_207 = arith.constant 0 : i32
    %dma_wait3A_208 = arith.constant 0 : i32
    %dma_wait3A_209 = tpu.memref_slice %arg4[%dma_wait3A_207, %dma_wait3A_208] : memref<2x8192xf32, #tpu.memory_space<vmem>> -> memref<1x8192xf32, #tpu.memory_space<vmem>>
    %dma_wait3A_210 = tpu.memref_squeeze %dma_wait3A_209 : memref<1x8192xf32, #tpu.memory_space<vmem>> -> memref<8192xf32, #tpu.memory_space<vmem>>
    %dma_wait3A_211 = arith.constant 0 : i32
    %dma_wait3A_212 = tpu.memref_slice %arg2[%add3A_126, %dma_wait3A_211] : memref<256x8192xf32, #tpu.memory_space<hbm>> -> memref<1x8192xf32, #tpu.memory_space<hbm>>
    %dma_wait3A_213 = tpu.memref_squeeze %dma_wait3A_212 : memref<1x8192xf32, #tpu.memory_space<hbm>> -> memref<8192xf32, #tpu.memory_space<hbm>>
    %dma_wait3A_214 = arith.constant 0 : i32
    %dma_wait3A_215 = tpu.memref_slice %arg4[%dma_wait3A_207, %dma_wait3A_214] : memref<2x8192xf32, #tpu.memory_space<vmem>> -> memref<1x8192xf32, #tpu.memory_space<vmem>>
    %dma_wait3A_216 = tpu.memref_squeeze %dma_wait3A_215 : memref<1x8192xf32, #tpu.memory_space<vmem>> -> memref<8192xf32, #tpu.memory_space<vmem>>
    %dma_wait3A_217 = arith.constant 0 : i32
    %dma_wait3A_218 = tpu.memref_slice %arg2[%add3A_126, %dma_wait3A_217] : memref<256x8192xf32, #tpu.memory_space<hbm>> -> memref<1x8192xf32, #tpu.memory_space<hbm>>
    %dma_wait3A_219 = tpu.memref_squeeze %dma_wait3A_218 : memref<1x8192xf32, #tpu.memory_space<hbm>> -> memref<8192xf32, #tpu.memory_space<hbm>>
    tpu.wait_dma2 semaphore(%arg7 : memref<!tpu.dma_semaphore, #tpu.memory_space<semaphore_mem>>) src(%dma_wait3A_219 : memref<8192xf32, #tpu.memory_space<hbm>>) dst(%dma_wait3A_216 : memref<8192xf32, #tpu.memory_space<vmem>>)
    %mul3A_220 = arith.constant 8 : i32
    %mul3A_221 = arith.muli %add3A, %mul3A_220 : i32
    %add3A_222 = arith.constant 2 : i32
    %add3A_223 = arith.addi %mul3A_221, %add3A_222 : i32
    %add3A_224 = arith.constant 1 : i32
    %add3A_225 = arith.addi %add3A_223, %add3A_224 : i32
    %dma_start3A_226 = arith.constant 1 : i32
    %dma_start3A_227 = arith.constant 0 : i32
    %dma_start3A_228 = tpu.memref_slice %arg4[%dma_start3A_226, %dma_start3A_227] : memref<2x8192xf32, #tpu.memory_space<vmem>> -> memref<1x8192xf32, #tpu.memory_space<vmem>>
    %dma_start3A_229 = tpu.memref_squeeze %dma_start3A_228 : memref<1x8192xf32, #tpu.memory_space<vmem>> -> memref<8192xf32, #tpu.memory_space<vmem>>
    %dma_start3A_230 = arith.constant 0 : i32
    %dma_start3A_231 = tpu.memref_slice %arg2[%add3A_225, %dma_start3A_230] : memref<256x8192xf32, #tpu.memory_space<hbm>> -> memref<1x8192xf32, #tpu.memory_space<hbm>>
    %dma_start3A_232 = tpu.memref_squeeze %dma_start3A_231 : memref<1x8192xf32, #tpu.memory_space<hbm>> -> memref<8192xf32, #tpu.memory_space<hbm>>
    %dma_start3A_233 = arith.constant 0 : i32
    %dma_start3A_234 = tpu.memref_slice %arg4[%dma_start3A_226, %dma_start3A_233] : memref<2x8192xf32, #tpu.memory_space<vmem>> -> memref<1x8192xf32, #tpu.memory_space<vmem>>
    %dma_start3A_235 = tpu.memref_squeeze %dma_start3A_234 : memref<1x8192xf32, #tpu.memory_space<vmem>> -> memref<8192xf32, #tpu.memory_space<vmem>>
    %dma_start3A_236 = arith.constant 0 : i32
    %dma_start3A_237 = tpu.memref_slice %arg2[%add3A_225, %dma_start3A_236] : memref<256x8192xf32, #tpu.memory_space<hbm>> -> memref<1x8192xf32, #tpu.memory_space<hbm>>
    %dma_start3A_238 = tpu.memref_squeeze %dma_start3A_237 : memref<1x8192xf32, #tpu.memory_space<hbm>> -> memref<8192xf32, #tpu.memory_space<hbm>>
    tpu.enqueue_dma source(%dma_start3A_238 : memref<8192xf32, #tpu.memory_space<hbm>>) target(%dma_start3A_235 : memref<8192xf32, #tpu.memory_space<vmem>>) target_semaphore(%arg8 : memref<!tpu.dma_semaphore, #tpu.memory_space<semaphore_mem>>)
    %broadcast_in_dim3A_239 = arith.constant 0.000000e+00 : f32
    %broadcast_in_dim3A_240 = vector.broadcast %broadcast_in_dim3A_239 : f32 to vector<16xf32>
    %broadcast_in_dim3A_241 = arith.constant 0.000000e+00 : f32
    %broadcast_in_dim3A_242 = vector.broadcast %broadcast_in_dim3A_241 : f32 to vector<16xf32>
    %broadcast_in_dim3A_243 = arith.constant 0.000000e+00 : f32
    %broadcast_in_dim3A_244 = vector.broadcast %broadcast_in_dim3A_243 : f32 to vector<16xf32>
    %broadcast_in_dim3A_245 = arith.constant 0.000000e+00 : f32
    %broadcast_in_dim3A_246 = vector.broadcast %broadcast_in_dim3A_245 : f32 to vector<16xf32>
    %broadcast_in_dim3A_247 = arith.constant 0.000000e+00 : f32
    %broadcast_in_dim3A_248 = vector.broadcast %broadcast_in_dim3A_247 : f32 to vector<16xf32>
    %broadcast_in_dim3A_249 = arith.constant 0.000000e+00 : f32
    %broadcast_in_dim3A_250 = vector.broadcast %broadcast_in_dim3A_249 : f32 to vector<16xf32>
    %broadcast_in_dim3A_251 = arith.constant 0.000000e+00 : f32
    %broadcast_in_dim3A_252 = vector.broadcast %broadcast_in_dim3A_251 : f32 to vector<16xf32>
    %broadcast_in_dim3A_253 = arith.constant 0.000000e+00 : f32
    %broadcast_in_dim3A_254 = vector.broadcast %broadcast_in_dim3A_253 : f32 to vector<16xf32>
    %scan3A_255 = arith.constant 0 : i32
    %scan3A_256 = arith.constant 64 : i32
    %scan3A_257 = arith.addi %scan3A_255, %scan3A_256 : i32
    %scan3A_258 = arith.constant 1 : i32
    %scan3A_259:8 = scf.for %scan3A_784 = %scan3A_255 to %scan3A_257 step %scan3A_258 iter_args(%scan3A_785 = %broadcast_in_dim3A_240, %scan3A_786 = %broadcast_in_dim3A_242, %scan3A_787 = %broadcast_in_dim3A_244, %scan3A_788 = %broadcast_in_dim3A_246, %scan3A_789 = %broadcast_in_dim3A_248, %scan3A_790 = %broadcast_in_dim3A_250, %scan3A_791 = %broadcast_in_dim3A_252, %scan3A_792 = %broadcast_in_dim3A_254) -> (vector<16xf32>, vector<16xf32>, vector<16xf32>, vector<16xf32>, vector<16xf32>, vector<16xf32>, vector<16xf32>, vector<16xf32>)  : i32 {
      %mul3A_793 = arith.constant 8 : i32
      %mul3A_794 = arith.muli %scan3A_784, %mul3A_793 : i32
      %add3A_795 = arith.constant 0 : i32
      %add3A_796 = arith.addi %mul3A_794, %add3A_795 : i32
      %mul3A_797 = arith.constant 16 : i32
      %mul3A_798 = arith.muli %add3A_796, %mul3A_797 : i32
      %get3A = arith.constant 0 : i32
      %get3A_799 = arith.index_cast %get3A : i32 to index
      %get3A_800 = arith.index_cast %mul3A_798 : i32 to index
      %get3A_801 = tpu.vector_load %arg4[%get3A_799, %get3A_800] {strides = array<i32>} : memref<2x8192xf32, #tpu.memory_space<vmem>>, vector<16xf32>,
      %add3A_802 = arith.addf %scan3A_785, %get3A_801 : vector<16xf32>
      %mul3A_803 = arith.constant 8 : i32
      %mul3A_804 = arith.muli %scan3A_784, %mul3A_803 : i32
      %add3A_805 = arith.constant 1 : i32
      %add3A_806 = arith.addi %mul3A_804, %add3A_805 : i32
      %mul3A_807 = arith.constant 16 : i32
      %mul3A_808 = arith.muli %add3A_806, %mul3A_807 : i32
      %get3A_809 = arith.constant 0 : i32
      %get3A_810 = arith.index_cast %get3A_809 : i32 to index
      %get3A_811 = arith.index_cast %mul3A_808 : i32 to index
      %get3A_812 = tpu.vector_load %arg4[%get3A_810, %get3A_811] {strides = array<i32>} : memref<2x8192xf32, #tpu.memory_space<vmem>>, vector<16xf32>,
      %add3A_813 = arith.addf %scan3A_786, %get3A_812 : vector<16xf32>
      %mul3A_814 = arith.constant 8 : i32
      %mul3A_815 = arith.muli %scan3A_784, %mul3A_814 : i32
      %add3A_816 = arith.constant 2 : i32
      %add3A_817 = arith.addi %mul3A_815, %add3A_816 : i32
      %mul3A_818 = arith.constant 16 : i32
      %mul3A_819 = arith.muli %add3A_817, %mul3A_818 : i32
      %get3A_820 = arith.constant 0 : i32
      %get3A_821 = arith.index_cast %get3A_820 : i32 to index
      %get3A_822 = arith.index_cast %mul3A_819 : i32 to index
      %get3A_823 = tpu.vector_load %arg4[%get3A_821, %get3A_822] {strides = array<i32>} : memref<2x8192xf32, #tpu.memory_space<vmem>>, vector<16xf32>,
      %add3A_824 = arith.addf %scan3A_787, %get3A_823 : vector<16xf32>
      %mul3A_825 = arith.constant 8 : i32
      %mul3A_826 = arith.muli %scan3A_784, %mul3A_825 : i32
      %add3A_827 = arith.constant 3 : i32
      %add3A_828 = arith.addi %mul3A_826, %add3A_827 : i32
      %mul3A_829 = arith.constant 16 : i32
      %mul3A_830 = arith.muli %add3A_828, %mul3A_829 : i32
      %get3A_831 = arith.constant 0 : i32
      %get3A_832 = arith.index_cast %get3A_831 : i32 to index
      %get3A_833 = arith.index_cast %mul3A_830 : i32 to index
      %get3A_834 = tpu.vector_load %arg4[%get3A_832, %get3A_833] {strides = array<i32>} : memref<2x8192xf32, #tpu.memory_space<vmem>>, vector<16xf32>,
      %add3A_835 = arith.addf %scan3A_788, %get3A_834 : vector<16xf32>
      %mul3A_836 = arith.constant 8 : i32
      %mul3A_837 = arith.muli %scan3A_784, %mul3A_836 : i32
      %add3A_838 = arith.constant 4 : i32
      %add3A_839 = arith.addi %mul3A_837, %add3A_838 : i32
      %mul3A_840 = arith.constant 16 : i32
      %mul3A_841 = arith.muli %add3A_839, %mul3A_840 : i32
      %get3A_842 = arith.constant 0 : i32
      %get3A_843 = arith.index_cast %get3A_842 : i32 to index
      %get3A_844 = arith.index_cast %mul3A_841 : i32 to index
      %get3A_845 = tpu.vector_load %arg4[%get3A_843, %get3A_844] {strides = array<i32>} : memref<2x8192xf32, #tpu.memory_space<vmem>>, vector<16xf32>,
      %add3A_846 = arith.addf %scan3A_789, %get3A_845 : vector<16xf32>
      %mul3A_847 = arith.constant 8 : i32
      %mul3A_848 = arith.muli %scan3A_784, %mul3A_847 : i32
      %add3A_849 = arith.constant 5 : i32
      %add3A_850 = arith.addi %mul3A_848, %add3A_849 : i32
      %mul3A_851 = arith.constant 16 : i32
      %mul3A_852 = arith.muli %add3A_850, %mul3A_851 : i32
      %get3A_853 = arith.constant 0 : i32
      %get3A_854 = arith.index_cast %get3A_853 : i32 to index
      %get3A_855 = arith.index_cast %mul3A_852 : i32 to index
      %get3A_856 = tpu.vector_load %arg4[%get3A_854, %get3A_855] {strides = array<i32>} : memref<2x8192xf32, #tpu.memory_space<vmem>>, vector<16xf32>,
      %add3A_857 = arith.addf %scan3A_790, %get3A_856 : vector<16xf32>
      %mul3A_858 = arith.constant 8 : i32
      %mul3A_859 = arith.muli %scan3A_784, %mul3A_858 : i32
      %add3A_860 = arith.constant 6 : i32
      %add3A_861 = arith.addi %mul3A_859, %add3A_860 : i32
      %mul3A_862 = arith.constant 16 : i32
      %mul3A_863 = arith.muli %add3A_861, %mul3A_862 : i32
      %get3A_864 = arith.constant 0 : i32
      %get3A_865 = arith.index_cast %get3A_864 : i32 to index
      %get3A_866 = arith.index_cast %mul3A_863 : i32 to index
      %get3A_867 = tpu.vector_load %arg4[%get3A_865, %get3A_866] {strides = array<i32>} : memref<2x8192xf32, #tpu.memory_space<vmem>>, vector<16xf32>,
      %add3A_868 = arith.addf %scan3A_791, %get3A_867 : vector<16xf32>
      %mul3A_869 = arith.constant 8 : i32
      %mul3A_870 = arith.muli %scan3A_784, %mul3A_869 : i32
      %add3A_871 = arith.constant 7 : i32
      %add3A_872 = arith.addi %mul3A_870, %add3A_871 : i32
      %mul3A_873 = arith.constant 16 : i32
      %mul3A_874 = arith.muli %add3A_872, %mul3A_873 : i32
      %get3A_875 = arith.constant 0 : i32
      %get3A_876 = arith.index_cast %get3A_875 : i32 to index
      %get3A_877 = arith.index_cast %mul3A_874 : i32 to index
      %get3A_878 = tpu.vector_load %arg4[%get3A_876, %get3A_877] {strides = array<i32>} : memref<2x8192xf32, #tpu.memory_space<vmem>>, vector<16xf32>,
      %add3A_879 = arith.addf %scan3A_792, %get3A_878 : vector<16xf32>
      scf.yield %add3A_802, %add3A_813, %add3A_824, %add3A_835, %add3A_846, %add3A_857, %add3A_868, %add3A_879 : vector<16xf32>, vector<16xf32>, vector<16xf32>, vector<16xf32>, vector<16xf32>, vector<16xf32>, vector<16xf32>, vector<16xf32>
    }
    %scan3A_260 = arith.constant 64 : i32
    %add3A_261 = arith.addf %scan3A_259#0, %scan3A_259#1 : vector<16xf32>
    %add3A_262 = arith.addf %scan3A_259#2, %scan3A_259#3 : vector<16xf32>
    %add3A_263 = arith.addf %add3A_261, %add3A_262 : vector<16xf32>
    %add3A_264 = arith.addf %scan3A_259#4, %scan3A_259#5 : vector<16xf32>
    %add3A_265 = arith.addf %scan3A_259#6, %scan3A_259#7 : vector<16xf32>
    %add3A_266 = arith.addf %add3A_264, %add3A_265 : vector<16xf32>
    %add3A_267 = arith.addf %add3A_263, %add3A_266 : vector<16xf32>
    %swap3A_268 = arith.constant 0 : index
    %swap3A_269 = tpu.vector_load %arg6[%swap3A_268] {strides = array<i32>} : memref<16xf32, #tpu.memory_space<vmem>>, vector<16xf32>,
    tpu.vector_store %arg6[%swap3A_268], %add3A_267 {strides = array<i32>} : memref<16xf32, #tpu.memory_space<vmem>>, vector<16xf32>,
    %xor3A_270 = arith.constant 8 : i32
    %xor3A_271 = vector.broadcast %xor3A_270 : i32 to vector<16xi32>
    %xor3A_272 = arith.xori %iota3A, %xor3A_271 : vector<16xi32>
    %gather3A_273 = tpu.vector_load_idx %arg6[%xor3A_272] : memref<16xf32, #tpu.memory_space<vmem>>[vector<16xi32>], vector<16xf32>,
    %add3A_274 = arith.addf %add3A_267, %gather3A_273 : vector<16xf32>
    %swap3A_275 = arith.constant 0 : index
    %swap3A_276 = tpu.vector_load %arg6[%swap3A_275] {strides = array<i32>} : memref<16xf32, #tpu.memory_space<vmem>>, vector<16xf32>,
    tpu.vector_store %arg6[%swap3A_275], %add3A_274 {strides = array<i32>} : memref<16xf32, #tpu.memory_space<vmem>>, vector<16xf32>,
    %xor3A_277 = arith.constant 4 : i32
    %xor3A_278 = vector.broadcast %xor3A_277 : i32 to vector<16xi32>
    %xor3A_279 = arith.xori %iota3A, %xor3A_278 : vector<16xi32>
    %gather3A_280 = tpu.vector_load_idx %arg6[%xor3A_279] : memref<16xf32, #tpu.memory_space<vmem>>[vector<16xi32>], vector<16xf32>,
    %add3A_281 = arith.addf %add3A_274, %gather3A_280 : vector<16xf32>
    %swap3A_282 = arith.constant 0 : index
    %swap3A_283 = tpu.vector_load %arg6[%swap3A_282] {strides = array<i32>} : memref<16xf32, #tpu.memory_space<vmem>>, vector<16xf32>,
    tpu.vector_store %arg6[%swap3A_282], %add3A_281 {strides = array<i32>} : memref<16xf32, #tpu.memory_space<vmem>>, vector<16xf32>,
    %xor3A_284 = arith.constant 2 : i32
    %xor3A_285 = vector.broadcast %xor3A_284 : i32 to vector<16xi32>
    %xor3A_286 = arith.xori %iota3A, %xor3A_285 : vector<16xi32>
    %gather3A_287 = tpu.vector_load_idx %arg6[%xor3A_286] : memref<16xf32, #tpu.memory_space<vmem>>[vector<16xi32>], vector<16xf32>,
    %add3A_288 = arith.addf %add3A_281, %gather3A_287 : vector<16xf32>
    %swap3A_289 = arith.constant 0 : index
    %swap3A_290 = tpu.vector_load %arg6[%swap3A_289] {strides = array<i32>} : memref<16xf32, #tpu.memory_space<vmem>>, vector<16xf32>,
    tpu.vector_store %arg6[%swap3A_289], %add3A_288 {strides = array<i32>} : memref<16xf32, #tpu.memory_space<vmem>>, vector<16xf32>,
    %xor3A_291 = arith.constant 1 : i32
    %xor3A_292 = vector.broadcast %xor3A_291 : i32 to vector<16xi32>
    %xor3A_293 = arith.xori %iota3A, %xor3A_292 : vector<16xi32>
    %gather3A_294 = tpu.vector_load_idx %arg6[%xor3A_293] : memref<16xf32, #tpu.memory_space<vmem>>[vector<16xi32>], vector<16xf32>,
    %add3A_295 = arith.addf %add3A_288, %gather3A_294 : vector<16xf32>
    %add3A_296 = arith.constant 8.192000e+03 : f32
    %add3A_297 = vector.broadcast %add3A_296 : f32 to vector<16xf32>
    %add3A_298 = arith.addf %add3A_295, %add3A_297 : vector<16xf32>
    %mul3A_299 = arith.constant 5.000000e-01 : f32
    %mul3A_300 = vector.broadcast %mul3A_299 : f32 to vector<16xf32>
    %mul3A_301 = arith.mulf %add3A_298, %mul3A_300 : vector<16xf32>
    %eq3A_302 = arith.constant 2 : i32
    %eq3A_303 = vector.broadcast %eq3A_302 : i32 to vector<16xi32>
    %eq3A_304 = arith.cmpi eq, %iota3A, %eq3A_303 : vector<16xi32>
    %select_n3A_305 = arith.select %eq3A_304, %mul3A_301, %select_n3A_206 : vector<16xi1>, vector<16xf32>
    %dma_wait3A_306 = arith.constant 1 : i32
    %dma_wait3A_307 = arith.constant 0 : i32
    %dma_wait3A_308 = tpu.memref_slice %arg4[%dma_wait3A_306, %dma_wait3A_307] : memref<2x8192xf32, #tpu.memory_space<vmem>> -> memref<1x8192xf32, #tpu.memory_space<vmem>>
    %dma_wait3A_309 = tpu.memref_squeeze %dma_wait3A_308 : memref<1x8192xf32, #tpu.memory_space<vmem>> -> memref<8192xf32, #tpu.memory_space<vmem>>
    %dma_wait3A_310 = arith.constant 0 : i32
    %dma_wait3A_311 = tpu.memref_slice %arg2[%add3A_225, %dma_wait3A_310] : memref<256x8192xf32, #tpu.memory_space<hbm>> -> memref<1x8192xf32, #tpu.memory_space<hbm>>
    %dma_wait3A_312 = tpu.memref_squeeze %dma_wait3A_311 : memref<1x8192xf32, #tpu.memory_space<hbm>> -> memref<8192xf32, #tpu.memory_space<hbm>>
    %dma_wait3A_313 = arith.constant 0 : i32
    %dma_wait3A_314 = tpu.memref_slice %arg4[%dma_wait3A_306, %dma_wait3A_313] : memref<2x8192xf32, #tpu.memory_space<vmem>> -> memref<1x8192xf32, #tpu.memory_space<vmem>>
    %dma_wait3A_315 = tpu.memref_squeeze %dma_wait3A_314 : memref<1x8192xf32, #tpu.memory_space<vmem>> -> memref<8192xf32, #tpu.memory_space<vmem>>
    %dma_wait3A_316 = arith.constant 0 : i32
    %dma_wait3A_317 = tpu.memref_slice %arg2[%add3A_225, %dma_wait3A_316] : memref<256x8192xf32, #tpu.memory_space<hbm>> -> memref<1x8192xf32, #tpu.memory_space<hbm>>
    %dma_wait3A_318 = tpu.memref_squeeze %dma_wait3A_317 : memref<1x8192xf32, #tpu.memory_space<hbm>> -> memref<8192xf32, #tpu.memory_space<hbm>>
    tpu.wait_dma2 semaphore(%arg8 : memref<!tpu.dma_semaphore, #tpu.memory_space<semaphore_mem>>) src(%dma_wait3A_318 : memref<8192xf32, #tpu.memory_space<hbm>>) dst(%dma_wait3A_315 : memref<8192xf32, #tpu.memory_space<vmem>>)
    %mul3A_319 = arith.constant 8 : i32
    %mul3A_320 = arith.muli %add3A, %mul3A_319 : i32
    %add3A_321 = arith.constant 3 : i32
    %add3A_322 = arith.addi %mul3A_320, %add3A_321 : i32
    %add3A_323 = arith.constant 1 : i32
    %add3A_324 = arith.addi %add3A_322, %add3A_323 : i32
    %dma_start3A_325 = arith.constant 0 : i32
    %dma_start3A_326 = arith.constant 0 : i32
    %dma_start3A_327 = tpu.memref_slice %arg4[%dma_start3A_325, %dma_start3A_326] : memref<2x8192xf32, #tpu.memory_space<vmem>> -> memref<1x8192xf32, #tpu.memory_space<vmem>>
    %dma_start3A_328 = tpu.memref_squeeze %dma_start3A_327 : memref<1x8192xf32, #tpu.memory_space<vmem>> -> memref<8192xf32, #tpu.memory_space<vmem>>
    %dma_start3A_329 = arith.constant 0 : i32
    %dma_start3A_330 = tpu.memref_slice %arg2[%add3A_324, %dma_start3A_329] : memref<256x8192xf32, #tpu.memory_space<hbm>> -> memref<1x8192xf32, #tpu.memory_space<hbm>>
    %dma_start3A_331 = tpu.memref_squeeze %dma_start3A_330 : memref<1x8192xf32, #tpu.memory_space<hbm>> -> memref<8192xf32, #tpu.memory_space<hbm>>
    %dma_start3A_332 = arith.constant 0 : i32
    %dma_start3A_333 = tpu.memref_slice %arg4[%dma_start3A_325, %dma_start3A_332] : memref<2x8192xf32, #tpu.memory_space<vmem>> -> memref<1x8192xf32, #tpu.memory_space<vmem>>
    %dma_start3A_334 = tpu.memref_squeeze %dma_start3A_333 : memref<1x8192xf32, #tpu.memory_space<vmem>> -> memref<8192xf32, #tpu.memory_space<vmem>>
    %dma_start3A_335 = arith.constant 0 : i32
    %dma_start3A_336 = tpu.memref_slice %arg2[%add3A_324, %dma_start3A_335] : memref<256x8192xf32, #tpu.memory_space<hbm>> -> memref<1x8192xf32, #tpu.memory_space<hbm>>
    %dma_start3A_337 = tpu.memref_squeeze %dma_start3A_336 : memref<1x8192xf32, #tpu.memory_space<hbm>> -> memref<8192xf32, #tpu.memory_space<hbm>>
    tpu.enqueue_dma source(%dma_start3A_337 : memref<8192xf32, #tpu.memory_space<hbm>>) target(%dma_start3A_334 : memref<8192xf32, #tpu.memory_space<vmem>>) target_semaphore(%arg7 : memref<!tpu.dma_semaphore, #tpu.memory_space<semaphore_mem>>)
    %broadcast_in_dim3A_338 = arith.constant 0.000000e+00 : f32
    %broadcast_in_dim3A_339 = vector.broadcast %broadcast_in_dim3A_338 : f32 to vector<16xf32>
    %broadcast_in_dim3A_340 = arith.constant 0.000000e+00 : f32
    %broadcast_in_dim3A_341 = vector.broadcast %broadcast_in_dim3A_340 : f32 to vector<16xf32>
    %broadcast_in_dim3A_342 = arith.constant 0.000000e+00 : f32
    %broadcast_in_dim3A_343 = vector.broadcast %broadcast_in_dim3A_342 : f32 to vector<16xf32>
    %broadcast_in_dim3A_344 = arith.constant 0.000000e+00 : f32
    %broadcast_in_dim3A_345 = vector.broadcast %broadcast_in_dim3A_344 : f32 to vector<16xf32>
    %broadcast_in_dim3A_346 = arith.constant 0.000000e+00 : f32
    %broadcast_in_dim3A_347 = vector.broadcast %broadcast_in_dim3A_346 : f32 to vector<16xf32>
    %broadcast_in_dim3A_348 = arith.constant 0.000000e+00 : f32
    %broadcast_in_dim3A_349 = vector.broadcast %broadcast_in_dim3A_348 : f32 to vector<16xf32>
    %broadcast_in_dim3A_350 = arith.constant 0.000000e+00 : f32
    %broadcast_in_dim3A_351 = vector.broadcast %broadcast_in_dim3A_350 : f32 to vector<16xf32>
    %broadcast_in_dim3A_352 = arith.constant 0.000000e+00 : f32
    %broadcast_in_dim3A_353 = vector.broadcast %broadcast_in_dim3A_352 : f32 to vector<16xf32>
    %scan3A_354 = arith.constant 0 : i32
    %scan3A_355 = arith.constant 64 : i32
    %scan3A_356 = arith.addi %scan3A_354, %scan3A_355 : i32
    %scan3A_357 = arith.constant 1 : i32
    %scan3A_358:8 = scf.for %scan3A_784 = %scan3A_354 to %scan3A_356 step %scan3A_357 iter_args(%scan3A_785 = %broadcast_in_dim3A_339, %scan3A_786 = %broadcast_in_dim3A_341, %scan3A_787 = %broadcast_in_dim3A_343, %scan3A_788 = %broadcast_in_dim3A_345, %scan3A_789 = %broadcast_in_dim3A_347, %scan3A_790 = %broadcast_in_dim3A_349, %scan3A_791 = %broadcast_in_dim3A_351, %scan3A_792 = %broadcast_in_dim3A_353) -> (vector<16xf32>, vector<16xf32>, vector<16xf32>, vector<16xf32>, vector<16xf32>, vector<16xf32>, vector<16xf32>, vector<16xf32>)  : i32 {
      %mul3A_793 = arith.constant 8 : i32
      %mul3A_794 = arith.muli %scan3A_784, %mul3A_793 : i32
      %add3A_795 = arith.constant 0 : i32
      %add3A_796 = arith.addi %mul3A_794, %add3A_795 : i32
      %mul3A_797 = arith.constant 16 : i32
      %mul3A_798 = arith.muli %add3A_796, %mul3A_797 : i32
      %get3A = arith.constant 1 : i32
      %get3A_799 = arith.index_cast %get3A : i32 to index
      %get3A_800 = arith.index_cast %mul3A_798 : i32 to index
      %get3A_801 = tpu.vector_load %arg4[%get3A_799, %get3A_800] {strides = array<i32>} : memref<2x8192xf32, #tpu.memory_space<vmem>>, vector<16xf32>,
      %add3A_802 = arith.addf %scan3A_785, %get3A_801 : vector<16xf32>
      %mul3A_803 = arith.constant 8 : i32
      %mul3A_804 = arith.muli %scan3A_784, %mul3A_803 : i32
      %add3A_805 = arith.constant 1 : i32
      %add3A_806 = arith.addi %mul3A_804, %add3A_805 : i32
      %mul3A_807 = arith.constant 16 : i32
      %mul3A_808 = arith.muli %add3A_806, %mul3A_807 : i32
      %get3A_809 = arith.constant 1 : i32
      %get3A_810 = arith.index_cast %get3A_809 : i32 to index
      %get3A_811 = arith.index_cast %mul3A_808 : i32 to index
      %get3A_812 = tpu.vector_load %arg4[%get3A_810, %get3A_811] {strides = array<i32>} : memref<2x8192xf32, #tpu.memory_space<vmem>>, vector<16xf32>,
      %add3A_813 = arith.addf %scan3A_786, %get3A_812 : vector<16xf32>
      %mul3A_814 = arith.constant 8 : i32
      %mul3A_815 = arith.muli %scan3A_784, %mul3A_814 : i32
      %add3A_816 = arith.constant 2 : i32
      %add3A_817 = arith.addi %mul3A_815, %add3A_816 : i32
      %mul3A_818 = arith.constant 16 : i32
      %mul3A_819 = arith.muli %add3A_817, %mul3A_818 : i32
      %get3A_820 = arith.constant 1 : i32
      %get3A_821 = arith.index_cast %get3A_820 : i32 to index
      %get3A_822 = arith.index_cast %mul3A_819 : i32 to index
      %get3A_823 = tpu.vector_load %arg4[%get3A_821, %get3A_822] {strides = array<i32>} : memref<2x8192xf32, #tpu.memory_space<vmem>>, vector<16xf32>,
      %add3A_824 = arith.addf %scan3A_787, %get3A_823 : vector<16xf32>
      %mul3A_825 = arith.constant 8 : i32
      %mul3A_826 = arith.muli %scan3A_784, %mul3A_825 : i32
      %add3A_827 = arith.constant 3 : i32
      %add3A_828 = arith.addi %mul3A_826, %add3A_827 : i32
      %mul3A_829 = arith.constant 16 : i32
      %mul3A_830 = arith.muli %add3A_828, %mul3A_829 : i32
      %get3A_831 = arith.constant 1 : i32
      %get3A_832 = arith.index_cast %get3A_831 : i32 to index
      %get3A_833 = arith.index_cast %mul3A_830 : i32 to index
      %get3A_834 = tpu.vector_load %arg4[%get3A_832, %get3A_833] {strides = array<i32>} : memref<2x8192xf32, #tpu.memory_space<vmem>>, vector<16xf32>,
      %add3A_835 = arith.addf %scan3A_788, %get3A_834 : vector<16xf32>
      %mul3A_836 = arith.constant 8 : i32
      %mul3A_837 = arith.muli %scan3A_784, %mul3A_836 : i32
      %add3A_838 = arith.constant 4 : i32
      %add3A_839 = arith.addi %mul3A_837, %add3A_838 : i32
      %mul3A_840 = arith.constant 16 : i32
      %mul3A_841 = arith.muli %add3A_839, %mul3A_840 : i32
      %get3A_842 = arith.constant 1 : i32
      %get3A_843 = arith.index_cast %get3A_842 : i32 to index
      %get3A_844 = arith.index_cast %mul3A_841 : i32 to index
      %get3A_845 = tpu.vector_load %arg4[%get3A_843, %get3A_844] {strides = array<i32>} : memref<2x8192xf32, #tpu.memory_space<vmem>>, vector<16xf32>,
      %add3A_846 = arith.addf %scan3A_789, %get3A_845 : vector<16xf32>
      %mul3A_847 = arith.constant 8 : i32
      %mul3A_848 = arith.muli %scan3A_784, %mul3A_847 : i32
      %add3A_849 = arith.constant 5 : i32
      %add3A_850 = arith.addi %mul3A_848, %add3A_849 : i32
      %mul3A_851 = arith.constant 16 : i32
      %mul3A_852 = arith.muli %add3A_850, %mul3A_851 : i32
      %get3A_853 = arith.constant 1 : i32
      %get3A_854 = arith.index_cast %get3A_853 : i32 to index
      %get3A_855 = arith.index_cast %mul3A_852 : i32 to index
      %get3A_856 = tpu.vector_load %arg4[%get3A_854, %get3A_855] {strides = array<i32>} : memref<2x8192xf32, #tpu.memory_space<vmem>>, vector<16xf32>,
      %add3A_857 = arith.addf %scan3A_790, %get3A_856 : vector<16xf32>
      %mul3A_858 = arith.constant 8 : i32
      %mul3A_859 = arith.muli %scan3A_784, %mul3A_858 : i32
      %add3A_860 = arith.constant 6 : i32
      %add3A_861 = arith.addi %mul3A_859, %add3A_860 : i32
      %mul3A_862 = arith.constant 16 : i32
      %mul3A_863 = arith.muli %add3A_861, %mul3A_862 : i32
      %get3A_864 = arith.constant 1 : i32
      %get3A_865 = arith.index_cast %get3A_864 : i32 to index
      %get3A_866 = arith.index_cast %mul3A_863 : i32 to index
      %get3A_867 = tpu.vector_load %arg4[%get3A_865, %get3A_866] {strides = array<i32>} : memref<2x8192xf32, #tpu.memory_space<vmem>>, vector<16xf32>,
      %add3A_868 = arith.addf %scan3A_791, %get3A_867 : vector<16xf32>
      %mul3A_869 = arith.constant 8 : i32
      %mul3A_870 = arith.muli %scan3A_784, %mul3A_869 : i32
      %add3A_871 = arith.constant 7 : i32
      %add3A_872 = arith.addi %mul3A_870, %add3A_871 : i32
      %mul3A_873 = arith.constant 16 : i32
      %mul3A_874 = arith.muli %add3A_872, %mul3A_873 : i32
      %get3A_875 = arith.constant 1 : i32
      %get3A_876 = arith.index_cast %get3A_875 : i32 to index
      %get3A_877 = arith.index_cast %mul3A_874 : i32 to index
      %get3A_878 = tpu.vector_load %arg4[%get3A_876, %get3A_877] {strides = array<i32>} : memref<2x8192xf32, #tpu.memory_space<vmem>>, vector<16xf32>,
      %add3A_879 = arith.addf %scan3A_792, %get3A_878 : vector<16xf32>
      scf.yield %add3A_802, %add3A_813, %add3A_824, %add3A_835, %add3A_846, %add3A_857, %add3A_868, %add3A_879 : vector<16xf32>, vector<16xf32>, vector<16xf32>, vector<16xf32>, vector<16xf32>, vector<16xf32>, vector<16xf32>, vector<16xf32>
    }
    %scan3A_359 = arith.constant 64 : i32
    %add3A_360 = arith.addf %scan3A_358#0, %scan3A_358#1 : vector<16xf32>
    %add3A_361 = arith.addf %scan3A_358#2, %scan3A_358#3 : vector<16xf32>
    %add3A_362 = arith.addf %add3A_360, %add3A_361 : vector<16xf32>
    %add3A_363 = arith.addf %scan3A_358#4, %scan3A_358#5 : vector<16xf32>
    %add3A_364 = arith.addf %scan3A_358#6, %scan3A_358#7 : vector<16xf32>
    %add3A_365 = arith.addf %add3A_363, %add3A_364 : vector<16xf32>
    %add3A_366 = arith.addf %add3A_362, %add3A_365 : vector<16xf32>
    %swap3A_367 = arith.constant 0 : index
    %swap3A_368 = tpu.vector_load %arg6[%swap3A_367] {strides = array<i32>} : memref<16xf32, #tpu.memory_space<vmem>>, vector<16xf32>,
    tpu.vector_store %arg6[%swap3A_367], %add3A_366 {strides = array<i32>} : memref<16xf32, #tpu.memory_space<vmem>>, vector<16xf32>,
    %xor3A_369 = arith.constant 8 : i32
    %xor3A_370 = vector.broadcast %xor3A_369 : i32 to vector<16xi32>
    %xor3A_371 = arith.xori %iota3A, %xor3A_370 : vector<16xi32>
    %gather3A_372 = tpu.vector_load_idx %arg6[%xor3A_371] : memref<16xf32, #tpu.memory_space<vmem>>[vector<16xi32>], vector<16xf32>,
    %add3A_373 = arith.addf %add3A_366, %gather3A_372 : vector<16xf32>
    %swap3A_374 = arith.constant 0 : index
    %swap3A_375 = tpu.vector_load %arg6[%swap3A_374] {strides = array<i32>} : memref<16xf32, #tpu.memory_space<vmem>>, vector<16xf32>,
    tpu.vector_store %arg6[%swap3A_374], %add3A_373 {strides = array<i32>} : memref<16xf32, #tpu.memory_space<vmem>>, vector<16xf32>,
    %xor3A_376 = arith.constant 4 : i32
    %xor3A_377 = vector.broadcast %xor3A_376 : i32 to vector<16xi32>
    %xor3A_378 = arith.xori %iota3A, %xor3A_377 : vector<16xi32>
    %gather3A_379 = tpu.vector_load_idx %arg6[%xor3A_378] : memref<16xf32, #tpu.memory_space<vmem>>[vector<16xi32>], vector<16xf32>,
    %add3A_380 = arith.addf %add3A_373, %gather3A_379 : vector<16xf32>
    %swap3A_381 = arith.constant 0 : index
    %swap3A_382 = tpu.vector_load %arg6[%swap3A_381] {strides = array<i32>} : memref<16xf32, #tpu.memory_space<vmem>>, vector<16xf32>,
    tpu.vector_store %arg6[%swap3A_381], %add3A_380 {strides = array<i32>} : memref<16xf32, #tpu.memory_space<vmem>>, vector<16xf32>,
    %xor3A_383 = arith.constant 2 : i32
    %xor3A_384 = vector.broadcast %xor3A_383 : i32 to vector<16xi32>
    %xor3A_385 = arith.xori %iota3A, %xor3A_384 : vector<16xi32>
    %gather3A_386 = tpu.vector_load_idx %arg6[%xor3A_385] : memref<16xf32, #tpu.memory_space<vmem>>[vector<16xi32>], vector<16xf32>,
    %add3A_387 = arith.addf %add3A_380, %gather3A_386 : vector<16xf32>
    %swap3A_388 = arith.constant 0 : index
    %swap3A_389 = tpu.vector_load %arg6[%swap3A_388] {strides = array<i32>} : memref<16xf32, #tpu.memory_space<vmem>>, vector<16xf32>,
    tpu.vector_store %arg6[%swap3A_388], %add3A_387 {strides = array<i32>} : memref<16xf32, #tpu.memory_space<vmem>>, vector<16xf32>,
    %xor3A_390 = arith.constant 1 : i32
    %xor3A_391 = vector.broadcast %xor3A_390 : i32 to vector<16xi32>
    %xor3A_392 = arith.xori %iota3A, %xor3A_391 : vector<16xi32>
    %gather3A_393 = tpu.vector_load_idx %arg6[%xor3A_392] : memref<16xf32, #tpu.memory_space<vmem>>[vector<16xi32>], vector<16xf32>,
    %add3A_394 = arith.addf %add3A_387, %gather3A_393 : vector<16xf32>
    %add3A_395 = arith.constant 8.192000e+03 : f32
    %add3A_396 = vector.broadcast %add3A_395 : f32 to vector<16xf32>
    %add3A_397 = arith.addf %add3A_394, %add3A_396 : vector<16xf32>
    %mul3A_398 = arith.constant 5.000000e-01 : f32
    %mul3A_399 = vector.broadcast %mul3A_398 : f32 to vector<16xf32>
    %mul3A_400 = arith.mulf %add3A_397, %mul3A_399 : vector<16xf32>
    %eq3A_401 = arith.constant 3 : i32
    %eq3A_402 = vector.broadcast %eq3A_401 : i32 to vector<16xi32>
    %eq3A_403 = arith.cmpi eq, %iota3A, %eq3A_402 : vector<16xi32>
    %select_n3A_404 = arith.select %eq3A_403, %mul3A_400, %select_n3A_305 : vector<16xi1>, vector<16xf32>
    %dma_wait3A_405 = arith.constant 0 : i32
    %dma_wait3A_406 = arith.constant 0 : i32
    %dma_wait3A_407 = tpu.memref_slice %arg4[%dma_wait3A_405, %dma_wait3A_406] : memref<2x8192xf32, #tpu.memory_space<vmem>> -> memref<1x8192xf32, #tpu.memory_space<vmem>>
    %dma_wait3A_408 = tpu.memref_squeeze %dma_wait3A_407 : memref<1x8192xf32, #tpu.memory_space<vmem>> -> memref<8192xf32, #tpu.memory_space<vmem>>
    %dma_wait3A_409 = arith.constant 0 : i32
    %dma_wait3A_410 = tpu.memref_slice %arg2[%add3A_324, %dma_wait3A_409] : memref<256x8192xf32, #tpu.memory_space<hbm>> -> memref<1x8192xf32, #tpu.memory_space<hbm>>
    %dma_wait3A_411 = tpu.memref_squeeze %dma_wait3A_410 : memref<1x8192xf32, #tpu.memory_space<hbm>> -> memref<8192xf32, #tpu.memory_space<hbm>>
    %dma_wait3A_412 = arith.constant 0 : i32
    %dma_wait3A_413 = tpu.memref_slice %arg4[%dma_wait3A_405, %dma_wait3A_412] : memref<2x8192xf32, #tpu.memory_space<vmem>> -> memref<1x8192xf32, #tpu.memory_space<vmem>>
    %dma_wait3A_414 = tpu.memref_squeeze %dma_wait3A_413 : memref<1x8192xf32, #tpu.memory_space<vmem>> -> memref<8192xf32, #tpu.memory_space<vmem>>
    %dma_wait3A_415 = arith.constant 0 : i32
    %dma_wait3A_416 = tpu.memref_slice %arg2[%add3A_324, %dma_wait3A_415] : memref<256x8192xf32, #tpu.memory_space<hbm>> -> memref<1x8192xf32, #tpu.memory_space<hbm>>
    %dma_wait3A_417 = tpu.memref_squeeze %dma_wait3A_416 : memref<1x8192xf32, #tpu.memory_space<hbm>> -> memref<8192xf32, #tpu.memory_space<hbm>>
    tpu.wait_dma2 semaphore(%arg7 : memref<!tpu.dma_semaphore, #tpu.memory_space<semaphore_mem>>) src(%dma_wait3A_417 : memref<8192xf32, #tpu.memory_space<hbm>>) dst(%dma_wait3A_414 : memref<8192xf32, #tpu.memory_space<vmem>>)
    %mul3A_418 = arith.constant 8 : i32
    %mul3A_419 = arith.muli %add3A, %mul3A_418 : i32
    %add3A_420 = arith.constant 4 : i32
    %add3A_421 = arith.addi %mul3A_419, %add3A_420 : i32
    %add3A_422 = arith.constant 1 : i32
    %add3A_423 = arith.addi %add3A_421, %add3A_422 : i32
    %dma_start3A_424 = arith.constant 1 : i32
    %dma_start3A_425 = arith.constant 0 : i32
    %dma_start3A_426 = tpu.memref_slice %arg4[%dma_start3A_424, %dma_start3A_425] : memref<2x8192xf32, #tpu.memory_space<vmem>> -> memref<1x8192xf32, #tpu.memory_space<vmem>>
    %dma_start3A_427 = tpu.memref_squeeze %dma_start3A_426 : memref<1x8192xf32, #tpu.memory_space<vmem>> -> memref<8192xf32, #tpu.memory_space<vmem>>
    %dma_start3A_428 = arith.constant 0 : i32
    %dma_start3A_429 = tpu.memref_slice %arg2[%add3A_423, %dma_start3A_428] : memref<256x8192xf32, #tpu.memory_space<hbm>> -> memref<1x8192xf32, #tpu.memory_space<hbm>>
    %dma_start3A_430 = tpu.memref_squeeze %dma_start3A_429 : memref<1x8192xf32, #tpu.memory_space<hbm>> -> memref<8192xf32, #tpu.memory_space<hbm>>
    %dma_start3A_431 = arith.constant 0 : i32
    %dma_start3A_432 = tpu.memref_slice %arg4[%dma_start3A_424, %dma_start3A_431] : memref<2x8192xf32, #tpu.memory_space<vmem>> -> memref<1x8192xf32, #tpu.memory_space<vmem>>
    %dma_start3A_433 = tpu.memref_squeeze %dma_start3A_432 : memref<1x8192xf32, #tpu.memory_space<vmem>> -> memref<8192xf32, #tpu.memory_space<vmem>>
    %dma_start3A_434 = arith.constant 0 : i32
    %dma_start3A_435 = tpu.memref_slice %arg2[%add3A_423, %dma_start3A_434] : memref<256x8192xf32, #tpu.memory_space<hbm>> -> memref<1x8192xf32, #tpu.memory_space<hbm>>
    %dma_start3A_436 = tpu.memref_squeeze %dma_start3A_435 : memref<1x8192xf32, #tpu.memory_space<hbm>> -> memref<8192xf32, #tpu.memory_space<hbm>>
    tpu.enqueue_dma source(%dma_start3A_436 : memref<8192xf32, #tpu.memory_space<hbm>>) target(%dma_start3A_433 : memref<8192xf32, #tpu.memory_space<vmem>>) target_semaphore(%arg8 : memref<!tpu.dma_semaphore, #tpu.memory_space<semaphore_mem>>)
    %broadcast_in_dim3A_437 = arith.constant 0.000000e+00 : f32
    %broadcast_in_dim3A_438 = vector.broadcast %broadcast_in_dim3A_437 : f32 to vector<16xf32>
    %broadcast_in_dim3A_439 = arith.constant 0.000000e+00 : f32
    %broadcast_in_dim3A_440 = vector.broadcast %broadcast_in_dim3A_439 : f32 to vector<16xf32>
    %broadcast_in_dim3A_441 = arith.constant 0.000000e+00 : f32
    %broadcast_in_dim3A_442 = vector.broadcast %broadcast_in_dim3A_441 : f32 to vector<16xf32>
    %broadcast_in_dim3A_443 = arith.constant 0.000000e+00 : f32
    %broadcast_in_dim3A_444 = vector.broadcast %broadcast_in_dim3A_443 : f32 to vector<16xf32>
    %broadcast_in_dim3A_445 = arith.constant 0.000000e+00 : f32
    %broadcast_in_dim3A_446 = vector.broadcast %broadcast_in_dim3A_445 : f32 to vector<16xf32>
    %broadcast_in_dim3A_447 = arith.constant 0.000000e+00 : f32
    %broadcast_in_dim3A_448 = vector.broadcast %broadcast_in_dim3A_447 : f32 to vector<16xf32>
    %broadcast_in_dim3A_449 = arith.constant 0.000000e+00 : f32
    %broadcast_in_dim3A_450 = vector.broadcast %broadcast_in_dim3A_449 : f32 to vector<16xf32>
    %broadcast_in_dim3A_451 = arith.constant 0.000000e+00 : f32
    %broadcast_in_dim3A_452 = vector.broadcast %broadcast_in_dim3A_451 : f32 to vector<16xf32>
    %scan3A_453 = arith.constant 0 : i32
    %scan3A_454 = arith.constant 64 : i32
    %scan3A_455 = arith.addi %scan3A_453, %scan3A_454 : i32
    %scan3A_456 = arith.constant 1 : i32
    %scan3A_457:8 = scf.for %scan3A_784 = %scan3A_453 to %scan3A_455 step %scan3A_456 iter_args(%scan3A_785 = %broadcast_in_dim3A_438, %scan3A_786 = %broadcast_in_dim3A_440, %scan3A_787 = %broadcast_in_dim3A_442, %scan3A_788 = %broadcast_in_dim3A_444, %scan3A_789 = %broadcast_in_dim3A_446, %scan3A_790 = %broadcast_in_dim3A_448, %scan3A_791 = %broadcast_in_dim3A_450, %scan3A_792 = %broadcast_in_dim3A_452) -> (vector<16xf32>, vector<16xf32>, vector<16xf32>, vector<16xf32>, vector<16xf32>, vector<16xf32>, vector<16xf32>, vector<16xf32>)  : i32 {
      %mul3A_793 = arith.constant 8 : i32
      %mul3A_794 = arith.muli %scan3A_784, %mul3A_793 : i32
      %add3A_795 = arith.constant 0 : i32
      %add3A_796 = arith.addi %mul3A_794, %add3A_795 : i32
      %mul3A_797 = arith.constant 16 : i32
      %mul3A_798 = arith.muli %add3A_796, %mul3A_797 : i32
      %get3A = arith.constant 0 : i32
      %get3A_799 = arith.index_cast %get3A : i32 to index
      %get3A_800 = arith.index_cast %mul3A_798 : i32 to index
      %get3A_801 = tpu.vector_load %arg4[%get3A_799, %get3A_800] {strides = array<i32>} : memref<2x8192xf32, #tpu.memory_space<vmem>>, vector<16xf32>,
      %add3A_802 = arith.addf %scan3A_785, %get3A_801 : vector<16xf32>
      %mul3A_803 = arith.constant 8 : i32
      %mul3A_804 = arith.muli %scan3A_784, %mul3A_803 : i32
      %add3A_805 = arith.constant 1 : i32
      %add3A_806 = arith.addi %mul3A_804, %add3A_805 : i32
      %mul3A_807 = arith.constant 16 : i32
      %mul3A_808 = arith.muli %add3A_806, %mul3A_807 : i32
      %get3A_809 = arith.constant 0 : i32
      %get3A_810 = arith.index_cast %get3A_809 : i32 to index
      %get3A_811 = arith.index_cast %mul3A_808 : i32 to index
      %get3A_812 = tpu.vector_load %arg4[%get3A_810, %get3A_811] {strides = array<i32>} : memref<2x8192xf32, #tpu.memory_space<vmem>>, vector<16xf32>,
      %add3A_813 = arith.addf %scan3A_786, %get3A_812 : vector<16xf32>
      %mul3A_814 = arith.constant 8 : i32
      %mul3A_815 = arith.muli %scan3A_784, %mul3A_814 : i32
      %add3A_816 = arith.constant 2 : i32
      %add3A_817 = arith.addi %mul3A_815, %add3A_816 : i32
      %mul3A_818 = arith.constant 16 : i32
      %mul3A_819 = arith.muli %add3A_817, %mul3A_818 : i32
      %get3A_820 = arith.constant 0 : i32
      %get3A_821 = arith.index_cast %get3A_820 : i32 to index
      %get3A_822 = arith.index_cast %mul3A_819 : i32 to index
      %get3A_823 = tpu.vector_load %arg4[%get3A_821, %get3A_822] {strides = array<i32>} : memref<2x8192xf32, #tpu.memory_space<vmem>>, vector<16xf32>,
      %add3A_824 = arith.addf %scan3A_787, %get3A_823 : vector<16xf32>
      %mul3A_825 = arith.constant 8 : i32
      %mul3A_826 = arith.muli %scan3A_784, %mul3A_825 : i32
      %add3A_827 = arith.constant 3 : i32
      %add3A_828 = arith.addi %mul3A_826, %add3A_827 : i32
      %mul3A_829 = arith.constant 16 : i32
      %mul3A_830 = arith.muli %add3A_828, %mul3A_829 : i32
      %get3A_831 = arith.constant 0 : i32
      %get3A_832 = arith.index_cast %get3A_831 : i32 to index
      %get3A_833 = arith.index_cast %mul3A_830 : i32 to index
      %get3A_834 = tpu.vector_load %arg4[%get3A_832, %get3A_833] {strides = array<i32>} : memref<2x8192xf32, #tpu.memory_space<vmem>>, vector<16xf32>,
      %add3A_835 = arith.addf %scan3A_788, %get3A_834 : vector<16xf32>
      %mul3A_836 = arith.constant 8 : i32
      %mul3A_837 = arith.muli %scan3A_784, %mul3A_836 : i32
      %add3A_838 = arith.constant 4 : i32
      %add3A_839 = arith.addi %mul3A_837, %add3A_838 : i32
      %mul3A_840 = arith.constant 16 : i32
      %mul3A_841 = arith.muli %add3A_839, %mul3A_840 : i32
      %get3A_842 = arith.constant 0 : i32
      %get3A_843 = arith.index_cast %get3A_842 : i32 to index
      %get3A_844 = arith.index_cast %mul3A_841 : i32 to index
      %get3A_845 = tpu.vector_load %arg4[%get3A_843, %get3A_844] {strides = array<i32>} : memref<2x8192xf32, #tpu.memory_space<vmem>>, vector<16xf32>,
      %add3A_846 = arith.addf %scan3A_789, %get3A_845 : vector<16xf32>
      %mul3A_847 = arith.constant 8 : i32
      %mul3A_848 = arith.muli %scan3A_784, %mul3A_847 : i32
      %add3A_849 = arith.constant 5 : i32
      %add3A_850 = arith.addi %mul3A_848, %add3A_849 : i32
      %mul3A_851 = arith.constant 16 : i32
      %mul3A_852 = arith.muli %add3A_850, %mul3A_851 : i32
      %get3A_853 = arith.constant 0 : i32
      %get3A_854 = arith.index_cast %get3A_853 : i32 to index
      %get3A_855 = arith.index_cast %mul3A_852 : i32 to index
      %get3A_856 = tpu.vector_load %arg4[%get3A_854, %get3A_855] {strides = array<i32>} : memref<2x8192xf32, #tpu.memory_space<vmem>>, vector<16xf32>,
      %add3A_857 = arith.addf %scan3A_790, %get3A_856 : vector<16xf32>
      %mul3A_858 = arith.constant 8 : i32
      %mul3A_859 = arith.muli %scan3A_784, %mul3A_858 : i32
      %add3A_860 = arith.constant 6 : i32
      %add3A_861 = arith.addi %mul3A_859, %add3A_860 : i32
      %mul3A_862 = arith.constant 16 : i32
      %mul3A_863 = arith.muli %add3A_861, %mul3A_862 : i32
      %get3A_864 = arith.constant 0 : i32
      %get3A_865 = arith.index_cast %get3A_864 : i32 to index
      %get3A_866 = arith.index_cast %mul3A_863 : i32 to index
      %get3A_867 = tpu.vector_load %arg4[%get3A_865, %get3A_866] {strides = array<i32>} : memref<2x8192xf32, #tpu.memory_space<vmem>>, vector<16xf32>,
      %add3A_868 = arith.addf %scan3A_791, %get3A_867 : vector<16xf32>
      %mul3A_869 = arith.constant 8 : i32
      %mul3A_870 = arith.muli %scan3A_784, %mul3A_869 : i32
      %add3A_871 = arith.constant 7 : i32
      %add3A_872 = arith.addi %mul3A_870, %add3A_871 : i32
      %mul3A_873 = arith.constant 16 : i32
      %mul3A_874 = arith.muli %add3A_872, %mul3A_873 : i32
      %get3A_875 = arith.constant 0 : i32
      %get3A_876 = arith.index_cast %get3A_875 : i32 to index
      %get3A_877 = arith.index_cast %mul3A_874 : i32 to index
      %get3A_878 = tpu.vector_load %arg4[%get3A_876, %get3A_877] {strides = array<i32>} : memref<2x8192xf32, #tpu.memory_space<vmem>>, vector<16xf32>,
      %add3A_879 = arith.addf %scan3A_792, %get3A_878 : vector<16xf32>
      scf.yield %add3A_802, %add3A_813, %add3A_824, %add3A_835, %add3A_846, %add3A_857, %add3A_868, %add3A_879 : vector<16xf32>, vector<16xf32>, vector<16xf32>, vector<16xf32>, vector<16xf32>, vector<16xf32>, vector<16xf32>, vector<16xf32>
    }
    %scan3A_458 = arith.constant 64 : i32
    %add3A_459 = arith.addf %scan3A_457#0, %scan3A_457#1 : vector<16xf32>
    %add3A_460 = arith.addf %scan3A_457#2, %scan3A_457#3 : vector<16xf32>
    %add3A_461 = arith.addf %add3A_459, %add3A_460 : vector<16xf32>
    %add3A_462 = arith.addf %scan3A_457#4, %scan3A_457#5 : vector<16xf32>
    %add3A_463 = arith.addf %scan3A_457#6, %scan3A_457#7 : vector<16xf32>
    %add3A_464 = arith.addf %add3A_462, %add3A_463 : vector<16xf32>
    %add3A_465 = arith.addf %add3A_461, %add3A_464 : vector<16xf32>
    %swap3A_466 = arith.constant 0 : index
    %swap3A_467 = tpu.vector_load %arg6[%swap3A_466] {strides = array<i32>} : memref<16xf32, #tpu.memory_space<vmem>>, vector<16xf32>,
    tpu.vector_store %arg6[%swap3A_466], %add3A_465 {strides = array<i32>} : memref<16xf32, #tpu.memory_space<vmem>>, vector<16xf32>,
    %xor3A_468 = arith.constant 8 : i32
    %xor3A_469 = vector.broadcast %xor3A_468 : i32 to vector<16xi32>
    %xor3A_470 = arith.xori %iota3A, %xor3A_469 : vector<16xi32>
    %gather3A_471 = tpu.vector_load_idx %arg6[%xor3A_470] : memref<16xf32, #tpu.memory_space<vmem>>[vector<16xi32>], vector<16xf32>,
    %add3A_472 = arith.addf %add3A_465, %gather3A_471 : vector<16xf32>
    %swap3A_473 = arith.constant 0 : index
    %swap3A_474 = tpu.vector_load %arg6[%swap3A_473] {strides = array<i32>} : memref<16xf32, #tpu.memory_space<vmem>>, vector<16xf32>,
    tpu.vector_store %arg6[%swap3A_473], %add3A_472 {strides = array<i32>} : memref<16xf32, #tpu.memory_space<vmem>>, vector<16xf32>,
    %xor3A_475 = arith.constant 4 : i32
    %xor3A_476 = vector.broadcast %xor3A_475 : i32 to vector<16xi32>
    %xor3A_477 = arith.xori %iota3A, %xor3A_476 : vector<16xi32>
    %gather3A_478 = tpu.vector_load_idx %arg6[%xor3A_477] : memref<16xf32, #tpu.memory_space<vmem>>[vector<16xi32>], vector<16xf32>,
    %add3A_479 = arith.addf %add3A_472, %gather3A_478 : vector<16xf32>
    %swap3A_480 = arith.constant 0 : index
    %swap3A_481 = tpu.vector_load %arg6[%swap3A_480] {strides = array<i32>} : memref<16xf32, #tpu.memory_space<vmem>>, vector<16xf32>,
    tpu.vector_store %arg6[%swap3A_480], %add3A_479 {strides = array<i32>} : memref<16xf32, #tpu.memory_space<vmem>>, vector<16xf32>,
    %xor3A_482 = arith.constant 2 : i32
    %xor3A_483 = vector.broadcast %xor3A_482 : i32 to vector<16xi32>
    %xor3A_484 = arith.xori %iota3A, %xor3A_483 : vector<16xi32>
    %gather3A_485 = tpu.vector_load_idx %arg6[%xor3A_484] : memref<16xf32, #tpu.memory_space<vmem>>[vector<16xi32>], vector<16xf32>,
    %add3A_486 = arith.addf %add3A_479, %gather3A_485 : vector<16xf32>
    %swap3A_487 = arith.constant 0 : index
    %swap3A_488 = tpu.vector_load %arg6[%swap3A_487] {strides = array<i32>} : memref<16xf32, #tpu.memory_space<vmem>>, vector<16xf32>,
    tpu.vector_store %arg6[%swap3A_487], %add3A_486 {strides = array<i32>} : memref<16xf32, #tpu.memory_space<vmem>>, vector<16xf32>,
    %xor3A_489 = arith.constant 1 : i32
    %xor3A_490 = vector.broadcast %xor3A_489 : i32 to vector<16xi32>
    %xor3A_491 = arith.xori %iota3A, %xor3A_490 : vector<16xi32>
    %gather3A_492 = tpu.vector_load_idx %arg6[%xor3A_491] : memref<16xf32, #tpu.memory_space<vmem>>[vector<16xi32>], vector<16xf32>,
    %add3A_493 = arith.addf %add3A_486, %gather3A_492 : vector<16xf32>
    %add3A_494 = arith.constant 8.192000e+03 : f32
    %add3A_495 = vector.broadcast %add3A_494 : f32 to vector<16xf32>
    %add3A_496 = arith.addf %add3A_493, %add3A_495 : vector<16xf32>
    %mul3A_497 = arith.constant 5.000000e-01 : f32
    %mul3A_498 = vector.broadcast %mul3A_497 : f32 to vector<16xf32>
    %mul3A_499 = arith.mulf %add3A_496, %mul3A_498 : vector<16xf32>
    %eq3A_500 = arith.constant 4 : i32
    %eq3A_501 = vector.broadcast %eq3A_500 : i32 to vector<16xi32>
    %eq3A_502 = arith.cmpi eq, %iota3A, %eq3A_501 : vector<16xi32>
    %select_n3A_503 = arith.select %eq3A_502, %mul3A_499, %select_n3A_404 : vector<16xi1>, vector<16xf32>
    %dma_wait3A_504 = arith.constant 1 : i32
    %dma_wait3A_505 = arith.constant 0 : i32
    %dma_wait3A_506 = tpu.memref_slice %arg4[%dma_wait3A_504, %dma_wait3A_505] : memref<2x8192xf32, #tpu.memory_space<vmem>> -> memref<1x8192xf32, #tpu.memory_space<vmem>>
    %dma_wait3A_507 = tpu.memref_squeeze %dma_wait3A_506 : memref<1x8192xf32, #tpu.memory_space<vmem>> -> memref<8192xf32, #tpu.memory_space<vmem>>
    %dma_wait3A_508 = arith.constant 0 : i32
    %dma_wait3A_509 = tpu.memref_slice %arg2[%add3A_423, %dma_wait3A_508] : memref<256x8192xf32, #tpu.memory_space<hbm>> -> memref<1x8192xf32, #tpu.memory_space<hbm>>
    %dma_wait3A_510 = tpu.memref_squeeze %dma_wait3A_509 : memref<1x8192xf32, #tpu.memory_space<hbm>> -> memref<8192xf32, #tpu.memory_space<hbm>>
    %dma_wait3A_511 = arith.constant 0 : i32
    %dma_wait3A_512 = tpu.memref_slice %arg4[%dma_wait3A_504, %dma_wait3A_511] : memref<2x8192xf32, #tpu.memory_space<vmem>> -> memref<1x8192xf32, #tpu.memory_space<vmem>>
    %dma_wait3A_513 = tpu.memref_squeeze %dma_wait3A_512 : memref<1x8192xf32, #tpu.memory_space<vmem>> -> memref<8192xf32, #tpu.memory_space<vmem>>
    %dma_wait3A_514 = arith.constant 0 : i32
    %dma_wait3A_515 = tpu.memref_slice %arg2[%add3A_423, %dma_wait3A_514] : memref<256x8192xf32, #tpu.memory_space<hbm>> -> memref<1x8192xf32, #tpu.memory_space<hbm>>
    %dma_wait3A_516 = tpu.memref_squeeze %dma_wait3A_515 : memref<1x8192xf32, #tpu.memory_space<hbm>> -> memref<8192xf32, #tpu.memory_space<hbm>>
    tpu.wait_dma2 semaphore(%arg8 : memref<!tpu.dma_semaphore, #tpu.memory_space<semaphore_mem>>) src(%dma_wait3A_516 : memref<8192xf32, #tpu.memory_space<hbm>>) dst(%dma_wait3A_513 : memref<8192xf32, #tpu.memory_space<vmem>>)
    %mul3A_517 = arith.constant 8 : i32
    %mul3A_518 = arith.muli %add3A, %mul3A_517 : i32
    %add3A_519 = arith.constant 5 : i32
    %add3A_520 = arith.addi %mul3A_518, %add3A_519 : i32
    %add3A_521 = arith.constant 1 : i32
    %add3A_522 = arith.addi %add3A_520, %add3A_521 : i32
    %dma_start3A_523 = arith.constant 0 : i32
    %dma_start3A_524 = arith.constant 0 : i32
    %dma_start3A_525 = tpu.memref_slice %arg4[%dma_start3A_523, %dma_start3A_524] : memref<2x8192xf32, #tpu.memory_space<vmem>> -> memref<1x8192xf32, #tpu.memory_space<vmem>>
    %dma_start3A_526 = tpu.memref_squeeze %dma_start3A_525 : memref<1x8192xf32, #tpu.memory_space<vmem>> -> memref<8192xf32, #tpu.memory_space<vmem>>
    %dma_start3A_527 = arith.constant 0 : i32
    %dma_start3A_528 = tpu.memref_slice %arg2[%add3A_522, %dma_start3A_527] : memref<256x8192xf32, #tpu.memory_space<hbm>> -> memref<1x8192xf32, #tpu.memory_space<hbm>>
    %dma_start3A_529 = tpu.memref_squeeze %dma_start3A_528 : memref<1x8192xf32, #tpu.memory_space<hbm>> -> memref<8192xf32, #tpu.memory_space<hbm>>
    %dma_start3A_530 = arith.constant 0 : i32
    %dma_start3A_531 = tpu.memref_slice %arg4[%dma_start3A_523, %dma_start3A_530] : memref<2x8192xf32, #tpu.memory_space<vmem>> -> memref<1x8192xf32, #tpu.memory_space<vmem>>
    %dma_start3A_532 = tpu.memref_squeeze %dma_start3A_531 : memref<1x8192xf32, #tpu.memory_space<vmem>> -> memref<8192xf32, #tpu.memory_space<vmem>>
    %dma_start3A_533 = arith.constant 0 : i32
    %dma_start3A_534 = tpu.memref_slice %arg2[%add3A_522, %dma_start3A_533] : memref<256x8192xf32, #tpu.memory_space<hbm>> -> memref<1x8192xf32, #tpu.memory_space<hbm>>
    %dma_start3A_535 = tpu.memref_squeeze %dma_start3A_534 : memref<1x8192xf32, #tpu.memory_space<hbm>> -> memref<8192xf32, #tpu.memory_space<hbm>>
    tpu.enqueue_dma source(%dma_start3A_535 : memref<8192xf32, #tpu.memory_space<hbm>>) target(%dma_start3A_532 : memref<8192xf32, #tpu.memory_space<vmem>>) target_semaphore(%arg7 : memref<!tpu.dma_semaphore, #tpu.memory_space<semaphore_mem>>)
    %broadcast_in_dim3A_536 = arith.constant 0.000000e+00 : f32
    %broadcast_in_dim3A_537 = vector.broadcast %broadcast_in_dim3A_536 : f32 to vector<16xf32>
    %broadcast_in_dim3A_538 = arith.constant 0.000000e+00 : f32
    %broadcast_in_dim3A_539 = vector.broadcast %broadcast_in_dim3A_538 : f32 to vector<16xf32>
    %broadcast_in_dim3A_540 = arith.constant 0.000000e+00 : f32
    %broadcast_in_dim3A_541 = vector.broadcast %broadcast_in_dim3A_540 : f32 to vector<16xf32>
    %broadcast_in_dim3A_542 = arith.constant 0.000000e+00 : f32
    %broadcast_in_dim3A_543 = vector.broadcast %broadcast_in_dim3A_542 : f32 to vector<16xf32>
    %broadcast_in_dim3A_544 = arith.constant 0.000000e+00 : f32
    %broadcast_in_dim3A_545 = vector.broadcast %broadcast_in_dim3A_544 : f32 to vector<16xf32>
    %broadcast_in_dim3A_546 = arith.constant 0.000000e+00 : f32
    %broadcast_in_dim3A_547 = vector.broadcast %broadcast_in_dim3A_546 : f32 to vector<16xf32>
    %broadcast_in_dim3A_548 = arith.constant 0.000000e+00 : f32
    %broadcast_in_dim3A_549 = vector.broadcast %broadcast_in_dim3A_548 : f32 to vector<16xf32>
    %broadcast_in_dim3A_550 = arith.constant 0.000000e+00 : f32
    %broadcast_in_dim3A_551 = vector.broadcast %broadcast_in_dim3A_550 : f32 to vector<16xf32>
    %scan3A_552 = arith.constant 0 : i32
    %scan3A_553 = arith.constant 64 : i32
    %scan3A_554 = arith.addi %scan3A_552, %scan3A_553 : i32
    %scan3A_555 = arith.constant 1 : i32
    %scan3A_556:8 = scf.for %scan3A_784 = %scan3A_552 to %scan3A_554 step %scan3A_555 iter_args(%scan3A_785 = %broadcast_in_dim3A_537, %scan3A_786 = %broadcast_in_dim3A_539, %scan3A_787 = %broadcast_in_dim3A_541, %scan3A_788 = %broadcast_in_dim3A_543, %scan3A_789 = %broadcast_in_dim3A_545, %scan3A_790 = %broadcast_in_dim3A_547, %scan3A_791 = %broadcast_in_dim3A_549, %scan3A_792 = %broadcast_in_dim3A_551) -> (vector<16xf32>, vector<16xf32>, vector<16xf32>, vector<16xf32>, vector<16xf32>, vector<16xf32>, vector<16xf32>, vector<16xf32>)  : i32 {
      %mul3A_793 = arith.constant 8 : i32
      %mul3A_794 = arith.muli %scan3A_784, %mul3A_793 : i32
      %add3A_795 = arith.constant 0 : i32
      %add3A_796 = arith.addi %mul3A_794, %add3A_795 : i32
      %mul3A_797 = arith.constant 16 : i32
      %mul3A_798 = arith.muli %add3A_796, %mul3A_797 : i32
      %get3A = arith.constant 1 : i32
      %get3A_799 = arith.index_cast %get3A : i32 to index
      %get3A_800 = arith.index_cast %mul3A_798 : i32 to index
      %get3A_801 = tpu.vector_load %arg4[%get3A_799, %get3A_800] {strides = array<i32>} : memref<2x8192xf32, #tpu.memory_space<vmem>>, vector<16xf32>,
      %add3A_802 = arith.addf %scan3A_785, %get3A_801 : vector<16xf32>
      %mul3A_803 = arith.constant 8 : i32
      %mul3A_804 = arith.muli %scan3A_784, %mul3A_803 : i32
      %add3A_805 = arith.constant 1 : i32
      %add3A_806 = arith.addi %mul3A_804, %add3A_805 : i32
      %mul3A_807 = arith.constant 16 : i32
      %mul3A_808 = arith.muli %add3A_806, %mul3A_807 : i32
      %get3A_809 = arith.constant 1 : i32
      %get3A_810 = arith.index_cast %get3A_809 : i32 to index
      %get3A_811 = arith.index_cast %mul3A_808 : i32 to index
      %get3A_812 = tpu.vector_load %arg4[%get3A_810, %get3A_811] {strides = array<i32>} : memref<2x8192xf32, #tpu.memory_space<vmem>>, vector<16xf32>,
      %add3A_813 = arith.addf %scan3A_786, %get3A_812 : vector<16xf32>
      %mul3A_814 = arith.constant 8 : i32
      %mul3A_815 = arith.muli %scan3A_784, %mul3A_814 : i32
      %add3A_816 = arith.constant 2 : i32
      %add3A_817 = arith.addi %mul3A_815, %add3A_816 : i32
      %mul3A_818 = arith.constant 16 : i32
      %mul3A_819 = arith.muli %add3A_817, %mul3A_818 : i32
      %get3A_820 = arith.constant 1 : i32
      %get3A_821 = arith.index_cast %get3A_820 : i32 to index
      %get3A_822 = arith.index_cast %mul3A_819 : i32 to index
      %get3A_823 = tpu.vector_load %arg4[%get3A_821, %get3A_822] {strides = array<i32>} : memref<2x8192xf32, #tpu.memory_space<vmem>>, vector<16xf32>,
      %add3A_824 = arith.addf %scan3A_787, %get3A_823 : vector<16xf32>
      %mul3A_825 = arith.constant 8 : i32
      %mul3A_826 = arith.muli %scan3A_784, %mul3A_825 : i32
      %add3A_827 = arith.constant 3 : i32
      %add3A_828 = arith.addi %mul3A_826, %add3A_827 : i32
      %mul3A_829 = arith.constant 16 : i32
      %mul3A_830 = arith.muli %add3A_828, %mul3A_829 : i32
      %get3A_831 = arith.constant 1 : i32
      %get3A_832 = arith.index_cast %get3A_831 : i32 to index
      %get3A_833 = arith.index_cast %mul3A_830 : i32 to index
      %get3A_834 = tpu.vector_load %arg4[%get3A_832, %get3A_833] {strides = array<i32>} : memref<2x8192xf32, #tpu.memory_space<vmem>>, vector<16xf32>,
      %add3A_835 = arith.addf %scan3A_788, %get3A_834 : vector<16xf32>
      %mul3A_836 = arith.constant 8 : i32
      %mul3A_837 = arith.muli %scan3A_784, %mul3A_836 : i32
      %add3A_838 = arith.constant 4 : i32
      %add3A_839 = arith.addi %mul3A_837, %add3A_838 : i32
      %mul3A_840 = arith.constant 16 : i32
      %mul3A_841 = arith.muli %add3A_839, %mul3A_840 : i32
      %get3A_842 = arith.constant 1 : i32
      %get3A_843 = arith.index_cast %get3A_842 : i32 to index
      %get3A_844 = arith.index_cast %mul3A_841 : i32 to index
      %get3A_845 = tpu.vector_load %arg4[%get3A_843, %get3A_844] {strides = array<i32>} : memref<2x8192xf32, #tpu.memory_space<vmem>>, vector<16xf32>,
      %add3A_846 = arith.addf %scan3A_789, %get3A_845 : vector<16xf32>
      %mul3A_847 = arith.constant 8 : i32
      %mul3A_848 = arith.muli %scan3A_784, %mul3A_847 : i32
      %add3A_849 = arith.constant 5 : i32
      %add3A_850 = arith.addi %mul3A_848, %add3A_849 : i32
      %mul3A_851 = arith.constant 16 : i32
      %mul3A_852 = arith.muli %add3A_850, %mul3A_851 : i32
      %get3A_853 = arith.constant 1 : i32
      %get3A_854 = arith.index_cast %get3A_853 : i32 to index
      %get3A_855 = arith.index_cast %mul3A_852 : i32 to index
      %get3A_856 = tpu.vector_load %arg4[%get3A_854, %get3A_855] {strides = array<i32>} : memref<2x8192xf32, #tpu.memory_space<vmem>>, vector<16xf32>,
      %add3A_857 = arith.addf %scan3A_790, %get3A_856 : vector<16xf32>
      %mul3A_858 = arith.constant 8 : i32
      %mul3A_859 = arith.muli %scan3A_784, %mul3A_858 : i32
      %add3A_860 = arith.constant 6 : i32
      %add3A_861 = arith.addi %mul3A_859, %add3A_860 : i32
      %mul3A_862 = arith.constant 16 : i32
      %mul3A_863 = arith.muli %add3A_861, %mul3A_862 : i32
      %get3A_864 = arith.constant 1 : i32
      %get3A_865 = arith.index_cast %get3A_864 : i32 to index
      %get3A_866 = arith.index_cast %mul3A_863 : i32 to index
      %get3A_867 = tpu.vector_load %arg4[%get3A_865, %get3A_866] {strides = array<i32>} : memref<2x8192xf32, #tpu.memory_space<vmem>>, vector<16xf32>,
      %add3A_868 = arith.addf %scan3A_791, %get3A_867 : vector<16xf32>
      %mul3A_869 = arith.constant 8 : i32
      %mul3A_870 = arith.muli %scan3A_784, %mul3A_869 : i32
      %add3A_871 = arith.constant 7 : i32
      %add3A_872 = arith.addi %mul3A_870, %add3A_871 : i32
      %mul3A_873 = arith.constant 16 : i32
      %mul3A_874 = arith.muli %add3A_872, %mul3A_873 : i32
      %get3A_875 = arith.constant 1 : i32
      %get3A_876 = arith.index_cast %get3A_875 : i32 to index
      %get3A_877 = arith.index_cast %mul3A_874 : i32 to index
      %get3A_878 = tpu.vector_load %arg4[%get3A_876, %get3A_877] {strides = array<i32>} : memref<2x8192xf32, #tpu.memory_space<vmem>>, vector<16xf32>,
      %add3A_879 = arith.addf %scan3A_792, %get3A_878 : vector<16xf32>
      scf.yield %add3A_802, %add3A_813, %add3A_824, %add3A_835, %add3A_846, %add3A_857, %add3A_868, %add3A_879 : vector<16xf32>, vector<16xf32>, vector<16xf32>, vector<16xf32>, vector<16xf32>, vector<16xf32>, vector<16xf32>, vector<16xf32>
    }
    %scan3A_557 = arith.constant 64 : i32
    %add3A_558 = arith.addf %scan3A_556#0, %scan3A_556#1 : vector<16xf32>
    %add3A_559 = arith.addf %scan3A_556#2, %scan3A_556#3 : vector<16xf32>
    %add3A_560 = arith.addf %add3A_558, %add3A_559 : vector<16xf32>
    %add3A_561 = arith.addf %scan3A_556#4, %scan3A_556#5 : vector<16xf32>
    %add3A_562 = arith.addf %scan3A_556#6, %scan3A_556#7 : vector<16xf32>
    %add3A_563 = arith.addf %add3A_561, %add3A_562 : vector<16xf32>
    %add3A_564 = arith.addf %add3A_560, %add3A_563 : vector<16xf32>
    %swap3A_565 = arith.constant 0 : index
    %swap3A_566 = tpu.vector_load %arg6[%swap3A_565] {strides = array<i32>} : memref<16xf32, #tpu.memory_space<vmem>>, vector<16xf32>,
    tpu.vector_store %arg6[%swap3A_565], %add3A_564 {strides = array<i32>} : memref<16xf32, #tpu.memory_space<vmem>>, vector<16xf32>,
    %xor3A_567 = arith.constant 8 : i32
    %xor3A_568 = vector.broadcast %xor3A_567 : i32 to vector<16xi32>
    %xor3A_569 = arith.xori %iota3A, %xor3A_568 : vector<16xi32>
    %gather3A_570 = tpu.vector_load_idx %arg6[%xor3A_569] : memref<16xf32, #tpu.memory_space<vmem>>[vector<16xi32>], vector<16xf32>,
    %add3A_571 = arith.addf %add3A_564, %gather3A_570 : vector<16xf32>
    %swap3A_572 = arith.constant 0 : index
    %swap3A_573 = tpu.vector_load %arg6[%swap3A_572] {strides = array<i32>} : memref<16xf32, #tpu.memory_space<vmem>>, vector<16xf32>,
    tpu.vector_store %arg6[%swap3A_572], %add3A_571 {strides = array<i32>} : memref<16xf32, #tpu.memory_space<vmem>>, vector<16xf32>,
    %xor3A_574 = arith.constant 4 : i32
    %xor3A_575 = vector.broadcast %xor3A_574 : i32 to vector<16xi32>
    %xor3A_576 = arith.xori %iota3A, %xor3A_575 : vector<16xi32>
    %gather3A_577 = tpu.vector_load_idx %arg6[%xor3A_576] : memref<16xf32, #tpu.memory_space<vmem>>[vector<16xi32>], vector<16xf32>,
    %add3A_578 = arith.addf %add3A_571, %gather3A_577 : vector<16xf32>
    %swap3A_579 = arith.constant 0 : index
    %swap3A_580 = tpu.vector_load %arg6[%swap3A_579] {strides = array<i32>} : memref<16xf32, #tpu.memory_space<vmem>>, vector<16xf32>,
    tpu.vector_store %arg6[%swap3A_579], %add3A_578 {strides = array<i32>} : memref<16xf32, #tpu.memory_space<vmem>>, vector<16xf32>,
    %xor3A_581 = arith.constant 2 : i32
    %xor3A_582 = vector.broadcast %xor3A_581 : i32 to vector<16xi32>
    %xor3A_583 = arith.xori %iota3A, %xor3A_582 : vector<16xi32>
    %gather3A_584 = tpu.vector_load_idx %arg6[%xor3A_583] : memref<16xf32, #tpu.memory_space<vmem>>[vector<16xi32>], vector<16xf32>,
    %add3A_585 = arith.addf %add3A_578, %gather3A_584 : vector<16xf32>
    %swap3A_586 = arith.constant 0 : index
    %swap3A_587 = tpu.vector_load %arg6[%swap3A_586] {strides = array<i32>} : memref<16xf32, #tpu.memory_space<vmem>>, vector<16xf32>,
    tpu.vector_store %arg6[%swap3A_586], %add3A_585 {strides = array<i32>} : memref<16xf32, #tpu.memory_space<vmem>>, vector<16xf32>,
    %xor3A_588 = arith.constant 1 : i32
    %xor3A_589 = vector.broadcast %xor3A_588 : i32 to vector<16xi32>
    %xor3A_590 = arith.xori %iota3A, %xor3A_589 : vector<16xi32>
    %gather3A_591 = tpu.vector_load_idx %arg6[%xor3A_590] : memref<16xf32, #tpu.memory_space<vmem>>[vector<16xi32>], vector<16xf32>,
    %add3A_592 = arith.addf %add3A_585, %gather3A_591 : vector<16xf32>
    %add3A_593 = arith.constant 8.192000e+03 : f32
    %add3A_594 = vector.broadcast %add3A_593 : f32 to vector<16xf32>
    %add3A_595 = arith.addf %add3A_592, %add3A_594 : vector<16xf32>
    %mul3A_596 = arith.constant 5.000000e-01 : f32
    %mul3A_597 = vector.broadcast %mul3A_596 : f32 to vector<16xf32>
    %mul3A_598 = arith.mulf %add3A_595, %mul3A_597 : vector<16xf32>
    %eq3A_599 = arith.constant 5 : i32
    %eq3A_600 = vector.broadcast %eq3A_599 : i32 to vector<16xi32>
    %eq3A_601 = arith.cmpi eq, %iota3A, %eq3A_600 : vector<16xi32>
    %select_n3A_602 = arith.select %eq3A_601, %mul3A_598, %select_n3A_503 : vector<16xi1>, vector<16xf32>
    %dma_wait3A_603 = arith.constant 0 : i32
    %dma_wait3A_604 = arith.constant 0 : i32
    %dma_wait3A_605 = tpu.memref_slice %arg4[%dma_wait3A_603, %dma_wait3A_604] : memref<2x8192xf32, #tpu.memory_space<vmem>> -> memref<1x8192xf32, #tpu.memory_space<vmem>>
    %dma_wait3A_606 = tpu.memref_squeeze %dma_wait3A_605 : memref<1x8192xf32, #tpu.memory_space<vmem>> -> memref<8192xf32, #tpu.memory_space<vmem>>
    %dma_wait3A_607 = arith.constant 0 : i32
    %dma_wait3A_608 = tpu.memref_slice %arg2[%add3A_522, %dma_wait3A_607] : memref<256x8192xf32, #tpu.memory_space<hbm>> -> memref<1x8192xf32, #tpu.memory_space<hbm>>
    %dma_wait3A_609 = tpu.memref_squeeze %dma_wait3A_608 : memref<1x8192xf32, #tpu.memory_space<hbm>> -> memref<8192xf32, #tpu.memory_space<hbm>>
    %dma_wait3A_610 = arith.constant 0 : i32
    %dma_wait3A_611 = tpu.memref_slice %arg4[%dma_wait3A_603, %dma_wait3A_610] : memref<2x8192xf32, #tpu.memory_space<vmem>> -> memref<1x8192xf32, #tpu.memory_space<vmem>>
    %dma_wait3A_612 = tpu.memref_squeeze %dma_wait3A_611 : memref<1x8192xf32, #tpu.memory_space<vmem>> -> memref<8192xf32, #tpu.memory_space<vmem>>
    %dma_wait3A_613 = arith.constant 0 : i32
    %dma_wait3A_614 = tpu.memref_slice %arg2[%add3A_522, %dma_wait3A_613] : memref<256x8192xf32, #tpu.memory_space<hbm>> -> memref<1x8192xf32, #tpu.memory_space<hbm>>
    %dma_wait3A_615 = tpu.memref_squeeze %dma_wait3A_614 : memref<1x8192xf32, #tpu.memory_space<hbm>> -> memref<8192xf32, #tpu.memory_space<hbm>>
    tpu.wait_dma2 semaphore(%arg7 : memref<!tpu.dma_semaphore, #tpu.memory_space<semaphore_mem>>) src(%dma_wait3A_615 : memref<8192xf32, #tpu.memory_space<hbm>>) dst(%dma_wait3A_612 : memref<8192xf32, #tpu.memory_space<vmem>>)
    %mul3A_616 = arith.constant 8 : i32
    %mul3A_617 = arith.muli %add3A, %mul3A_616 : i32
    %add3A_618 = arith.constant 6 : i32
    %add3A_619 = arith.addi %mul3A_617, %add3A_618 : i32
    %add3A_620 = arith.constant 1 : i32
    %add3A_621 = arith.addi %add3A_619, %add3A_620 : i32
    %dma_start3A_622 = arith.constant 1 : i32
    %dma_start3A_623 = arith.constant 0 : i32
    %dma_start3A_624 = tpu.memref_slice %arg4[%dma_start3A_622, %dma_start3A_623] : memref<2x8192xf32, #tpu.memory_space<vmem>> -> memref<1x8192xf32, #tpu.memory_space<vmem>>
    %dma_start3A_625 = tpu.memref_squeeze %dma_start3A_624 : memref<1x8192xf32, #tpu.memory_space<vmem>> -> memref<8192xf32, #tpu.memory_space<vmem>>
    %dma_start3A_626 = arith.constant 0 : i32
    %dma_start3A_627 = tpu.memref_slice %arg2[%add3A_621, %dma_start3A_626] : memref<256x8192xf32, #tpu.memory_space<hbm>> -> memref<1x8192xf32, #tpu.memory_space<hbm>>
    %dma_start3A_628 = tpu.memref_squeeze %dma_start3A_627 : memref<1x8192xf32, #tpu.memory_space<hbm>> -> memref<8192xf32, #tpu.memory_space<hbm>>
    %dma_start3A_629 = arith.constant 0 : i32
    %dma_start3A_630 = tpu.memref_slice %arg4[%dma_start3A_622, %dma_start3A_629] : memref<2x8192xf32, #tpu.memory_space<vmem>> -> memref<1x8192xf32, #tpu.memory_space<vmem>>
    %dma_start3A_631 = tpu.memref_squeeze %dma_start3A_630 : memref<1x8192xf32, #tpu.memory_space<vmem>> -> memref<8192xf32, #tpu.memory_space<vmem>>
    %dma_start3A_632 = arith.constant 0 : i32
    %dma_start3A_633 = tpu.memref_slice %arg2[%add3A_621, %dma_start3A_632] : memref<256x8192xf32, #tpu.memory_space<hbm>> -> memref<1x8192xf32, #tpu.memory_space<hbm>>
    %dma_start3A_634 = tpu.memref_squeeze %dma_start3A_633 : memref<1x8192xf32, #tpu.memory_space<hbm>> -> memref<8192xf32, #tpu.memory_space<hbm>>
    tpu.enqueue_dma source(%dma_start3A_634 : memref<8192xf32, #tpu.memory_space<hbm>>) target(%dma_start3A_631 : memref<8192xf32, #tpu.memory_space<vmem>>) target_semaphore(%arg8 : memref<!tpu.dma_semaphore, #tpu.memory_space<semaphore_mem>>)
    %broadcast_in_dim3A_635 = arith.constant 0.000000e+00 : f32
    %broadcast_in_dim3A_636 = vector.broadcast %broadcast_in_dim3A_635 : f32 to vector<16xf32>
    %broadcast_in_dim3A_637 = arith.constant 0.000000e+00 : f32
    %broadcast_in_dim3A_638 = vector.broadcast %broadcast_in_dim3A_637 : f32 to vector<16xf32>
    %broadcast_in_dim3A_639 = arith.constant 0.000000e+00 : f32
    %broadcast_in_dim3A_640 = vector.broadcast %broadcast_in_dim3A_639 : f32 to vector<16xf32>
    %broadcast_in_dim3A_641 = arith.constant 0.000000e+00 : f32
    %broadcast_in_dim3A_642 = vector.broadcast %broadcast_in_dim3A_641 : f32 to vector<16xf32>
    %broadcast_in_dim3A_643 = arith.constant 0.000000e+00 : f32
    %broadcast_in_dim3A_644 = vector.broadcast %broadcast_in_dim3A_643 : f32 to vector<16xf32>
    %broadcast_in_dim3A_645 = arith.constant 0.000000e+00 : f32
    %broadcast_in_dim3A_646 = vector.broadcast %broadcast_in_dim3A_645 : f32 to vector<16xf32>
    %broadcast_in_dim3A_647 = arith.constant 0.000000e+00 : f32
    %broadcast_in_dim3A_648 = vector.broadcast %broadcast_in_dim3A_647 : f32 to vector<16xf32>
    %broadcast_in_dim3A_649 = arith.constant 0.000000e+00 : f32
    %broadcast_in_dim3A_650 = vector.broadcast %broadcast_in_dim3A_649 : f32 to vector<16xf32>
    %scan3A_651 = arith.constant 0 : i32
    %scan3A_652 = arith.constant 64 : i32
    %scan3A_653 = arith.addi %scan3A_651, %scan3A_652 : i32
    %scan3A_654 = arith.constant 1 : i32
    %scan3A_655:8 = scf.for %scan3A_784 = %scan3A_651 to %scan3A_653 step %scan3A_654 iter_args(%scan3A_785 = %broadcast_in_dim3A_636, %scan3A_786 = %broadcast_in_dim3A_638, %scan3A_787 = %broadcast_in_dim3A_640, %scan3A_788 = %broadcast_in_dim3A_642, %scan3A_789 = %broadcast_in_dim3A_644, %scan3A_790 = %broadcast_in_dim3A_646, %scan3A_791 = %broadcast_in_dim3A_648, %scan3A_792 = %broadcast_in_dim3A_650) -> (vector<16xf32>, vector<16xf32>, vector<16xf32>, vector<16xf32>, vector<16xf32>, vector<16xf32>, vector<16xf32>, vector<16xf32>)  : i32 {
      %mul3A_793 = arith.constant 8 : i32
      %mul3A_794 = arith.muli %scan3A_784, %mul3A_793 : i32
      %add3A_795 = arith.constant 0 : i32
      %add3A_796 = arith.addi %mul3A_794, %add3A_795 : i32
      %mul3A_797 = arith.constant 16 : i32
      %mul3A_798 = arith.muli %add3A_796, %mul3A_797 : i32
      %get3A = arith.constant 0 : i32
      %get3A_799 = arith.index_cast %get3A : i32 to index
      %get3A_800 = arith.index_cast %mul3A_798 : i32 to index
      %get3A_801 = tpu.vector_load %arg4[%get3A_799, %get3A_800] {strides = array<i32>} : memref<2x8192xf32, #tpu.memory_space<vmem>>, vector<16xf32>,
      %add3A_802 = arith.addf %scan3A_785, %get3A_801 : vector<16xf32>
      %mul3A_803 = arith.constant 8 : i32
      %mul3A_804 = arith.muli %scan3A_784, %mul3A_803 : i32
      %add3A_805 = arith.constant 1 : i32
      %add3A_806 = arith.addi %mul3A_804, %add3A_805 : i32
      %mul3A_807 = arith.constant 16 : i32
      %mul3A_808 = arith.muli %add3A_806, %mul3A_807 : i32
      %get3A_809 = arith.constant 0 : i32
      %get3A_810 = arith.index_cast %get3A_809 : i32 to index
      %get3A_811 = arith.index_cast %mul3A_808 : i32 to index
      %get3A_812 = tpu.vector_load %arg4[%get3A_810, %get3A_811] {strides = array<i32>} : memref<2x8192xf32, #tpu.memory_space<vmem>>, vector<16xf32>,
      %add3A_813 = arith.addf %scan3A_786, %get3A_812 : vector<16xf32>
      %mul3A_814 = arith.constant 8 : i32
      %mul3A_815 = arith.muli %scan3A_784, %mul3A_814 : i32
      %add3A_816 = arith.constant 2 : i32
      %add3A_817 = arith.addi %mul3A_815, %add3A_816 : i32
      %mul3A_818 = arith.constant 16 : i32
      %mul3A_819 = arith.muli %add3A_817, %mul3A_818 : i32
      %get3A_820 = arith.constant 0 : i32
      %get3A_821 = arith.index_cast %get3A_820 : i32 to index
      %get3A_822 = arith.index_cast %mul3A_819 : i32 to index
      %get3A_823 = tpu.vector_load %arg4[%get3A_821, %get3A_822] {strides = array<i32>} : memref<2x8192xf32, #tpu.memory_space<vmem>>, vector<16xf32>,
      %add3A_824 = arith.addf %scan3A_787, %get3A_823 : vector<16xf32>
      %mul3A_825 = arith.constant 8 : i32
      %mul3A_826 = arith.muli %scan3A_784, %mul3A_825 : i32
      %add3A_827 = arith.constant 3 : i32
      %add3A_828 = arith.addi %mul3A_826, %add3A_827 : i32
      %mul3A_829 = arith.constant 16 : i32
      %mul3A_830 = arith.muli %add3A_828, %mul3A_829 : i32
      %get3A_831 = arith.constant 0 : i32
      %get3A_832 = arith.index_cast %get3A_831 : i32 to index
      %get3A_833 = arith.index_cast %mul3A_830 : i32 to index
      %get3A_834 = tpu.vector_load %arg4[%get3A_832, %get3A_833] {strides = array<i32>} : memref<2x8192xf32, #tpu.memory_space<vmem>>, vector<16xf32>,
      %add3A_835 = arith.addf %scan3A_788, %get3A_834 : vector<16xf32>
      %mul3A_836 = arith.constant 8 : i32
      %mul3A_837 = arith.muli %scan3A_784, %mul3A_836 : i32
      %add3A_838 = arith.constant 4 : i32
      %add3A_839 = arith.addi %mul3A_837, %add3A_838 : i32
      %mul3A_840 = arith.constant 16 : i32
      %mul3A_841 = arith.muli %add3A_839, %mul3A_840 : i32
      %get3A_842 = arith.constant 0 : i32
      %get3A_843 = arith.index_cast %get3A_842 : i32 to index
      %get3A_844 = arith.index_cast %mul3A_841 : i32 to index
      %get3A_845 = tpu.vector_load %arg4[%get3A_843, %get3A_844] {strides = array<i32>} : memref<2x8192xf32, #tpu.memory_space<vmem>>, vector<16xf32>,
      %add3A_846 = arith.addf %scan3A_789, %get3A_845 : vector<16xf32>
      %mul3A_847 = arith.constant 8 : i32
      %mul3A_848 = arith.muli %scan3A_784, %mul3A_847 : i32
      %add3A_849 = arith.constant 5 : i32
      %add3A_850 = arith.addi %mul3A_848, %add3A_849 : i32
      %mul3A_851 = arith.constant 16 : i32
      %mul3A_852 = arith.muli %add3A_850, %mul3A_851 : i32
      %get3A_853 = arith.constant 0 : i32
      %get3A_854 = arith.index_cast %get3A_853 : i32 to index
      %get3A_855 = arith.index_cast %mul3A_852 : i32 to index
      %get3A_856 = tpu.vector_load %arg4[%get3A_854, %get3A_855] {strides = array<i32>} : memref<2x8192xf32, #tpu.memory_space<vmem>>, vector<16xf32>,
      %add3A_857 = arith.addf %scan3A_790, %get3A_856 : vector<16xf32>
      %mul3A_858 = arith.constant 8 : i32
      %mul3A_859 = arith.muli %scan3A_784, %mul3A_858 : i32
      %add3A_860 = arith.constant 6 : i32
      %add3A_861 = arith.addi %mul3A_859, %add3A_860 : i32
      %mul3A_862 = arith.constant 16 : i32
      %mul3A_863 = arith.muli %add3A_861, %mul3A_862 : i32
      %get3A_864 = arith.constant 0 : i32
      %get3A_865 = arith.index_cast %get3A_864 : i32 to index
      %get3A_866 = arith.index_cast %mul3A_863 : i32 to index
      %get3A_867 = tpu.vector_load %arg4[%get3A_865, %get3A_866] {strides = array<i32>} : memref<2x8192xf32, #tpu.memory_space<vmem>>, vector<16xf32>,
      %add3A_868 = arith.addf %scan3A_791, %get3A_867 : vector<16xf32>
      %mul3A_869 = arith.constant 8 : i32
      %mul3A_870 = arith.muli %scan3A_784, %mul3A_869 : i32
      %add3A_871 = arith.constant 7 : i32
      %add3A_872 = arith.addi %mul3A_870, %add3A_871 : i32
      %mul3A_873 = arith.constant 16 : i32
      %mul3A_874 = arith.muli %add3A_872, %mul3A_873 : i32
      %get3A_875 = arith.constant 0 : i32
      %get3A_876 = arith.index_cast %get3A_875 : i32 to index
      %get3A_877 = arith.index_cast %mul3A_874 : i32 to index
      %get3A_878 = tpu.vector_load %arg4[%get3A_876, %get3A_877] {strides = array<i32>} : memref<2x8192xf32, #tpu.memory_space<vmem>>, vector<16xf32>,
      %add3A_879 = arith.addf %scan3A_792, %get3A_878 : vector<16xf32>
      scf.yield %add3A_802, %add3A_813, %add3A_824, %add3A_835, %add3A_846, %add3A_857, %add3A_868, %add3A_879 : vector<16xf32>, vector<16xf32>, vector<16xf32>, vector<16xf32>, vector<16xf32>, vector<16xf32>, vector<16xf32>, vector<16xf32>
    }
    %scan3A_656 = arith.constant 64 : i32
    %add3A_657 = arith.addf %scan3A_655#0, %scan3A_655#1 : vector<16xf32>
    %add3A_658 = arith.addf %scan3A_655#2, %scan3A_655#3 : vector<16xf32>
    %add3A_659 = arith.addf %add3A_657, %add3A_658 : vector<16xf32>
    %add3A_660 = arith.addf %scan3A_655#4, %scan3A_655#5 : vector<16xf32>
    %add3A_661 = arith.addf %scan3A_655#6, %scan3A_655#7 : vector<16xf32>
    %add3A_662 = arith.addf %add3A_660, %add3A_661 : vector<16xf32>
    %add3A_663 = arith.addf %add3A_659, %add3A_662 : vector<16xf32>
    %swap3A_664 = arith.constant 0 : index
    %swap3A_665 = tpu.vector_load %arg6[%swap3A_664] {strides = array<i32>} : memref<16xf32, #tpu.memory_space<vmem>>, vector<16xf32>,
    tpu.vector_store %arg6[%swap3A_664], %add3A_663 {strides = array<i32>} : memref<16xf32, #tpu.memory_space<vmem>>, vector<16xf32>,
    %xor3A_666 = arith.constant 8 : i32
    %xor3A_667 = vector.broadcast %xor3A_666 : i32 to vector<16xi32>
    %xor3A_668 = arith.xori %iota3A, %xor3A_667 : vector<16xi32>
    %gather3A_669 = tpu.vector_load_idx %arg6[%xor3A_668] : memref<16xf32, #tpu.memory_space<vmem>>[vector<16xi32>], vector<16xf32>,
    %add3A_670 = arith.addf %add3A_663, %gather3A_669 : vector<16xf32>
    %swap3A_671 = arith.constant 0 : index
    %swap3A_672 = tpu.vector_load %arg6[%swap3A_671] {strides = array<i32>} : memref<16xf32, #tpu.memory_space<vmem>>, vector<16xf32>,
    tpu.vector_store %arg6[%swap3A_671], %add3A_670 {strides = array<i32>} : memref<16xf32, #tpu.memory_space<vmem>>, vector<16xf32>,
    %xor3A_673 = arith.constant 4 : i32
    %xor3A_674 = vector.broadcast %xor3A_673 : i32 to vector<16xi32>
    %xor3A_675 = arith.xori %iota3A, %xor3A_674 : vector<16xi32>
    %gather3A_676 = tpu.vector_load_idx %arg6[%xor3A_675] : memref<16xf32, #tpu.memory_space<vmem>>[vector<16xi32>], vector<16xf32>,
    %add3A_677 = arith.addf %add3A_670, %gather3A_676 : vector<16xf32>
    %swap3A_678 = arith.constant 0 : index
    %swap3A_679 = tpu.vector_load %arg6[%swap3A_678] {strides = array<i32>} : memref<16xf32, #tpu.memory_space<vmem>>, vector<16xf32>,
    tpu.vector_store %arg6[%swap3A_678], %add3A_677 {strides = array<i32>} : memref<16xf32, #tpu.memory_space<vmem>>, vector<16xf32>,
    %xor3A_680 = arith.constant 2 : i32
    %xor3A_681 = vector.broadcast %xor3A_680 : i32 to vector<16xi32>
    %xor3A_682 = arith.xori %iota3A, %xor3A_681 : vector<16xi32>
    %gather3A_683 = tpu.vector_load_idx %arg6[%xor3A_682] : memref<16xf32, #tpu.memory_space<vmem>>[vector<16xi32>], vector<16xf32>,
    %add3A_684 = arith.addf %add3A_677, %gather3A_683 : vector<16xf32>
    %swap3A_685 = arith.constant 0 : index
    %swap3A_686 = tpu.vector_load %arg6[%swap3A_685] {strides = array<i32>} : memref<16xf32, #tpu.memory_space<vmem>>, vector<16xf32>,
    tpu.vector_store %arg6[%swap3A_685], %add3A_684 {strides = array<i32>} : memref<16xf32, #tpu.memory_space<vmem>>, vector<16xf32>,
    %xor3A_687 = arith.constant 1 : i32
    %xor3A_688 = vector.broadcast %xor3A_687 : i32 to vector<16xi32>
    %xor3A_689 = arith.xori %iota3A, %xor3A_688 : vector<16xi32>
    %gather3A_690 = tpu.vector_load_idx %arg6[%xor3A_689] : memref<16xf32, #tpu.memory_space<vmem>>[vector<16xi32>], vector<16xf32>,
    %add3A_691 = arith.addf %add3A_684, %gather3A_690 : vector<16xf32>
    %add3A_692 = arith.constant 8.192000e+03 : f32
    %add3A_693 = vector.broadcast %add3A_692 : f32 to vector<16xf32>
    %add3A_694 = arith.addf %add3A_691, %add3A_693 : vector<16xf32>
    %mul3A_695 = arith.constant 5.000000e-01 : f32
    %mul3A_696 = vector.broadcast %mul3A_695 : f32 to vector<16xf32>
    %mul3A_697 = arith.mulf %add3A_694, %mul3A_696 : vector<16xf32>
    %eq3A_698 = arith.constant 6 : i32
    %eq3A_699 = vector.broadcast %eq3A_698 : i32 to vector<16xi32>
    %eq3A_700 = arith.cmpi eq, %iota3A, %eq3A_699 : vector<16xi32>
    %select_n3A_701 = arith.select %eq3A_700, %mul3A_697, %select_n3A_602 : vector<16xi1>, vector<16xf32>
    %dma_wait3A_702 = arith.constant 1 : i32
    %dma_wait3A_703 = arith.constant 0 : i32
    %dma_wait3A_704 = tpu.memref_slice %arg4[%dma_wait3A_702, %dma_wait3A_703] : memref<2x8192xf32, #tpu.memory_space<vmem>> -> memref<1x8192xf32, #tpu.memory_space<vmem>>
    %dma_wait3A_705 = tpu.memref_squeeze %dma_wait3A_704 : memref<1x8192xf32, #tpu.memory_space<vmem>> -> memref<8192xf32, #tpu.memory_space<vmem>>
    %dma_wait3A_706 = arith.constant 0 : i32
    %dma_wait3A_707 = tpu.memref_slice %arg2[%add3A_621, %dma_wait3A_706] : memref<256x8192xf32, #tpu.memory_space<hbm>> -> memref<1x8192xf32, #tpu.memory_space<hbm>>
    %dma_wait3A_708 = tpu.memref_squeeze %dma_wait3A_707 : memref<1x8192xf32, #tpu.memory_space<hbm>> -> memref<8192xf32, #tpu.memory_space<hbm>>
    %dma_wait3A_709 = arith.constant 0 : i32
    %dma_wait3A_710 = tpu.memref_slice %arg4[%dma_wait3A_702, %dma_wait3A_709] : memref<2x8192xf32, #tpu.memory_space<vmem>> -> memref<1x8192xf32, #tpu.memory_space<vmem>>
    %dma_wait3A_711 = tpu.memref_squeeze %dma_wait3A_710 : memref<1x8192xf32, #tpu.memory_space<vmem>> -> memref<8192xf32, #tpu.memory_space<vmem>>
    %dma_wait3A_712 = arith.constant 0 : i32
    %dma_wait3A_713 = tpu.memref_slice %arg2[%add3A_621, %dma_wait3A_712] : memref<256x8192xf32, #tpu.memory_space<hbm>> -> memref<1x8192xf32, #tpu.memory_space<hbm>>
    %dma_wait3A_714 = tpu.memref_squeeze %dma_wait3A_713 : memref<1x8192xf32, #tpu.memory_space<hbm>> -> memref<8192xf32, #tpu.memory_space<hbm>>
    tpu.wait_dma2 semaphore(%arg8 : memref<!tpu.dma_semaphore, #tpu.memory_space<semaphore_mem>>) src(%dma_wait3A_714 : memref<8192xf32, #tpu.memory_space<hbm>>) dst(%dma_wait3A_711 : memref<8192xf32, #tpu.memory_space<vmem>>)
    %broadcast_in_dim3A_715 = arith.constant 0.000000e+00 : f32
    %broadcast_in_dim3A_716 = vector.broadcast %broadcast_in_dim3A_715 : f32 to vector<16xf32>
    %broadcast_in_dim3A_717 = arith.constant 0.000000e+00 : f32
    %broadcast_in_dim3A_718 = vector.broadcast %broadcast_in_dim3A_717 : f32 to vector<16xf32>
    %broadcast_in_dim3A_719 = arith.constant 0.000000e+00 : f32
    %broadcast_in_dim3A_720 = vector.broadcast %broadcast_in_dim3A_719 : f32 to vector<16xf32>
    %broadcast_in_dim3A_721 = arith.constant 0.000000e+00 : f32
    %broadcast_in_dim3A_722 = vector.broadcast %broadcast_in_dim3A_721 : f32 to vector<16xf32>
    %broadcast_in_dim3A_723 = arith.constant 0.000000e+00 : f32
    %broadcast_in_dim3A_724 = vector.broadcast %broadcast_in_dim3A_723 : f32 to vector<16xf32>
    %broadcast_in_dim3A_725 = arith.constant 0.000000e+00 : f32
    %broadcast_in_dim3A_726 = vector.broadcast %broadcast_in_dim3A_725 : f32 to vector<16xf32>
    %broadcast_in_dim3A_727 = arith.constant 0.000000e+00 : f32
    %broadcast_in_dim3A_728 = vector.broadcast %broadcast_in_dim3A_727 : f32 to vector<16xf32>
    %broadcast_in_dim3A_729 = arith.constant 0.000000e+00 : f32
    %broadcast_in_dim3A_730 = vector.broadcast %broadcast_in_dim3A_729 : f32 to vector<16xf32>
    %scan3A_731 = arith.constant 0 : i32
    %scan3A_732 = arith.constant 64 : i32
    %scan3A_733 = arith.addi %scan3A_731, %scan3A_732 : i32
    %scan3A_734 = arith.constant 1 : i32
    %scan3A_735:8 = scf.for %scan3A_784 = %scan3A_731 to %scan3A_733 step %scan3A_734 iter_args(%scan3A_785 = %broadcast_in_dim3A_716, %scan3A_786 = %broadcast_in_dim3A_718, %scan3A_787 = %broadcast_in_dim3A_720, %scan3A_788 = %broadcast_in_dim3A_722, %scan3A_789 = %broadcast_in_dim3A_724, %scan3A_790 = %broadcast_in_dim3A_726, %scan3A_791 = %broadcast_in_dim3A_728, %scan3A_792 = %broadcast_in_dim3A_730) -> (vector<16xf32>, vector<16xf32>, vector<16xf32>, vector<16xf32>, vector<16xf32>, vector<16xf32>, vector<16xf32>, vector<16xf32>)  : i32 {
      %mul3A_793 = arith.constant 8 : i32
      %mul3A_794 = arith.muli %scan3A_784, %mul3A_793 : i32
      %add3A_795 = arith.constant 0 : i32
      %add3A_796 = arith.addi %mul3A_794, %add3A_795 : i32
      %mul3A_797 = arith.constant 16 : i32
      %mul3A_798 = arith.muli %add3A_796, %mul3A_797 : i32
      %get3A = arith.constant 1 : i32
      %get3A_799 = arith.index_cast %get3A : i32 to index
      %get3A_800 = arith.index_cast %mul3A_798 : i32 to index
      %get3A_801 = tpu.vector_load %arg4[%get3A_799, %get3A_800] {strides = array<i32>} : memref<2x8192xf32, #tpu.memory_space<vmem>>, vector<16xf32>,
      %add3A_802 = arith.addf %scan3A_785, %get3A_801 : vector<16xf32>
      %mul3A_803 = arith.constant 8 : i32
      %mul3A_804 = arith.muli %scan3A_784, %mul3A_803 : i32
      %add3A_805 = arith.constant 1 : i32
      %add3A_806 = arith.addi %mul3A_804, %add3A_805 : i32
      %mul3A_807 = arith.constant 16 : i32
      %mul3A_808 = arith.muli %add3A_806, %mul3A_807 : i32
      %get3A_809 = arith.constant 1 : i32
      %get3A_810 = arith.index_cast %get3A_809 : i32 to index
      %get3A_811 = arith.index_cast %mul3A_808 : i32 to index
      %get3A_812 = tpu.vector_load %arg4[%get3A_810, %get3A_811] {strides = array<i32>} : memref<2x8192xf32, #tpu.memory_space<vmem>>, vector<16xf32>,
      %add3A_813 = arith.addf %scan3A_786, %get3A_812 : vector<16xf32>
      %mul3A_814 = arith.constant 8 : i32
      %mul3A_815 = arith.muli %scan3A_784, %mul3A_814 : i32
      %add3A_816 = arith.constant 2 : i32
      %add3A_817 = arith.addi %mul3A_815, %add3A_816 : i32
      %mul3A_818 = arith.constant 16 : i32
      %mul3A_819 = arith.muli %add3A_817, %mul3A_818 : i32
      %get3A_820 = arith.constant 1 : i32
      %get3A_821 = arith.index_cast %get3A_820 : i32 to index
      %get3A_822 = arith.index_cast %mul3A_819 : i32 to index
      %get3A_823 = tpu.vector_load %arg4[%get3A_821, %get3A_822] {strides = array<i32>} : memref<2x8192xf32, #tpu.memory_space<vmem>>, vector<16xf32>,
      %add3A_824 = arith.addf %scan3A_787, %get3A_823 : vector<16xf32>
      %mul3A_825 = arith.constant 8 : i32
      %mul3A_826 = arith.muli %scan3A_784, %mul3A_825 : i32
      %add3A_827 = arith.constant 3 : i32
      %add3A_828 = arith.addi %mul3A_826, %add3A_827 : i32
      %mul3A_829 = arith.constant 16 : i32
      %mul3A_830 = arith.muli %add3A_828, %mul3A_829 : i32
      %get3A_831 = arith.constant 1 : i32
      %get3A_832 = arith.index_cast %get3A_831 : i32 to index
      %get3A_833 = arith.index_cast %mul3A_830 : i32 to index
      %get3A_834 = tpu.vector_load %arg4[%get3A_832, %get3A_833] {strides = array<i32>} : memref<2x8192xf32, #tpu.memory_space<vmem>>, vector<16xf32>,
      %add3A_835 = arith.addf %scan3A_788, %get3A_834 : vector<16xf32>
      %mul3A_836 = arith.constant 8 : i32
      %mul3A_837 = arith.muli %scan3A_784, %mul3A_836 : i32
      %add3A_838 = arith.constant 4 : i32
      %add3A_839 = arith.addi %mul3A_837, %add3A_838 : i32
      %mul3A_840 = arith.constant 16 : i32
      %mul3A_841 = arith.muli %add3A_839, %mul3A_840 : i32
      %get3A_842 = arith.constant 1 : i32
      %get3A_843 = arith.index_cast %get3A_842 : i32 to index
      %get3A_844 = arith.index_cast %mul3A_841 : i32 to index
      %get3A_845 = tpu.vector_load %arg4[%get3A_843, %get3A_844] {strides = array<i32>} : memref<2x8192xf32, #tpu.memory_space<vmem>>, vector<16xf32>,
      %add3A_846 = arith.addf %scan3A_789, %get3A_845 : vector<16xf32>
      %mul3A_847 = arith.constant 8 : i32
      %mul3A_848 = arith.muli %scan3A_784, %mul3A_847 : i32
      %add3A_849 = arith.constant 5 : i32
      %add3A_850 = arith.addi %mul3A_848, %add3A_849 : i32
      %mul3A_851 = arith.constant 16 : i32
      %mul3A_852 = arith.muli %add3A_850, %mul3A_851 : i32
      %get3A_853 = arith.constant 1 : i32
      %get3A_854 = arith.index_cast %get3A_853 : i32 to index
      %get3A_855 = arith.index_cast %mul3A_852 : i32 to index
      %get3A_856 = tpu.vector_load %arg4[%get3A_854, %get3A_855] {strides = array<i32>} : memref<2x8192xf32, #tpu.memory_space<vmem>>, vector<16xf32>,
      %add3A_857 = arith.addf %scan3A_790, %get3A_856 : vector<16xf32>
      %mul3A_858 = arith.constant 8 : i32
      %mul3A_859 = arith.muli %scan3A_784, %mul3A_858 : i32
      %add3A_860 = arith.constant 6 : i32
      %add3A_861 = arith.addi %mul3A_859, %add3A_860 : i32
      %mul3A_862 = arith.constant 16 : i32
      %mul3A_863 = arith.muli %add3A_861, %mul3A_862 : i32
      %get3A_864 = arith.constant 1 : i32
      %get3A_865 = arith.index_cast %get3A_864 : i32 to index
      %get3A_866 = arith.index_cast %mul3A_863 : i32 to index
      %get3A_867 = tpu.vector_load %arg4[%get3A_865, %get3A_866] {strides = array<i32>} : memref<2x8192xf32, #tpu.memory_space<vmem>>, vector<16xf32>,
      %add3A_868 = arith.addf %scan3A_791, %get3A_867 : vector<16xf32>
      %mul3A_869 = arith.constant 8 : i32
      %mul3A_870 = arith.muli %scan3A_784, %mul3A_869 : i32
      %add3A_871 = arith.constant 7 : i32
      %add3A_872 = arith.addi %mul3A_870, %add3A_871 : i32
      %mul3A_873 = arith.constant 16 : i32
      %mul3A_874 = arith.muli %add3A_872, %mul3A_873 : i32
      %get3A_875 = arith.constant 1 : i32
      %get3A_876 = arith.index_cast %get3A_875 : i32 to index
      %get3A_877 = arith.index_cast %mul3A_874 : i32 to index
      %get3A_878 = tpu.vector_load %arg4[%get3A_876, %get3A_877] {strides = array<i32>} : memref<2x8192xf32, #tpu.memory_space<vmem>>, vector<16xf32>,
      %add3A_879 = arith.addf %scan3A_792, %get3A_878 : vector<16xf32>
      scf.yield %add3A_802, %add3A_813, %add3A_824, %add3A_835, %add3A_846, %add3A_857, %add3A_868, %add3A_879 : vector<16xf32>, vector<16xf32>, vector<16xf32>, vector<16xf32>, vector<16xf32>, vector<16xf32>, vector<16xf32>, vector<16xf32>
    }
    %scan3A_736 = arith.constant 64 : i32
    %add3A_737 = arith.addf %scan3A_735#0, %scan3A_735#1 : vector<16xf32>
    %add3A_738 = arith.addf %scan3A_735#2, %scan3A_735#3 : vector<16xf32>
    %add3A_739 = arith.addf %add3A_737, %add3A_738 : vector<16xf32>
    %add3A_740 = arith.addf %scan3A_735#4, %scan3A_735#5 : vector<16xf32>
    %add3A_741 = arith.addf %scan3A_735#6, %scan3A_735#7 : vector<16xf32>
    %add3A_742 = arith.addf %add3A_740, %add3A_741 : vector<16xf32>
    %add3A_743 = arith.addf %add3A_739, %add3A_742 : vector<16xf32>
    %swap3A_744 = arith.constant 0 : index
    %swap3A_745 = tpu.vector_load %arg6[%swap3A_744] {strides = array<i32>} : memref<16xf32, #tpu.memory_space<vmem>>, vector<16xf32>,
    tpu.vector_store %arg6[%swap3A_744], %add3A_743 {strides = array<i32>} : memref<16xf32, #tpu.memory_space<vmem>>, vector<16xf32>,
    %xor3A_746 = arith.constant 8 : i32
    %xor3A_747 = vector.broadcast %xor3A_746 : i32 to vector<16xi32>
    %xor3A_748 = arith.xori %iota3A, %xor3A_747 : vector<16xi32>
    %gather3A_749 = tpu.vector_load_idx %arg6[%xor3A_748] : memref<16xf32, #tpu.memory_space<vmem>>[vector<16xi32>], vector<16xf32>,
    %add3A_750 = arith.addf %add3A_743, %gather3A_749 : vector<16xf32>
    %swap3A_751 = arith.constant 0 : index
    %swap3A_752 = tpu.vector_load %arg6[%swap3A_751] {strides = array<i32>} : memref<16xf32, #tpu.memory_space<vmem>>, vector<16xf32>,
    tpu.vector_store %arg6[%swap3A_751], %add3A_750 {strides = array<i32>} : memref<16xf32, #tpu.memory_space<vmem>>, vector<16xf32>,
    %xor3A_753 = arith.constant 4 : i32
    %xor3A_754 = vector.broadcast %xor3A_753 : i32 to vector<16xi32>
    %xor3A_755 = arith.xori %iota3A, %xor3A_754 : vector<16xi32>
    %gather3A_756 = tpu.vector_load_idx %arg6[%xor3A_755] : memref<16xf32, #tpu.memory_space<vmem>>[vector<16xi32>], vector<16xf32>,
    %add3A_757 = arith.addf %add3A_750, %gather3A_756 : vector<16xf32>
    %swap3A_758 = arith.constant 0 : index
    %swap3A_759 = tpu.vector_load %arg6[%swap3A_758] {strides = array<i32>} : memref<16xf32, #tpu.memory_space<vmem>>, vector<16xf32>,
    tpu.vector_store %arg6[%swap3A_758], %add3A_757 {strides = array<i32>} : memref<16xf32, #tpu.memory_space<vmem>>, vector<16xf32>,
    %xor3A_760 = arith.constant 2 : i32
    %xor3A_761 = vector.broadcast %xor3A_760 : i32 to vector<16xi32>
    %xor3A_762 = arith.xori %iota3A, %xor3A_761 : vector<16xi32>
    %gather3A_763 = tpu.vector_load_idx %arg6[%xor3A_762] : memref<16xf32, #tpu.memory_space<vmem>>[vector<16xi32>], vector<16xf32>,
    %add3A_764 = arith.addf %add3A_757, %gather3A_763 : vector<16xf32>
    %swap3A_765 = arith.constant 0 : index
    %swap3A_766 = tpu.vector_load %arg6[%swap3A_765] {strides = array<i32>} : memref<16xf32, #tpu.memory_space<vmem>>, vector<16xf32>,
    tpu.vector_store %arg6[%swap3A_765], %add3A_764 {strides = array<i32>} : memref<16xf32, #tpu.memory_space<vmem>>, vector<16xf32>,
    %xor3A_767 = arith.constant 1 : i32
    %xor3A_768 = vector.broadcast %xor3A_767 : i32 to vector<16xi32>
    %xor3A_769 = arith.xori %iota3A, %xor3A_768 : vector<16xi32>
    %gather3A_770 = tpu.vector_load_idx %arg6[%xor3A_769] : memref<16xf32, #tpu.memory_space<vmem>>[vector<16xi32>], vector<16xf32>,
    %add3A_771 = arith.addf %add3A_764, %gather3A_770 : vector<16xf32>
    %add3A_772 = arith.constant 8.192000e+03 : f32
    %add3A_773 = vector.broadcast %add3A_772 : f32 to vector<16xf32>
    %add3A_774 = arith.addf %add3A_771, %add3A_773 : vector<16xf32>
    %mul3A_775 = arith.constant 5.000000e-01 : f32
    %mul3A_776 = vector.broadcast %mul3A_775 : f32 to vector<16xf32>
    %mul3A_777 = arith.mulf %add3A_774, %mul3A_776 : vector<16xf32>
    %eq3A_778 = arith.constant 7 : i32
    %eq3A_779 = vector.broadcast %eq3A_778 : i32 to vector<16xi32>
    %eq3A_780 = arith.cmpi eq, %iota3A, %eq3A_779 : vector<16xi32>
    %select_n3A_781 = arith.select %eq3A_780, %mul3A_777, %select_n3A_701 : vector<16xi1>, vector<16xf32>
    %swap3A_782 = arith.constant 0 : index
    %swap3A_783 = tpu.vector_load %arg5[%swap3A_782] {strides = array<i32>} : memref<16xf32, #tpu.memory_space<vmem>>, vector<16xf32>,
    tpu.vector_store %arg5[%swap3A_782], %select_n3A_781 {strides = array<i32>} : memref<16xf32, #tpu.memory_space<vmem>>, vector<16xf32>,
    "tpu.region"() ({
      %run_scoped3A = tpu.sem_alloc : memref<!tpu.dma_semaphore, #tpu.memory_space<semaphore_mem>>
      %dma_start3A_784 = arith.constant 0 : i32
      %dma_start3A_785 = tpu.memref_slice %arg3[%add3A, %dma_start3A_784] : memref<32x16xf32, #tpu.memory_space<hbm>> -> memref<1x16xf32, #tpu.memory_space<hbm>>
      %dma_start3A_786 = tpu.memref_squeeze %dma_start3A_785 : memref<1x16xf32, #tpu.memory_space<hbm>> -> memref<16xf32, #tpu.memory_space<hbm>>
      %dma_start3A_787 = arith.constant 0 : i32
      %dma_start3A_788 = tpu.memref_slice %arg3[%add3A, %dma_start3A_787] : memref<32x16xf32, #tpu.memory_space<hbm>> -> memref<1x16xf32, #tpu.memory_space<hbm>>
      %dma_start3A_789 = tpu.memref_squeeze %dma_start3A_788 : memref<1x16xf32, #tpu.memory_space<hbm>> -> memref<16xf32, #tpu.memory_space<hbm>>
      tpu.enqueue_dma source(%arg5 : memref<16xf32, #tpu.memory_space<vmem>>) target(%dma_start3A_789 : memref<16xf32, #tpu.memory_space<hbm>>) target_semaphore(%run_scoped3A : memref<!tpu.dma_semaphore, #tpu.memory_space<semaphore_mem>>)
      %dma_wait3A_790 = arith.constant 0 : i32
      %dma_wait3A_791 = tpu.memref_slice %arg3[%add3A, %dma_wait3A_790] : memref<32x16xf32, #tpu.memory_space<hbm>> -> memref<1x16xf32, #tpu.memory_space<hbm>>
      %dma_wait3A_792 = tpu.memref_squeeze %dma_wait3A_791 : memref<1x16xf32, #tpu.memory_space<hbm>> -> memref<16xf32, #tpu.memory_space<hbm>>
      %dma_wait3A_793 = arith.constant 0 : i32
      %dma_wait3A_794 = tpu.memref_slice %arg3[%add3A, %dma_wait3A_793] : memref<32x16xf32, #tpu.memory_space<hbm>> -> memref<1x16xf32, #tpu.memory_space<hbm>>
      %dma_wait3A_795 = tpu.memref_squeeze %dma_wait3A_794 : memref<1x16xf32, #tpu.memory_space<hbm>> -> memref<16xf32, #tpu.memory_space<hbm>>
      tpu.wait_dma2 semaphore(%run_scoped3A : memref<!tpu.dma_semaphore, #tpu.memory_space<semaphore_mem>>) src(%arg5 : memref<16xf32, #tpu.memory_space<vmem>>) dst(%dma_wait3A_795 : memref<16xf32, #tpu.memory_space<hbm>>)
      tpu.yield
    }) : () -> ()
    return
  }
}

#map = affine_map<(d0, d1) -> (0)>
module attributes {stable_mosaic.version = 14 : i64} {
  func.func @_sc_gather(%arg0: i32, %arg1: i32, %arg2: memref<5632xf32, #tpu.memory_space<hbm>>, %arg3: memref<512xf32, #tpu.memory_space<hbm>>, %arg4: memref<5632xf32, #tpu.memory_space<hbm>>, %arg5: memref<176xf32, #tpu.memory_space<vmem>>, %arg6: memref<512xf32, #tpu.memory_space<vmem>>, %arg7: memref<176xf32, #tpu.memory_space<vmem>>) attributes {dimension_semantics = [#tpu.dimension_semantics<core_parallel>, #tpu.dimension_semantics<subcore_parallel>], iteration_bounds = array<i64: 2, 16>, scalar_prefetch = 0 : i64, scratch_operands = 3 : i64, tpu.core_type = #tpu.core_type<sc_vector_subcore>, window_params = [{transform_indices = #map}, {transform_indices = #map}, {transform_indices = #map}]} {
    %mul3A = arith.constant 2 : i32
    %mul3A_0 = arith.muli %arg1, %mul3A : i32
    %add3A = arith.addi %mul3A_0, %arg0 : i32
    %mul3A_1 = arith.constant 176 : i32
    %mul3A_2 = arith.muli %add3A, %mul3A_1 : i32
    "tpu.region"() ({
      %run_scoped3A = tpu.sem_alloc : memref<!tpu.dma_semaphore, #tpu.memory_space<semaphore_mem>>
      %dma_start3A = tpu.memref_slice %arg2[%mul3A_2] : memref<5632xf32, #tpu.memory_space<hbm>> -> memref<176xf32, #tpu.memory_space<hbm>>
      %dma_start3A_301 = tpu.memref_slice %arg2[%mul3A_2] : memref<5632xf32, #tpu.memory_space<hbm>> -> memref<176xf32, #tpu.memory_space<hbm>>
      tpu.enqueue_dma source(%dma_start3A_301 : memref<176xf32, #tpu.memory_space<hbm>>) target(%arg5 : memref<176xf32, #tpu.memory_space<vmem>>) target_semaphore(%run_scoped3A : memref<!tpu.dma_semaphore, #tpu.memory_space<semaphore_mem>>)
      %dma_wait3A = tpu.memref_slice %arg2[%mul3A_2] : memref<5632xf32, #tpu.memory_space<hbm>> -> memref<176xf32, #tpu.memory_space<hbm>>
      %dma_wait3A_302 = tpu.memref_slice %arg2[%mul3A_2] : memref<5632xf32, #tpu.memory_space<hbm>> -> memref<176xf32, #tpu.memory_space<hbm>>
      tpu.wait_dma2 semaphore(%run_scoped3A : memref<!tpu.dma_semaphore, #tpu.memory_space<semaphore_mem>>) src(%dma_wait3A_302 : memref<176xf32, #tpu.memory_space<hbm>>) dst(%arg5 : memref<176xf32, #tpu.memory_space<vmem>>)
      tpu.yield
    }) : () -> ()
    "tpu.region"() ({
      %run_scoped3A = tpu.sem_alloc : memref<!tpu.dma_semaphore, #tpu.memory_space<semaphore_mem>>
      tpu.enqueue_dma source(%arg3 : memref<512xf32, #tpu.memory_space<hbm>>) target(%arg6 : memref<512xf32, #tpu.memory_space<vmem>>) target_semaphore(%run_scoped3A : memref<!tpu.dma_semaphore, #tpu.memory_space<semaphore_mem>>)
      tpu.wait_dma2 semaphore(%run_scoped3A : memref<!tpu.dma_semaphore, #tpu.memory_space<semaphore_mem>>) src(%arg3 : memref<512xf32, #tpu.memory_space<hbm>>) dst(%arg6 : memref<512xf32, #tpu.memory_space<vmem>>)
      tpu.yield
    }) : () -> ()
    %get3A = arith.constant 0 : index
    %get3A_3 = tpu.vector_load %arg5[%get3A] {strides = array<i32>} : memref<176xf32, #tpu.memory_space<vmem>>, vector<16xf32>,
    %mul3A_4 = arith.constant 2.550000e+02 : f32
    %mul3A_5 = vector.broadcast %mul3A_4 : f32 to vector<16xf32>
    %mul3A_6 = arith.mulf %get3A_3, %mul3A_5 : vector<16xf32>
    %add3A_7 = arith.constant 5.000000e-01 : f32
    %add3A_8 = vector.broadcast %add3A_7 : f32 to vector<16xf32>
    %add3A_9 = arith.addf %mul3A_6, %add3A_8 : vector<16xf32>
    %jit3A = arith.constant 0.000000e+00 : f32
    %jit3A_10 = arith.constant 2.550000e+02 : f32
    %max3A = vector.broadcast %jit3A : f32 to vector<16xf32>
    %max3A_11 = arith.maximumf %max3A, %add3A_9 : vector<16xf32>
    %min3A = vector.broadcast %jit3A_10 : f32 to vector<16xf32>
    %min3A_12 = arith.minimumf %min3A, %max3A_11 : vector<16xf32>
    %convert_element_type3A = arith.fptosi %min3A_12 : vector<16xf32> to vector<16xi32>
    %shift_right_arithmetic3A = arith.constant 3 : i32
    %shift_right_arithmetic3A_13 = vector.broadcast %shift_right_arithmetic3A : i32 to vector<16xi32>
    %shift_right_arithmetic3A_14 = arith.shrsi %convert_element_type3A, %shift_right_arithmetic3A_13 : vector<16xi32>
    %shift_left3A = arith.constant 4 : i32
    %shift_left3A_15 = vector.broadcast %shift_left3A : i32 to vector<16xi32>
    %shift_left3A_16 = arith.shli %shift_right_arithmetic3A_14, %shift_left3A_15 : vector<16xi32>
    %and3A = arith.constant 7 : i32
    %and3A_17 = vector.broadcast %and3A : i32 to vector<16xi32>
    %and3A_18 = arith.andi %convert_element_type3A, %and3A_17 : vector<16xi32>
    %add3A_19 = arith.addi %shift_left3A_16, %and3A_18 : vector<16xi32>
    %gather3A = tpu.vector_load_idx %arg6[%add3A_19] : memref<512xf32, #tpu.memory_space<vmem>>[vector<16xi32>], vector<16xf32>,
    %swap3A = arith.constant 0 : index
    %swap3A_20 = tpu.vector_load %arg7[%swap3A] {strides = array<i32>} : memref<176xf32, #tpu.memory_space<vmem>>, vector<16xf32>,
    tpu.vector_store %arg7[%swap3A], %gather3A {strides = array<i32>} : memref<176xf32, #tpu.memory_space<vmem>>, vector<16xf32>,
    %get3A_21 = arith.constant 16 : index
    %get3A_22 = tpu.vector_load %arg5[%get3A_21] {strides = array<i32>} : memref<176xf32, #tpu.memory_space<vmem>>, vector<16xf32>,
    %mul3A_23 = arith.constant 2.550000e+02 : f32
    %mul3A_24 = vector.broadcast %mul3A_23 : f32 to vector<16xf32>
    %mul3A_25 = arith.mulf %get3A_22, %mul3A_24 : vector<16xf32>
    %add3A_26 = arith.constant 5.000000e-01 : f32
    %add3A_27 = vector.broadcast %add3A_26 : f32 to vector<16xf32>
    %add3A_28 = arith.addf %mul3A_25, %add3A_27 : vector<16xf32>
    %jit3A_29 = arith.constant 0.000000e+00 : f32
    %jit3A_30 = arith.constant 2.550000e+02 : f32
    %max3A_31 = vector.broadcast %jit3A_29 : f32 to vector<16xf32>
    %max3A_32 = arith.maximumf %max3A_31, %add3A_28 : vector<16xf32>
    %min3A_33 = vector.broadcast %jit3A_30 : f32 to vector<16xf32>
    %min3A_34 = arith.minimumf %min3A_33, %max3A_32 : vector<16xf32>
    %convert_element_type3A_35 = arith.fptosi %min3A_34 : vector<16xf32> to vector<16xi32>
    %shift_right_arithmetic3A_36 = arith.constant 3 : i32
    %shift_right_arithmetic3A_37 = vector.broadcast %shift_right_arithmetic3A_36 : i32 to vector<16xi32>
    %shift_right_arithmetic3A_38 = arith.shrsi %convert_element_type3A_35, %shift_right_arithmetic3A_37 : vector<16xi32>
    %shift_left3A_39 = arith.constant 4 : i32
    %shift_left3A_40 = vector.broadcast %shift_left3A_39 : i32 to vector<16xi32>
    %shift_left3A_41 = arith.shli %shift_right_arithmetic3A_38, %shift_left3A_40 : vector<16xi32>
    %and3A_42 = arith.constant 7 : i32
    %and3A_43 = vector.broadcast %and3A_42 : i32 to vector<16xi32>
    %and3A_44 = arith.andi %convert_element_type3A_35, %and3A_43 : vector<16xi32>
    %add3A_45 = arith.addi %shift_left3A_41, %and3A_44 : vector<16xi32>
    %gather3A_46 = tpu.vector_load_idx %arg6[%add3A_45] : memref<512xf32, #tpu.memory_space<vmem>>[vector<16xi32>], vector<16xf32>,
    %swap3A_47 = arith.constant 16 : index
    %swap3A_48 = tpu.vector_load %arg7[%swap3A_47] {strides = array<i32>} : memref<176xf32, #tpu.memory_space<vmem>>, vector<16xf32>,
    tpu.vector_store %arg7[%swap3A_47], %gather3A_46 {strides = array<i32>} : memref<176xf32, #tpu.memory_space<vmem>>, vector<16xf32>,
    %get3A_49 = arith.constant 32 : index
    %get3A_50 = tpu.vector_load %arg5[%get3A_49] {strides = array<i32>} : memref<176xf32, #tpu.memory_space<vmem>>, vector<16xf32>,
    %mul3A_51 = arith.constant 2.550000e+02 : f32
    %mul3A_52 = vector.broadcast %mul3A_51 : f32 to vector<16xf32>
    %mul3A_53 = arith.mulf %get3A_50, %mul3A_52 : vector<16xf32>
    %add3A_54 = arith.constant 5.000000e-01 : f32
    %add3A_55 = vector.broadcast %add3A_54 : f32 to vector<16xf32>
    %add3A_56 = arith.addf %mul3A_53, %add3A_55 : vector<16xf32>
    %jit3A_57 = arith.constant 0.000000e+00 : f32
    %jit3A_58 = arith.constant 2.550000e+02 : f32
    %max3A_59 = vector.broadcast %jit3A_57 : f32 to vector<16xf32>
    %max3A_60 = arith.maximumf %max3A_59, %add3A_56 : vector<16xf32>
    %min3A_61 = vector.broadcast %jit3A_58 : f32 to vector<16xf32>
    %min3A_62 = arith.minimumf %min3A_61, %max3A_60 : vector<16xf32>
    %convert_element_type3A_63 = arith.fptosi %min3A_62 : vector<16xf32> to vector<16xi32>
    %shift_right_arithmetic3A_64 = arith.constant 3 : i32
    %shift_right_arithmetic3A_65 = vector.broadcast %shift_right_arithmetic3A_64 : i32 to vector<16xi32>
    %shift_right_arithmetic3A_66 = arith.shrsi %convert_element_type3A_63, %shift_right_arithmetic3A_65 : vector<16xi32>
    %shift_left3A_67 = arith.constant 4 : i32
    %shift_left3A_68 = vector.broadcast %shift_left3A_67 : i32 to vector<16xi32>
    %shift_left3A_69 = arith.shli %shift_right_arithmetic3A_66, %shift_left3A_68 : vector<16xi32>
    %and3A_70 = arith.constant 7 : i32
    %and3A_71 = vector.broadcast %and3A_70 : i32 to vector<16xi32>
    %and3A_72 = arith.andi %convert_element_type3A_63, %and3A_71 : vector<16xi32>
    %add3A_73 = arith.addi %shift_left3A_69, %and3A_72 : vector<16xi32>
    %gather3A_74 = tpu.vector_load_idx %arg6[%add3A_73] : memref<512xf32, #tpu.memory_space<vmem>>[vector<16xi32>], vector<16xf32>,
    %swap3A_75 = arith.constant 32 : index
    %swap3A_76 = tpu.vector_load %arg7[%swap3A_75] {strides = array<i32>} : memref<176xf32, #tpu.memory_space<vmem>>, vector<16xf32>,
    tpu.vector_store %arg7[%swap3A_75], %gather3A_74 {strides = array<i32>} : memref<176xf32, #tpu.memory_space<vmem>>, vector<16xf32>,
    %get3A_77 = arith.constant 48 : index
    %get3A_78 = tpu.vector_load %arg5[%get3A_77] {strides = array<i32>} : memref<176xf32, #tpu.memory_space<vmem>>, vector<16xf32>,
    %mul3A_79 = arith.constant 2.550000e+02 : f32
    %mul3A_80 = vector.broadcast %mul3A_79 : f32 to vector<16xf32>
    %mul3A_81 = arith.mulf %get3A_78, %mul3A_80 : vector<16xf32>
    %add3A_82 = arith.constant 5.000000e-01 : f32
    %add3A_83 = vector.broadcast %add3A_82 : f32 to vector<16xf32>
    %add3A_84 = arith.addf %mul3A_81, %add3A_83 : vector<16xf32>
    %jit3A_85 = arith.constant 0.000000e+00 : f32
    %jit3A_86 = arith.constant 2.550000e+02 : f32
    %max3A_87 = vector.broadcast %jit3A_85 : f32 to vector<16xf32>
    %max3A_88 = arith.maximumf %max3A_87, %add3A_84 : vector<16xf32>
    %min3A_89 = vector.broadcast %jit3A_86 : f32 to vector<16xf32>
    %min3A_90 = arith.minimumf %min3A_89, %max3A_88 : vector<16xf32>
    %convert_element_type3A_91 = arith.fptosi %min3A_90 : vector<16xf32> to vector<16xi32>
    %shift_right_arithmetic3A_92 = arith.constant 3 : i32
    %shift_right_arithmetic3A_93 = vector.broadcast %shift_right_arithmetic3A_92 : i32 to vector<16xi32>
    %shift_right_arithmetic3A_94 = arith.shrsi %convert_element_type3A_91, %shift_right_arithmetic3A_93 : vector<16xi32>
    %shift_left3A_95 = arith.constant 4 : i32
    %shift_left3A_96 = vector.broadcast %shift_left3A_95 : i32 to vector<16xi32>
    %shift_left3A_97 = arith.shli %shift_right_arithmetic3A_94, %shift_left3A_96 : vector<16xi32>
    %and3A_98 = arith.constant 7 : i32
    %and3A_99 = vector.broadcast %and3A_98 : i32 to vector<16xi32>
    %and3A_100 = arith.andi %convert_element_type3A_91, %and3A_99 : vector<16xi32>
    %add3A_101 = arith.addi %shift_left3A_97, %and3A_100 : vector<16xi32>
    %gather3A_102 = tpu.vector_load_idx %arg6[%add3A_101] : memref<512xf32, #tpu.memory_space<vmem>>[vector<16xi32>], vector<16xf32>,
    %swap3A_103 = arith.constant 48 : index
    %swap3A_104 = tpu.vector_load %arg7[%swap3A_103] {strides = array<i32>} : memref<176xf32, #tpu.memory_space<vmem>>, vector<16xf32>,
    tpu.vector_store %arg7[%swap3A_103], %gather3A_102 {strides = array<i32>} : memref<176xf32, #tpu.memory_space<vmem>>, vector<16xf32>,
    %get3A_105 = arith.constant 64 : index
    %get3A_106 = tpu.vector_load %arg5[%get3A_105] {strides = array<i32>} : memref<176xf32, #tpu.memory_space<vmem>>, vector<16xf32>,
    %mul3A_107 = arith.constant 2.550000e+02 : f32
    %mul3A_108 = vector.broadcast %mul3A_107 : f32 to vector<16xf32>
    %mul3A_109 = arith.mulf %get3A_106, %mul3A_108 : vector<16xf32>
    %add3A_110 = arith.constant 5.000000e-01 : f32
    %add3A_111 = vector.broadcast %add3A_110 : f32 to vector<16xf32>
    %add3A_112 = arith.addf %mul3A_109, %add3A_111 : vector<16xf32>
    %jit3A_113 = arith.constant 0.000000e+00 : f32
    %jit3A_114 = arith.constant 2.550000e+02 : f32
    %max3A_115 = vector.broadcast %jit3A_113 : f32 to vector<16xf32>
    %max3A_116 = arith.maximumf %max3A_115, %add3A_112 : vector<16xf32>
    %min3A_117 = vector.broadcast %jit3A_114 : f32 to vector<16xf32>
    %min3A_118 = arith.minimumf %min3A_117, %max3A_116 : vector<16xf32>
    %convert_element_type3A_119 = arith.fptosi %min3A_118 : vector<16xf32> to vector<16xi32>
    %shift_right_arithmetic3A_120 = arith.constant 3 : i32
    %shift_right_arithmetic3A_121 = vector.broadcast %shift_right_arithmetic3A_120 : i32 to vector<16xi32>
    %shift_right_arithmetic3A_122 = arith.shrsi %convert_element_type3A_119, %shift_right_arithmetic3A_121 : vector<16xi32>
    %shift_left3A_123 = arith.constant 4 : i32
    %shift_left3A_124 = vector.broadcast %shift_left3A_123 : i32 to vector<16xi32>
    %shift_left3A_125 = arith.shli %shift_right_arithmetic3A_122, %shift_left3A_124 : vector<16xi32>
    %and3A_126 = arith.constant 7 : i32
    %and3A_127 = vector.broadcast %and3A_126 : i32 to vector<16xi32>
    %and3A_128 = arith.andi %convert_element_type3A_119, %and3A_127 : vector<16xi32>
    %add3A_129 = arith.addi %shift_left3A_125, %and3A_128 : vector<16xi32>
    %gather3A_130 = tpu.vector_load_idx %arg6[%add3A_129] : memref<512xf32, #tpu.memory_space<vmem>>[vector<16xi32>], vector<16xf32>,
    %swap3A_131 = arith.constant 64 : index
    %swap3A_132 = tpu.vector_load %arg7[%swap3A_131] {strides = array<i32>} : memref<176xf32, #tpu.memory_space<vmem>>, vector<16xf32>,
    tpu.vector_store %arg7[%swap3A_131], %gather3A_130 {strides = array<i32>} : memref<176xf32, #tpu.memory_space<vmem>>, vector<16xf32>,
    %get3A_133 = arith.constant 80 : index
    %get3A_134 = tpu.vector_load %arg5[%get3A_133] {strides = array<i32>} : memref<176xf32, #tpu.memory_space<vmem>>, vector<16xf32>,
    %mul3A_135 = arith.constant 2.550000e+02 : f32
    %mul3A_136 = vector.broadcast %mul3A_135 : f32 to vector<16xf32>
    %mul3A_137 = arith.mulf %get3A_134, %mul3A_136 : vector<16xf32>
    %add3A_138 = arith.constant 5.000000e-01 : f32
    %add3A_139 = vector.broadcast %add3A_138 : f32 to vector<16xf32>
    %add3A_140 = arith.addf %mul3A_137, %add3A_139 : vector<16xf32>
    %jit3A_141 = arith.constant 0.000000e+00 : f32
    %jit3A_142 = arith.constant 2.550000e+02 : f32
    %max3A_143 = vector.broadcast %jit3A_141 : f32 to vector<16xf32>
    %max3A_144 = arith.maximumf %max3A_143, %add3A_140 : vector<16xf32>
    %min3A_145 = vector.broadcast %jit3A_142 : f32 to vector<16xf32>
    %min3A_146 = arith.minimumf %min3A_145, %max3A_144 : vector<16xf32>
    %convert_element_type3A_147 = arith.fptosi %min3A_146 : vector<16xf32> to vector<16xi32>
    %shift_right_arithmetic3A_148 = arith.constant 3 : i32
    %shift_right_arithmetic3A_149 = vector.broadcast %shift_right_arithmetic3A_148 : i32 to vector<16xi32>
    %shift_right_arithmetic3A_150 = arith.shrsi %convert_element_type3A_147, %shift_right_arithmetic3A_149 : vector<16xi32>
    %shift_left3A_151 = arith.constant 4 : i32
    %shift_left3A_152 = vector.broadcast %shift_left3A_151 : i32 to vector<16xi32>
    %shift_left3A_153 = arith.shli %shift_right_arithmetic3A_150, %shift_left3A_152 : vector<16xi32>
    %and3A_154 = arith.constant 7 : i32
    %and3A_155 = vector.broadcast %and3A_154 : i32 to vector<16xi32>
    %and3A_156 = arith.andi %convert_element_type3A_147, %and3A_155 : vector<16xi32>
    %add3A_157 = arith.addi %shift_left3A_153, %and3A_156 : vector<16xi32>
    %gather3A_158 = tpu.vector_load_idx %arg6[%add3A_157] : memref<512xf32, #tpu.memory_space<vmem>>[vector<16xi32>], vector<16xf32>,
    %swap3A_159 = arith.constant 80 : index
    %swap3A_160 = tpu.vector_load %arg7[%swap3A_159] {strides = array<i32>} : memref<176xf32, #tpu.memory_space<vmem>>, vector<16xf32>,
    tpu.vector_store %arg7[%swap3A_159], %gather3A_158 {strides = array<i32>} : memref<176xf32, #tpu.memory_space<vmem>>, vector<16xf32>,
    %get3A_161 = arith.constant 96 : index
    %get3A_162 = tpu.vector_load %arg5[%get3A_161] {strides = array<i32>} : memref<176xf32, #tpu.memory_space<vmem>>, vector<16xf32>,
    %mul3A_163 = arith.constant 2.550000e+02 : f32
    %mul3A_164 = vector.broadcast %mul3A_163 : f32 to vector<16xf32>
    %mul3A_165 = arith.mulf %get3A_162, %mul3A_164 : vector<16xf32>
    %add3A_166 = arith.constant 5.000000e-01 : f32
    %add3A_167 = vector.broadcast %add3A_166 : f32 to vector<16xf32>
    %add3A_168 = arith.addf %mul3A_165, %add3A_167 : vector<16xf32>
    %jit3A_169 = arith.constant 0.000000e+00 : f32
    %jit3A_170 = arith.constant 2.550000e+02 : f32
    %max3A_171 = vector.broadcast %jit3A_169 : f32 to vector<16xf32>
    %max3A_172 = arith.maximumf %max3A_171, %add3A_168 : vector<16xf32>
    %min3A_173 = vector.broadcast %jit3A_170 : f32 to vector<16xf32>
    %min3A_174 = arith.minimumf %min3A_173, %max3A_172 : vector<16xf32>
    %convert_element_type3A_175 = arith.fptosi %min3A_174 : vector<16xf32> to vector<16xi32>
    %shift_right_arithmetic3A_176 = arith.constant 3 : i32
    %shift_right_arithmetic3A_177 = vector.broadcast %shift_right_arithmetic3A_176 : i32 to vector<16xi32>
    %shift_right_arithmetic3A_178 = arith.shrsi %convert_element_type3A_175, %shift_right_arithmetic3A_177 : vector<16xi32>
    %shift_left3A_179 = arith.constant 4 : i32
    %shift_left3A_180 = vector.broadcast %shift_left3A_179 : i32 to vector<16xi32>
    %shift_left3A_181 = arith.shli %shift_right_arithmetic3A_178, %shift_left3A_180 : vector<16xi32>
    %and3A_182 = arith.constant 7 : i32
    %and3A_183 = vector.broadcast %and3A_182 : i32 to vector<16xi32>
    %and3A_184 = arith.andi %convert_element_type3A_175, %and3A_183 : vector<16xi32>
    %add3A_185 = arith.addi %shift_left3A_181, %and3A_184 : vector<16xi32>
    %gather3A_186 = tpu.vector_load_idx %arg6[%add3A_185] : memref<512xf32, #tpu.memory_space<vmem>>[vector<16xi32>], vector<16xf32>,
    %swap3A_187 = arith.constant 96 : index
    %swap3A_188 = tpu.vector_load %arg7[%swap3A_187] {strides = array<i32>} : memref<176xf32, #tpu.memory_space<vmem>>, vector<16xf32>,
    tpu.vector_store %arg7[%swap3A_187], %gather3A_186 {strides = array<i32>} : memref<176xf32, #tpu.memory_space<vmem>>, vector<16xf32>,
    %get3A_189 = arith.constant 112 : index
    %get3A_190 = tpu.vector_load %arg5[%get3A_189] {strides = array<i32>} : memref<176xf32, #tpu.memory_space<vmem>>, vector<16xf32>,
    %mul3A_191 = arith.constant 2.550000e+02 : f32
    %mul3A_192 = vector.broadcast %mul3A_191 : f32 to vector<16xf32>
    %mul3A_193 = arith.mulf %get3A_190, %mul3A_192 : vector<16xf32>
    %add3A_194 = arith.constant 5.000000e-01 : f32
    %add3A_195 = vector.broadcast %add3A_194 : f32 to vector<16xf32>
    %add3A_196 = arith.addf %mul3A_193, %add3A_195 : vector<16xf32>
    %jit3A_197 = arith.constant 0.000000e+00 : f32
    %jit3A_198 = arith.constant 2.550000e+02 : f32
    %max3A_199 = vector.broadcast %jit3A_197 : f32 to vector<16xf32>
    %max3A_200 = arith.maximumf %max3A_199, %add3A_196 : vector<16xf32>
    %min3A_201 = vector.broadcast %jit3A_198 : f32 to vector<16xf32>
    %min3A_202 = arith.minimumf %min3A_201, %max3A_200 : vector<16xf32>
    %convert_element_type3A_203 = arith.fptosi %min3A_202 : vector<16xf32> to vector<16xi32>
    %shift_right_arithmetic3A_204 = arith.constant 3 : i32
    %shift_right_arithmetic3A_205 = vector.broadcast %shift_right_arithmetic3A_204 : i32 to vector<16xi32>
    %shift_right_arithmetic3A_206 = arith.shrsi %convert_element_type3A_203, %shift_right_arithmetic3A_205 : vector<16xi32>
    %shift_left3A_207 = arith.constant 4 : i32
    %shift_left3A_208 = vector.broadcast %shift_left3A_207 : i32 to vector<16xi32>
    %shift_left3A_209 = arith.shli %shift_right_arithmetic3A_206, %shift_left3A_208 : vector<16xi32>
    %and3A_210 = arith.constant 7 : i32
    %and3A_211 = vector.broadcast %and3A_210 : i32 to vector<16xi32>
    %and3A_212 = arith.andi %convert_element_type3A_203, %and3A_211 : vector<16xi32>
    %add3A_213 = arith.addi %shift_left3A_209, %and3A_212 : vector<16xi32>
    %gather3A_214 = tpu.vector_load_idx %arg6[%add3A_213] : memref<512xf32, #tpu.memory_space<vmem>>[vector<16xi32>], vector<16xf32>,
    %swap3A_215 = arith.constant 112 : index
    %swap3A_216 = tpu.vector_load %arg7[%swap3A_215] {strides = array<i32>} : memref<176xf32, #tpu.memory_space<vmem>>, vector<16xf32>,
    tpu.vector_store %arg7[%swap3A_215], %gather3A_214 {strides = array<i32>} : memref<176xf32, #tpu.memory_space<vmem>>, vector<16xf32>,
    %get3A_217 = arith.constant 128 : index
    %get3A_218 = tpu.vector_load %arg5[%get3A_217] {strides = array<i32>} : memref<176xf32, #tpu.memory_space<vmem>>, vector<16xf32>,
    %mul3A_219 = arith.constant 2.550000e+02 : f32
    %mul3A_220 = vector.broadcast %mul3A_219 : f32 to vector<16xf32>
    %mul3A_221 = arith.mulf %get3A_218, %mul3A_220 : vector<16xf32>
    %add3A_222 = arith.constant 5.000000e-01 : f32
    %add3A_223 = vector.broadcast %add3A_222 : f32 to vector<16xf32>
    %add3A_224 = arith.addf %mul3A_221, %add3A_223 : vector<16xf32>
    %jit3A_225 = arith.constant 0.000000e+00 : f32
    %jit3A_226 = arith.constant 2.550000e+02 : f32
    %max3A_227 = vector.broadcast %jit3A_225 : f32 to vector<16xf32>
    %max3A_228 = arith.maximumf %max3A_227, %add3A_224 : vector<16xf32>
    %min3A_229 = vector.broadcast %jit3A_226 : f32 to vector<16xf32>
    %min3A_230 = arith.minimumf %min3A_229, %max3A_228 : vector<16xf32>
    %convert_element_type3A_231 = arith.fptosi %min3A_230 : vector<16xf32> to vector<16xi32>
    %shift_right_arithmetic3A_232 = arith.constant 3 : i32
    %shift_right_arithmetic3A_233 = vector.broadcast %shift_right_arithmetic3A_232 : i32 to vector<16xi32>
    %shift_right_arithmetic3A_234 = arith.shrsi %convert_element_type3A_231, %shift_right_arithmetic3A_233 : vector<16xi32>
    %shift_left3A_235 = arith.constant 4 : i32
    %shift_left3A_236 = vector.broadcast %shift_left3A_235 : i32 to vector<16xi32>
    %shift_left3A_237 = arith.shli %shift_right_arithmetic3A_234, %shift_left3A_236 : vector<16xi32>
    %and3A_238 = arith.constant 7 : i32
    %and3A_239 = vector.broadcast %and3A_238 : i32 to vector<16xi32>
    %and3A_240 = arith.andi %convert_element_type3A_231, %and3A_239 : vector<16xi32>
    %add3A_241 = arith.addi %shift_left3A_237, %and3A_240 : vector<16xi32>
    %gather3A_242 = tpu.vector_load_idx %arg6[%add3A_241] : memref<512xf32, #tpu.memory_space<vmem>>[vector<16xi32>], vector<16xf32>,
    %swap3A_243 = arith.constant 128 : index
    %swap3A_244 = tpu.vector_load %arg7[%swap3A_243] {strides = array<i32>} : memref<176xf32, #tpu.memory_space<vmem>>, vector<16xf32>,
    tpu.vector_store %arg7[%swap3A_243], %gather3A_242 {strides = array<i32>} : memref<176xf32, #tpu.memory_space<vmem>>, vector<16xf32>,
    %get3A_245 = arith.constant 144 : index
    %get3A_246 = tpu.vector_load %arg5[%get3A_245] {strides = array<i32>} : memref<176xf32, #tpu.memory_space<vmem>>, vector<16xf32>,
    %mul3A_247 = arith.constant 2.550000e+02 : f32
    %mul3A_248 = vector.broadcast %mul3A_247 : f32 to vector<16xf32>
    %mul3A_249 = arith.mulf %get3A_246, %mul3A_248 : vector<16xf32>
    %add3A_250 = arith.constant 5.000000e-01 : f32
    %add3A_251 = vector.broadcast %add3A_250 : f32 to vector<16xf32>
    %add3A_252 = arith.addf %mul3A_249, %add3A_251 : vector<16xf32>
    %jit3A_253 = arith.constant 0.000000e+00 : f32
    %jit3A_254 = arith.constant 2.550000e+02 : f32
    %max3A_255 = vector.broadcast %jit3A_253 : f32 to vector<16xf32>
    %max3A_256 = arith.maximumf %max3A_255, %add3A_252 : vector<16xf32>
    %min3A_257 = vector.broadcast %jit3A_254 : f32 to vector<16xf32>
    %min3A_258 = arith.minimumf %min3A_257, %max3A_256 : vector<16xf32>
    %convert_element_type3A_259 = arith.fptosi %min3A_258 : vector<16xf32> to vector<16xi32>
    %shift_right_arithmetic3A_260 = arith.constant 3 : i32
    %shift_right_arithmetic3A_261 = vector.broadcast %shift_right_arithmetic3A_260 : i32 to vector<16xi32>
    %shift_right_arithmetic3A_262 = arith.shrsi %convert_element_type3A_259, %shift_right_arithmetic3A_261 : vector<16xi32>
    %shift_left3A_263 = arith.constant 4 : i32
    %shift_left3A_264 = vector.broadcast %shift_left3A_263 : i32 to vector<16xi32>
    %shift_left3A_265 = arith.shli %shift_right_arithmetic3A_262, %shift_left3A_264 : vector<16xi32>
    %and3A_266 = arith.constant 7 : i32
    %and3A_267 = vector.broadcast %and3A_266 : i32 to vector<16xi32>
    %and3A_268 = arith.andi %convert_element_type3A_259, %and3A_267 : vector<16xi32>
    %add3A_269 = arith.addi %shift_left3A_265, %and3A_268 : vector<16xi32>
    %gather3A_270 = tpu.vector_load_idx %arg6[%add3A_269] : memref<512xf32, #tpu.memory_space<vmem>>[vector<16xi32>], vector<16xf32>,
    %swap3A_271 = arith.constant 144 : index
    %swap3A_272 = tpu.vector_load %arg7[%swap3A_271] {strides = array<i32>} : memref<176xf32, #tpu.memory_space<vmem>>, vector<16xf32>,
    tpu.vector_store %arg7[%swap3A_271], %gather3A_270 {strides = array<i32>} : memref<176xf32, #tpu.memory_space<vmem>>, vector<16xf32>,
    %get3A_273 = arith.constant 160 : index
    %get3A_274 = tpu.vector_load %arg5[%get3A_273] {strides = array<i32>} : memref<176xf32, #tpu.memory_space<vmem>>, vector<16xf32>,
    %mul3A_275 = arith.constant 2.550000e+02 : f32
    %mul3A_276 = vector.broadcast %mul3A_275 : f32 to vector<16xf32>
    %mul3A_277 = arith.mulf %get3A_274, %mul3A_276 : vector<16xf32>
    %add3A_278 = arith.constant 5.000000e-01 : f32
    %add3A_279 = vector.broadcast %add3A_278 : f32 to vector<16xf32>
    %add3A_280 = arith.addf %mul3A_277, %add3A_279 : vector<16xf32>
    %jit3A_281 = arith.constant 0.000000e+00 : f32
    %jit3A_282 = arith.constant 2.550000e+02 : f32
    %max3A_283 = vector.broadcast %jit3A_281 : f32 to vector<16xf32>
    %max3A_284 = arith.maximumf %max3A_283, %add3A_280 : vector<16xf32>
    %min3A_285 = vector.broadcast %jit3A_282 : f32 to vector<16xf32>
    %min3A_286 = arith.minimumf %min3A_285, %max3A_284 : vector<16xf32>
    %convert_element_type3A_287 = arith.fptosi %min3A_286 : vector<16xf32> to vector<16xi32>
    %shift_right_arithmetic3A_288 = arith.constant 3 : i32
    %shift_right_arithmetic3A_289 = vector.broadcast %shift_right_arithmetic3A_288 : i32 to vector<16xi32>
    %shift_right_arithmetic3A_290 = arith.shrsi %convert_element_type3A_287, %shift_right_arithmetic3A_289 : vector<16xi32>
    %shift_left3A_291 = arith.constant 4 : i32
    %shift_left3A_292 = vector.broadcast %shift_left3A_291 : i32 to vector<16xi32>
    %shift_left3A_293 = arith.shli %shift_right_arithmetic3A_290, %shift_left3A_292 : vector<16xi32>
    %and3A_294 = arith.constant 7 : i32
    %and3A_295 = vector.broadcast %and3A_294 : i32 to vector<16xi32>
    %and3A_296 = arith.andi %convert_element_type3A_287, %and3A_295 : vector<16xi32>
    %add3A_297 = arith.addi %shift_left3A_293, %and3A_296 : vector<16xi32>
    %gather3A_298 = tpu.vector_load_idx %arg6[%add3A_297] : memref<512xf32, #tpu.memory_space<vmem>>[vector<16xi32>], vector<16xf32>,
    %swap3A_299 = arith.constant 160 : index
    %swap3A_300 = tpu.vector_load %arg7[%swap3A_299] {strides = array<i32>} : memref<176xf32, #tpu.memory_space<vmem>>, vector<16xf32>,
    tpu.vector_store %arg7[%swap3A_299], %gather3A_298 {strides = array<i32>} : memref<176xf32, #tpu.memory_space<vmem>>, vector<16xf32>,
    "tpu.region"() ({
      %run_scoped3A = tpu.sem_alloc : memref<!tpu.dma_semaphore, #tpu.memory_space<semaphore_mem>>
      %dma_start3A = tpu.memref_slice %arg4[%mul3A_2] : memref<5632xf32, #tpu.memory_space<hbm>> -> memref<176xf32, #tpu.memory_space<hbm>>
      %dma_start3A_301 = tpu.memref_slice %arg4[%mul3A_2] : memref<5632xf32, #tpu.memory_space<hbm>> -> memref<176xf32, #tpu.memory_space<hbm>>
      tpu.enqueue_dma source(%arg7 : memref<176xf32, #tpu.memory_space<vmem>>) target(%dma_start3A_301 : memref<176xf32, #tpu.memory_space<hbm>>) target_semaphore(%run_scoped3A : memref<!tpu.dma_semaphore, #tpu.memory_space<semaphore_mem>>)
      %dma_wait3A = tpu.memref_slice %arg4[%mul3A_2] : memref<5632xf32, #tpu.memory_space<hbm>> -> memref<176xf32, #tpu.memory_space<hbm>>
      %dma_wait3A_302 = tpu.memref_slice %arg4[%mul3A_2] : memref<5632xf32, #tpu.memory_space<hbm>> -> memref<176xf32, #tpu.memory_space<hbm>>
      tpu.wait_dma2 semaphore(%run_scoped3A : memref<!tpu.dma_semaphore, #tpu.memory_space<semaphore_mem>>) src(%arg7 : memref<176xf32, #tpu.memory_space<vmem>>) dst(%dma_wait3A_302 : memref<176xf32, #tpu.memory_space<hbm>>)
      tpu.yield
    }) : () -> ()
    return
  }
}

module attributes {stable_mosaic.version = 14 : i64} {
  func.func @_main_body(%arg0: i32, %arg1: memref<576x9xf32, #tpu.memory_space<vmem>>, %arg2: memref<9x512xf32, #tpu.memory_space<vmem>>, %arg3: memref<576x512xf32, #tpu.memory_space<vmem>>, %arg4: memref<1000x512xf32, #tpu.memory_space<vmem>>, %arg5: memref<1000x1xf32, #tpu.memory_space<vmem>>) attributes {dimension_semantics = [#tpu.dimension_semantics<arbitrary>], iteration_bounds = array<i64: 16>, scalar_prefetch = 0 : i64, scratch_operands = 0 : i64, tpu.core_type = #tpu.core_type<tc>, window_params = [{pipeline_mode = #tpu.pipeline_mode<synchronous>, transform_indices = @transform_0, window_bounds = array<i64: 576, 9>}, {transform_indices = @transform_1, window_bounds = array<i64: 9, 512>}, {transform_indices = @transform_2, window_bounds = array<i64: 576, 512>}, {transform_indices = @transform_3, window_bounds = array<i64: 1000, 512>}, {pipeline_mode = #tpu.pipeline_mode<synchronous>, transform_indices = @transform_4, window_bounds = array<i64: 1000, 1>}]} {
    %iota3A = tpu.iota {dimensions = array<i32: 1>} : vector<1x512xi32>
    %mul3A = arith.constant 512 : i32
    %mul3A_0 = arith.muli %arg0, %mul3A : i32
    %add3A = vector.broadcast %mul3A_0 : i32 to vector<1x512xi32>
    %add3A_1 = arith.addi %iota3A, %add3A : vector<1x512xi32>
    %convert_element_type3A = arith.sitofp %add3A_1 : vector<1x512xi32> to vector<1x512xf32>
    %get3A = arith.constant 0 : index
    %get3A_2 = arith.constant 0 : index
    %get3A_3 = vector.load %arg3[%get3A, %get3A_2] : memref<576x512xf32, #tpu.memory_space<vmem>>, vector<576x512xf32>
    %get3A_4 = arith.constant 0 : index
    %get3A_5 = arith.constant 0 : index
    %get3A_6 = vector.load %arg2[%get3A_4, %get3A_5] : memref<9x512xf32, #tpu.memory_space<vmem>>, vector<9x512xf32>
    %get3A_7 = arith.constant 0 : index
    %get3A_8 = arith.constant 0 : index
    %get3A_9 = vector.load %arg1[%get3A_7, %get3A_8] : memref<576x9xf32, #tpu.memory_space<vmem>>, vector<576x9xf32>
    %broadcast_in_dim3A = arith.constant 0.000000e+00 : f32
    %broadcast_in_dim3A_10 = vector.broadcast %broadcast_in_dim3A : f32 to vector<1x512xf32>
    %slice3A = vector.extract_strided_slice %get3A_9 {offsets = [0, 0], sizes = [576, 1], strides = [1, 1]} : vector<576x9xf32> to vector<576x1xf32>
    %lt3A = vector.broadcast %convert_element_type3A : vector<1x512xf32> to vector<576x512xf32>
    %lt3A_11 = vector.broadcast %slice3A : vector<576x1xf32> to vector<576x512xf32>
    %lt3A_12 = arith.cmpf olt, %lt3A, %lt3A_11 : vector<576x512xf32>
    %jit3A = arith.constant 0.000000e+00 : f32
    %broadcast_in_dim3A_13 = vector.broadcast %jit3A : f32 to vector<576x512xf32>
    %select_n3A = arith.select %lt3A_12, %get3A_3, %broadcast_in_dim3A_13 : vector<576x512xi1>, vector<576x512xf32>
    %reduce_sum3A = arith.constant dense<0.000000e+00> : vector<512xf32>
    %reduce_sum3A_14 = vector.multi_reduction <add>, %select_n3A, %reduce_sum3A [0] : vector<576x512xf32> to vector<512xf32>
    %broadcast_in_dim3A_15 = vector.shape_cast %reduce_sum3A_14 : vector<512xf32> to vector<1x512xf32>
    %slice3A_16 = vector.extract_strided_slice %get3A_6 {offsets = [0, 0], sizes = [1, 512], strides = [1, 1]} : vector<9x512xf32> to vector<1x512xf32>
    %mul3A_17 = arith.mulf %slice3A_16, %broadcast_in_dim3A_15 : vector<1x512xf32>
    %add3A_18 = arith.addf %broadcast_in_dim3A_10, %mul3A_17 : vector<1x512xf32>
    %slice3A_19 = vector.extract_strided_slice %get3A_9 {offsets = [0, 1], sizes = [576, 1], strides = [1, 1]} : vector<576x9xf32> to vector<576x1xf32>
    %lt3A_20 = vector.broadcast %convert_element_type3A : vector<1x512xf32> to vector<576x512xf32>
    %lt3A_21 = vector.broadcast %slice3A_19 : vector<576x1xf32> to vector<576x512xf32>
    %lt3A_22 = arith.cmpf olt, %lt3A_20, %lt3A_21 : vector<576x512xf32>
    %jit3A_23 = arith.constant 0.000000e+00 : f32
    %broadcast_in_dim3A_24 = vector.broadcast %jit3A_23 : f32 to vector<576x512xf32>
    %select_n3A_25 = arith.select %lt3A_22, %get3A_3, %broadcast_in_dim3A_24 : vector<576x512xi1>, vector<576x512xf32>
    %reduce_sum3A_26 = arith.constant dense<0.000000e+00> : vector<512xf32>
    %reduce_sum3A_27 = vector.multi_reduction <add>, %select_n3A_25, %reduce_sum3A_26 [0] : vector<576x512xf32> to vector<512xf32>
    %broadcast_in_dim3A_28 = vector.shape_cast %reduce_sum3A_27 : vector<512xf32> to vector<1x512xf32>
    %slice3A_29 = vector.extract_strided_slice %get3A_6 {offsets = [1, 0], sizes = [1, 512], strides = [1, 1]} : vector<9x512xf32> to vector<1x512xf32>
    %mul3A_30 = arith.mulf %slice3A_29, %broadcast_in_dim3A_28 : vector<1x512xf32>
    %add3A_31 = arith.addf %add3A_18, %mul3A_30 : vector<1x512xf32>
    %slice3A_32 = vector.extract_strided_slice %get3A_9 {offsets = [0, 2], sizes = [576, 1], strides = [1, 1]} : vector<576x9xf32> to vector<576x1xf32>
    %lt3A_33 = vector.broadcast %convert_element_type3A : vector<1x512xf32> to vector<576x512xf32>
    %lt3A_34 = vector.broadcast %slice3A_32 : vector<576x1xf32> to vector<576x512xf32>
    %lt3A_35 = arith.cmpf olt, %lt3A_33, %lt3A_34 : vector<576x512xf32>
    %jit3A_36 = arith.constant 0.000000e+00 : f32
    %broadcast_in_dim3A_37 = vector.broadcast %jit3A_36 : f32 to vector<576x512xf32>
    %select_n3A_38 = arith.select %lt3A_35, %get3A_3, %broadcast_in_dim3A_37 : vector<576x512xi1>, vector<576x512xf32>
    %reduce_sum3A_39 = arith.constant dense<0.000000e+00> : vector<512xf32>
    %reduce_sum3A_40 = vector.multi_reduction <add>, %select_n3A_38, %reduce_sum3A_39 [0] : vector<576x512xf32> to vector<512xf32>
    %broadcast_in_dim3A_41 = vector.shape_cast %reduce_sum3A_40 : vector<512xf32> to vector<1x512xf32>
    %slice3A_42 = vector.extract_strided_slice %get3A_6 {offsets = [2, 0], sizes = [1, 512], strides = [1, 1]} : vector<9x512xf32> to vector<1x512xf32>
    %mul3A_43 = arith.mulf %slice3A_42, %broadcast_in_dim3A_41 : vector<1x512xf32>
    %add3A_44 = arith.addf %add3A_31, %mul3A_43 : vector<1x512xf32>
    %slice3A_45 = vector.extract_strided_slice %get3A_9 {offsets = [0, 3], sizes = [576, 1], strides = [1, 1]} : vector<576x9xf32> to vector<576x1xf32>
    %lt3A_46 = vector.broadcast %convert_element_type3A : vector<1x512xf32> to vector<576x512xf32>
    %lt3A_47 = vector.broadcast %slice3A_45 : vector<576x1xf32> to vector<576x512xf32>
    %lt3A_48 = arith.cmpf olt, %lt3A_46, %lt3A_47 : vector<576x512xf32>
    %jit3A_49 = arith.constant 0.000000e+00 : f32
    %broadcast_in_dim3A_50 = vector.broadcast %jit3A_49 : f32 to vector<576x512xf32>
    %select_n3A_51 = arith.select %lt3A_48, %get3A_3, %broadcast_in_dim3A_50 : vector<576x512xi1>, vector<576x512xf32>
    %reduce_sum3A_52 = arith.constant dense<0.000000e+00> : vector<512xf32>
    %reduce_sum3A_53 = vector.multi_reduction <add>, %select_n3A_51, %reduce_sum3A_52 [0] : vector<576x512xf32> to vector<512xf32>
    %broadcast_in_dim3A_54 = vector.shape_cast %reduce_sum3A_53 : vector<512xf32> to vector<1x512xf32>
    %slice3A_55 = vector.extract_strided_slice %get3A_6 {offsets = [3, 0], sizes = [1, 512], strides = [1, 1]} : vector<9x512xf32> to vector<1x512xf32>
    %mul3A_56 = arith.mulf %slice3A_55, %broadcast_in_dim3A_54 : vector<1x512xf32>
    %add3A_57 = arith.addf %add3A_44, %mul3A_56 : vector<1x512xf32>
    %slice3A_58 = vector.extract_strided_slice %get3A_9 {offsets = [0, 4], sizes = [576, 1], strides = [1, 1]} : vector<576x9xf32> to vector<576x1xf32>
    %lt3A_59 = vector.broadcast %convert_element_type3A : vector<1x512xf32> to vector<576x512xf32>
    %lt3A_60 = vector.broadcast %slice3A_58 : vector<576x1xf32> to vector<576x512xf32>
    %lt3A_61 = arith.cmpf olt, %lt3A_59, %lt3A_60 : vector<576x512xf32>
    %jit3A_62 = arith.constant 0.000000e+00 : f32
    %broadcast_in_dim3A_63 = vector.broadcast %jit3A_62 : f32 to vector<576x512xf32>
    %select_n3A_64 = arith.select %lt3A_61, %get3A_3, %broadcast_in_dim3A_63 : vector<576x512xi1>, vector<576x512xf32>
    %reduce_sum3A_65 = arith.constant dense<0.000000e+00> : vector<512xf32>
    %reduce_sum3A_66 = vector.multi_reduction <add>, %select_n3A_64, %reduce_sum3A_65 [0] : vector<576x512xf32> to vector<512xf32>
    %broadcast_in_dim3A_67 = vector.shape_cast %reduce_sum3A_66 : vector<512xf32> to vector<1x512xf32>
    %slice3A_68 = vector.extract_strided_slice %get3A_6 {offsets = [4, 0], sizes = [1, 512], strides = [1, 1]} : vector<9x512xf32> to vector<1x512xf32>
    %mul3A_69 = arith.mulf %slice3A_68, %broadcast_in_dim3A_67 : vector<1x512xf32>
    %add3A_70 = arith.addf %add3A_57, %mul3A_69 : vector<1x512xf32>
    %slice3A_71 = vector.extract_strided_slice %get3A_9 {offsets = [0, 5], sizes = [576, 1], strides = [1, 1]} : vector<576x9xf32> to vector<576x1xf32>
    %lt3A_72 = vector.broadcast %convert_element_type3A : vector<1x512xf32> to vector<576x512xf32>
    %lt3A_73 = vector.broadcast %slice3A_71 : vector<576x1xf32> to vector<576x512xf32>
    %lt3A_74 = arith.cmpf olt, %lt3A_72, %lt3A_73 : vector<576x512xf32>
    %jit3A_75 = arith.constant 0.000000e+00 : f32
    %broadcast_in_dim3A_76 = vector.broadcast %jit3A_75 : f32 to vector<576x512xf32>
    %select_n3A_77 = arith.select %lt3A_74, %get3A_3, %broadcast_in_dim3A_76 : vector<576x512xi1>, vector<576x512xf32>
    %reduce_sum3A_78 = arith.constant dense<0.000000e+00> : vector<512xf32>
    %reduce_sum3A_79 = vector.multi_reduction <add>, %select_n3A_77, %reduce_sum3A_78 [0] : vector<576x512xf32> to vector<512xf32>
    %broadcast_in_dim3A_80 = vector.shape_cast %reduce_sum3A_79 : vector<512xf32> to vector<1x512xf32>
    %slice3A_81 = vector.extract_strided_slice %get3A_6 {offsets = [5, 0], sizes = [1, 512], strides = [1, 1]} : vector<9x512xf32> to vector<1x512xf32>
    %mul3A_82 = arith.mulf %slice3A_81, %broadcast_in_dim3A_80 : vector<1x512xf32>
    %add3A_83 = arith.addf %add3A_70, %mul3A_82 : vector<1x512xf32>
    %slice3A_84 = vector.extract_strided_slice %get3A_9 {offsets = [0, 6], sizes = [576, 1], strides = [1, 1]} : vector<576x9xf32> to vector<576x1xf32>
    %lt3A_85 = vector.broadcast %convert_element_type3A : vector<1x512xf32> to vector<576x512xf32>
    %lt3A_86 = vector.broadcast %slice3A_84 : vector<576x1xf32> to vector<576x512xf32>
    %lt3A_87 = arith.cmpf olt, %lt3A_85, %lt3A_86 : vector<576x512xf32>
    %jit3A_88 = arith.constant 0.000000e+00 : f32
    %broadcast_in_dim3A_89 = vector.broadcast %jit3A_88 : f32 to vector<576x512xf32>
    %select_n3A_90 = arith.select %lt3A_87, %get3A_3, %broadcast_in_dim3A_89 : vector<576x512xi1>, vector<576x512xf32>
    %reduce_sum3A_91 = arith.constant dense<0.000000e+00> : vector<512xf32>
    %reduce_sum3A_92 = vector.multi_reduction <add>, %select_n3A_90, %reduce_sum3A_91 [0] : vector<576x512xf32> to vector<512xf32>
    %broadcast_in_dim3A_93 = vector.shape_cast %reduce_sum3A_92 : vector<512xf32> to vector<1x512xf32>
    %slice3A_94 = vector.extract_strided_slice %get3A_6 {offsets = [6, 0], sizes = [1, 512], strides = [1, 1]} : vector<9x512xf32> to vector<1x512xf32>
    %mul3A_95 = arith.mulf %slice3A_94, %broadcast_in_dim3A_93 : vector<1x512xf32>
    %add3A_96 = arith.addf %add3A_83, %mul3A_95 : vector<1x512xf32>
    %slice3A_97 = vector.extract_strided_slice %get3A_9 {offsets = [0, 7], sizes = [576, 1], strides = [1, 1]} : vector<576x9xf32> to vector<576x1xf32>
    %lt3A_98 = vector.broadcast %convert_element_type3A : vector<1x512xf32> to vector<576x512xf32>
    %lt3A_99 = vector.broadcast %slice3A_97 : vector<576x1xf32> to vector<576x512xf32>
    %lt3A_100 = arith.cmpf olt, %lt3A_98, %lt3A_99 : vector<576x512xf32>
    %jit3A_101 = arith.constant 0.000000e+00 : f32
    %broadcast_in_dim3A_102 = vector.broadcast %jit3A_101 : f32 to vector<576x512xf32>
    %select_n3A_103 = arith.select %lt3A_100, %get3A_3, %broadcast_in_dim3A_102 : vector<576x512xi1>, vector<576x512xf32>
    %reduce_sum3A_104 = arith.constant dense<0.000000e+00> : vector<512xf32>
    %reduce_sum3A_105 = vector.multi_reduction <add>, %select_n3A_103, %reduce_sum3A_104 [0] : vector<576x512xf32> to vector<512xf32>
    %broadcast_in_dim3A_106 = vector.shape_cast %reduce_sum3A_105 : vector<512xf32> to vector<1x512xf32>
    %slice3A_107 = vector.extract_strided_slice %get3A_6 {offsets = [7, 0], sizes = [1, 512], strides = [1, 1]} : vector<9x512xf32> to vector<1x512xf32>
    %mul3A_108 = arith.mulf %slice3A_107, %broadcast_in_dim3A_106 : vector<1x512xf32>
    %add3A_109 = arith.addf %add3A_96, %mul3A_108 : vector<1x512xf32>
    %slice3A_110 = vector.extract_strided_slice %get3A_9 {offsets = [0, 8], sizes = [576, 1], strides = [1, 1]} : vector<576x9xf32> to vector<576x1xf32>
    %lt3A_111 = vector.broadcast %convert_element_type3A : vector<1x512xf32> to vector<576x512xf32>
    %lt3A_112 = vector.broadcast %slice3A_110 : vector<576x1xf32> to vector<576x512xf32>
    %lt3A_113 = arith.cmpf olt, %lt3A_111, %lt3A_112 : vector<576x512xf32>
    %jit3A_114 = arith.constant 0.000000e+00 : f32
    %broadcast_in_dim3A_115 = vector.broadcast %jit3A_114 : f32 to vector<576x512xf32>
    %select_n3A_116 = arith.select %lt3A_113, %get3A_3, %broadcast_in_dim3A_115 : vector<576x512xi1>, vector<576x512xf32>
    %reduce_sum3A_117 = arith.constant dense<0.000000e+00> : vector<512xf32>
    %reduce_sum3A_118 = vector.multi_reduction <add>, %select_n3A_116, %reduce_sum3A_117 [0] : vector<576x512xf32> to vector<512xf32>
    %broadcast_in_dim3A_119 = vector.shape_cast %reduce_sum3A_118 : vector<512xf32> to vector<1x512xf32>
    %slice3A_120 = vector.extract_strided_slice %get3A_6 {offsets = [8, 0], sizes = [1, 512], strides = [1, 1]} : vector<9x512xf32> to vector<1x512xf32>
    %mul3A_121 = arith.mulf %slice3A_120, %broadcast_in_dim3A_119 : vector<1x512xf32>
    %add3A_122 = arith.addf %add3A_109, %mul3A_121 : vector<1x512xf32>
    %reduce_sum3A_123 = arith.constant dense<0.000000e+00> : vector<512xf32>
    %reduce_sum3A_124 = vector.multi_reduction <add>, %get3A_6, %reduce_sum3A_123 [0] : vector<9x512xf32> to vector<512xf32>
    %broadcast_in_dim3A_125 = vector.shape_cast %reduce_sum3A_124 : vector<512xf32> to vector<1x512xf32>
    %reduce_sum3A_126 = arith.constant dense<0.000000e+00> : vector<512xf32>
    %reduce_sum3A_127 = vector.multi_reduction <add>, %get3A_3, %reduce_sum3A_126 [0] : vector<576x512xf32> to vector<512xf32>
    %broadcast_in_dim3A_128 = vector.shape_cast %reduce_sum3A_127 : vector<512xf32> to vector<1x512xf32>
    %mul3A_129 = arith.constant 2.000000e+00 : f32
    %mul3A_130 = vector.broadcast %mul3A_129 : f32 to vector<1x512xf32>
    %mul3A_131 = arith.mulf %mul3A_130, %add3A_122 : vector<1x512xf32>
    %mul3A_132 = arith.mulf %broadcast_in_dim3A_125, %broadcast_in_dim3A_128 : vector<1x512xf32>
    %sub3A = arith.subf %mul3A_131, %mul3A_132 : vector<1x512xf32>
    %get3A_133 = arith.constant 0 : index
    %get3A_134 = arith.constant 0 : index
    %get3A_135 = vector.load %arg4[%get3A_133, %get3A_134] : memref<1000x512xf32, #tpu.memory_space<vmem>>, vector<1000x512xf32>
    %mul3A_136 = vector.broadcast %sub3A : vector<1x512xf32> to vector<1000x512xf32>
    %mul3A_137 = arith.mulf %get3A_135, %mul3A_136 : vector<1000x512xf32>
    %reduce_sum3A_138 = arith.constant dense<0.000000e+00> : vector<1000xf32>
    %reduce_sum3A_139 = vector.multi_reduction <add>, %mul3A_137, %reduce_sum3A_138 [1] : vector<1000x512xf32> to vector<1000xf32>
    %broadcast_in_dim3A_140 = vector.shape_cast %reduce_sum3A_139 : vector<1000xf32> to vector<1000x1xf32>
    %eq3A = arith.constant 0 : i32
    %eq3A_141 = arith.cmpi eq, %arg0, %eq3A : i32
    %convert_element_type3A_142 = arith.extui %eq3A_141 : i1 to i32
    %cond3A = arith.constant 0 : i32
    %cond3A_143 = arith.cmpi ne, %convert_element_type3A_142, %cond3A : i32
    scf.if %cond3A_143 {
      %swap3A = arith.constant 0 : index
      %swap3A_148 = arith.constant 0 : index
      %swap3A_149 = vector.load %arg5[%swap3A, %swap3A_148] : memref<1000x1xf32, #tpu.memory_space<vmem>>, vector<1000x1xf32>
      tpu.vector_store %arg5[%swap3A, %swap3A_148], %broadcast_in_dim3A_140 {strides = array<i32>} : memref<1000x1xf32, #tpu.memory_space<vmem>>, vector<1000x1xf32>,
    } else {
    }
    %gt3A = arith.constant 0 : i32
    %gt3A_144 = arith.cmpi sgt, %arg0, %gt3A : i32
    %convert_element_type3A_145 = arith.extui %gt3A_144 : i1 to i32
    %cond3A_146 = arith.constant 0 : i32
    %cond3A_147 = arith.cmpi ne, %convert_element_type3A_145, %cond3A_146 : i32
    scf.if %cond3A_147 {
      %get3A_148 = arith.constant 0 : index
      %get3A_149 = arith.constant 0 : index
      %get3A_150 = vector.load %arg5[%get3A_148, %get3A_149] : memref<1000x1xf32, #tpu.memory_space<vmem>>, vector<1000x1xf32>
      %add3A_151 = arith.addf %get3A_150, %broadcast_in_dim3A_140 : vector<1000x1xf32>
      %swap3A = arith.constant 0 : index
      %swap3A_152 = arith.constant 0 : index
      %swap3A_153 = vector.load %arg5[%swap3A, %swap3A_152] : memref<1000x1xf32, #tpu.memory_space<vmem>>, vector<1000x1xf32>
      tpu.vector_store %arg5[%swap3A, %swap3A_152], %add3A_151 {strides = array<i32>} : memref<1000x1xf32, #tpu.memory_space<vmem>>, vector<1000x1xf32>,
    } else {
    }
    return
  }
  func.func @transform_0(%arg0: i32) -> (i32, i32) {
    %c0_i32 = arith.constant 0 : i32
    %c0_i32_0 = arith.constant 0 : i32
    %c0_i32_1 = arith.constant 0 : i32
    return %c0_i32, %c0_i32_0 : i32, i32
  }
  func.func @transform_1(%arg0: i32) -> (i32, i32) {
    %c0_i32 = arith.constant 0 : i32
    %c0_i32_0 = arith.constant 0 : i32
    return %c0_i32, %arg0 : i32, i32
  }
  func.func @transform_2(%arg0: i32) -> (i32, i32) {
    %c0_i32 = arith.constant 0 : i32
    %c0_i32_0 = arith.constant 0 : i32
    return %c0_i32, %arg0 : i32, i32
  }
  func.func @transform_3(%arg0: i32) -> (i32, i32) {
    %c0_i32 = arith.constant 0 : i32
    %c0_i32_0 = arith.constant 0 : i32
    return %c0_i32, %arg0 : i32, i32
  }
  func.func @transform_4(%arg0: i32) -> (i32, i32) {
    %c0_i32 = arith.constant 0 : i32
    %c0_i32_0 = arith.constant 0 : i32
    %c0_i32_1 = arith.constant 0 : i32
    return %c0_i32, %c0_i32_0 : i32, i32
  }
}

</mosaic_0001>

<sc_bundles>
// kernel: kernel.5.cloned.1.call-start
scs
__scs_entry_jumppad:
0x0: {  	(pc) =	sbr.rel $0x88, $3  }
0x1: {  	(tag) =	ssettag $0x0;
	lr =	simm.s32 $0x1  }
0x2: {  	[smem:$0x3F9C] =	sst lr;
	_ =	strace $0xD0000000  }
0x3: {  	_ = 	snop  }
0x4: {  	_ = 	snop  }
0x5: {  	_ = 	snop  }
0x6: {  	_ = 	snop  }
0x7: {  	_ = 	snop  }
__scs_overlays_trampoline_lowered:
0x8: {  	[smem:$0x3FAB] =	sst s0  }
0x9: {  	[smem:$0x3FAC] =	sst s1  }
0xa: {  	[smem:$0x3FAD] =	sst s2  }
0xb: {  	[smem:$0x3FAE] =	sst s3  }
0xc: {  	[smem:$0x3FAF] =	sst s4  }
0xd: {  	[smem:$0x3FB0] =	sst s5  }
0xe: {  	[smem:$0x3FB1] =	sst s6  }
0xf: {  	[smem:$0x3FB2] =	sst s7  }
0x10: {  	[smem:$0x3FB3] =	sst s8  }
0x11: {  	[smem:$0x3FB4] =	sst s9;
	s0 =	simm.s32 @!p0 $0x0  }
0x12: {  	s1 =	sld [smem:$0x3F9A];
	s0 =	simm.s32 @p0 $0x1  }
0x13: {  	[smem:$0x3FB5] =	sst s0;
	s0 =	simm.s32 @!p1 $0x0  }
0x14: {  	s2 =	sld [smem:$0x3F99];
	s0 =	simm.s32 @p1 $0x1  }
0x15: {  	[smem:$0x3FB6] =	sst s0;
	s0 =	simm.s32 @!p2 $0x0  }
0x16: {  	s3 =	sld [smem:$0x3FDB];
	s0 =	simm.s32 @p2 $0x1  }
0x17: {  	s4 =	simm.s32 $0x1BF5;
	[smem:$0x3FB8] =	sst s0  }
0x18: {  	s0 =	sld [smem:$0x3F9B];
	_ =	swait.ge [sflag:s4], $0x0  }
0x19: {  	s7 =	sld [smem:$0x3F9C]  }
0x1a: {  	s8 =	sadd.s32 $0xFFFFE003, lr  }
0x1b: {  	s9 =	sadd.s32 $0xFFFFFEF7, lr;
	s5 =	simm.s32 $0xFFFFFFFF;
	p2 =	slt.u32 s8, $0xFFFFF086  }
0x1c: {  	p1 =	slt.u32 s9, $0xF7A;
	s5 =	simm.s32 @!p2 $0x0  }
0x1d: {  	s5 =	simm.s32 @p1 $0x1;
	p0 =	seq.s32 s7, s2  }
0x1e: {  	s7 =	smul.u32 @!p0 $0xF7A, s2;
	p2 =	seq.s32 @!p0 s5, $0x0  }
0x1f: {  	s9 =	smul.u32 $0xF7A, s1;
	s8 =	simm.s32 @!p0 $0x1BF5;
	p2 =	por !p2, p0  }
0x20: {  	[sflag:s8] =	ssyncset.s32 @!p0 $0xFFFFF086;
	s6 =	sadd.s32 @!p0 s3, s7;
	s7 =	simm.s32 @!p0 $0x108  }
0x21: {  	s3 =	sadd.s32 s3, s9;
	s6 =	sadd.s32 @!p0 $0x88, s6;
	s7 =	simm.s32 @p2 $0x1082  }
0x22: {  	[simem:s7], [sflag:s8] =	dma.local @!p0 [hbm:s6], $0xF7A  }
0x23: {  	s9 =	sor.u32 $0xD0000000, s2;
	s6 =	simm.s32 $0x108;
	_ =	swait.ge @!p0 [sflag:s8], $0x0  }
0x24: {  	s3 =	sadd.s32 $0x88, s3;
	s6 =	simm.s32 @!p1 $0x1082;
	[sflag:s4] =	ssyncset.s32 $0xFFFFF086  }
0x25: {  	[simem:s6], [sflag:s4] =	dma.local [hbm:s3], $0xF7A  }
0x26: {  	[smem:$0x3F9C] =	sst s1;
	(tag) =	ssettag s2;
	_ =	strace s9  }
0x27: {  	s1 =	sld [smem:$0x3FAC]  }
0x28: {  	s2 =	sld [smem:$0x3FAD]  }
0x29: {  	s4 =	sld [smem:$0x3FAF]  }
0x2a: {  	p0 =	seq.s32 s5, $0x0;
	s5 =	sld [smem:$0x3FB0]  }
0x2b: {  	s6 =	sld [smem:$0x3FB1]  }
0x2c: {  	s7 =	sld [smem:$0x3FB2]  }
0x2d: {  	s3 =	simm.s32 $0x108;
	s8 =	sld [smem:$0x3FB3]  }
0x2e: {  	s3 =	simm.s32 @!p0 $0x1082;
	s9 =	sld [smem:$0x3FB4]  }
0x2f: {  	lr =	sadd.s32 s0, s3;
	s0 =	sld [smem:$0x3FAB]  }
0x30: {  	s3 =	sld [smem:$0x3FAE]  }
0x31: {  	[smem:$0x3FB7] =	sst s10  }
0x32: {  	s10 =	sld [smem:$0x3FB5];
	_ =	sdelay $0x3  }
0x33: {  	p0 =	seq.s32 s10, $0x1;
	s10 =	sld [smem:$0x3FB7];
	_ =	sdelay $0x3  }
0x34: {  	[smem:$0x3FB7] =	sst s10  }
0x35: {  	s10 =	sld [smem:$0x3FB6];
	_ =	sdelay $0x3  }
0x36: {  	p1 =	seq.s32 s10, $0x1;
	s10 =	sld [smem:$0x3FB7];
	_ =	sdelay $0x3  }
0x37: {  	[smem:$0x3FB7] =	sst s10  }
0x38: {  	s10 =	sld [smem:$0x3FB8]  }
0x39: {  	_ = 	snop;
	(pc) =	sbr.ind lr, $3  }
0x3a: {  	_ = 	snop  }
0x3b: {  	_ = 	snop  }
0x3c: {  	p2 =	seq.s32 s10, $0x1;
	s10 =	sld [smem:$0x3FB7]  }
0x3d: {  	_ =	shalt  }
0x3e: {  	_ =	shalt  }
0x3f: {  	_ =	shalt  }
0x40: {  	_ =	shalt  }
0x41: {  	_ =	shalt  }
0x42: {  	_ =	shalt  }
0x43: {  	_ =	shalt  }
0x44: {  	_ =	shalt  }
0x45: {  	_ =	shalt  }
0x46: {  	_ =	shalt  }
0x47: {  	_ =	shalt  }
0x48: {  	_ =	shalt  }
0x49: {  	_ =	shalt  }
0x4a: {  	_ =	shalt  }
0x4b: {  	_ =	shalt  }
0x4c: {  	_ =	shalt  }
0x4d: {  	_ =	shalt  }
0x4e: {  	_ =	shalt  }
0x4f: {  	_ =	shalt  }
0x50: {  	_ =	shalt  }
0x51: {  	_ =	shalt  }
0x52: {  	_ =	shalt  }
0x53: {  	_ =	shalt  }
0x54: {  	_ =	shalt  }
0x55: {  	_ =	shalt  }
0x56: {  	_ =	shalt  }
0x57: {  	_ =	shalt  }
0x58: {  	_ =	shalt  }
0x59: {  	_ =	shalt  }
0x5a: {  	_ =	shalt  }
0x5b: {  	_ =	shalt  }
0x5c: {  	_ =	shalt  }
0x5d: {  	_ =	shalt  }
0x5e: {  	_ =	shalt  }
0x5f: {  	_ =	shalt  }
0x60: {  	_ =	shalt  }
0x61: {  	_ =	shalt  }
0x62: {  	_ =	shalt  }
0x63: {  	_ =	shalt  }
0x64: {  	_ =	shalt  }
0x65: {  	_ =	shalt  }
0x66: {  	_ =	shalt  }
0x67: {  	_ =	shalt  }
0x68: {  	_ =	shalt  }
0x69: {  	_ =	shalt  }
0x6a: {  	_ =	shalt  }
0x6b: {  	_ =	shalt  }
0x6c: {  	_ =	shalt  }
0x6d: {  	_ =	shalt  }
0x6e: {  	_ =	shalt  }
0x6f: {  	_ =	shalt  }
0x70: {  	_ =	shalt  }
0x71: {  	_ =	shalt  }
0x72: {  	_ =	shalt  }
0x73: {  	_ =	shalt  }
0x74: {  	_ =	shalt  }
0x75: {  	_ =	shalt  }
0x76: {  	_ =	shalt  }
0x77: {  	_ =	shalt  }
0x78: {  	_ =	shalt  }
0x79: {  	_ =	shalt  }
0x7a: {  	_ =	shalt  }
0x7b: {  	_ =	shalt  }
0x7c: {  	_ =	shalt  }
0x7d: {  	_ =	shalt  }
0x7e: {  	_ =	shalt  }
0x7f: {  	_ =	shalt  }
0x80: {  	_ =	shalt  }
0x81: {  	_ =	shalt  }
0x82: {  	_ =	shalt  }
0x83: {  	_ =	shalt  }
0x84: {  	_ =	shalt  }
0x85: {  	_ =	shalt  }
0x86: {  	_ =	shalt  }
0x87: {  	_ =	shalt  }
.Lfunc_end0:
.L_simem_size_0:
called_computation_lowered:
.L_overlay_start_0:
0x88: {  	s2 =	sld [smem:$0x3FD9]  }
0x89: {  	s3 =	sld [smem:$0x3FFE];
	_ =	sdelay $0x1  }
0x8a: {  	s1 =	srdreg.scid  }
0x8b: {  	s0 =	sand.u32 $0x1, s1  }
0x8c: {  	s17 =	sshll.u32 s0, $0xA;
	s2 =	sadd.s32 s3, s2  }
0x8d: {  	s2 =	sadd.s32 s2, s17  }
0x8e: {  	[smem:$0x3FC3] =	sst s2  }
0x8f: {  	_ = 	snop  }
0x90: {  	s2 =	sld [smem:$0x3FC8];
	(tm) =	ssettm $0x1  }
0x91: {  	s18 =	sld [smem:$0x3FFB];
	_ =	sdelay $0x3  }
0x92: {  	_ =	strace s18  }
0x93: {  	s3 =	sld [smem:$0x3FFC];
	_ =	sdelay $0x3  }
0x94: {  	_ =	strace s3  }
0x95: {  	s3 =	sld [smem:$0x3FFD];
	_ =	sdelay $0x3  }
0x96: {  	_ =	strace s3  }
0x97: {  	_ =	strace $0x8FFFFFFF  }
0x98: {  	s19 =	sld [smem:$0x3FDB];
	_ =	sdelay $0x1  }
0x99: {  	s4 =	simm.s32 $_scs_section_size  }
0x9a: {  	s5 =	simm.s32 $_size__tile_overlayer_lowered;
	s6 =	simm.s32 $_tile_overlayer_lowered  }
0x9b: {  	s22 =	simm.s32 $0x1BFF;
	s21 =	sshll.u32 s6, $0x1;
	s3 =	sadd.s32 s4, s19  }
0x9c: {  	s7 =	simm.s32 $0x0;
	s20 =	sshll.u32 s5, $0x1;
	s5 =	sadd.s32 s21, s3  }
0x9d: {  	[timem:s7], [sflag:s22] =	dma.local [hbm:s5], s20  }
0x9e: {  	_ =	swait.ge [sflag:s22], s20  }
0x9f: {  	s4 =	ssub.s32 $0x0, s20;
	[sflag:s22] =	ssyncset.done $0x0  }
0xa0: {  	[sflag:s22] =	ssyncadd.s32 s4;
	_ =	sdelay $0x1  }
0xa1: {  	s23 =	simm.s32 $0x1B8B  }
0xa2: {  	_ =	swait.ge [sflag:s23], $0x1  }
0xa3: {  	[sflag:s23] =	ssyncset.done $0x0  }
0xa4: {  	s25 =	simm.s32 $0x1B8E;
	s24 =	sld [smem:$0x3FFE];
	[sflag:s23] =	ssyncadd.s32 $0xFFFFFFFF  }
0xa5: {  	s26 =	simm.s32 $execute0_lowered;
	[smem:$0x3FD2] =	sst s25  }
0xa6: {  	s5 =	sshll.u32 s26, $0x1;
	_ =	strace $0x80000046;
	[dreg:$0x1] =	wrdreg $0xFFFFFFFF  }
0xa7: {  	s28 =	simm.s32 $_size_execute0_lowered;
	s3 =	sadd.s32 s3, s5;
	[dreg:$0x0] =	wrdreg $0x0  }
0xa8: {  	s5 =	sshll.u32 s28, $0x1;
	[dreg:$0x2] =	wrdreg s3  }
0xa9: {  	[dreg:$0x3] =	wrdreg s5  }
0xaa: {  	[dreg:$0x4] =	wrdreg $0xC0  }
0xab: {  	_ =	task [dreg:s7], $0x5FFFF  }
0xac: {  	[dreg:$0x1] =	wrdreg $0xFFFFFFFF  }
0xad: {  	[dreg:$0x0] =	wrdreg $0x60  }
0xae: {  	[dreg:$0x2] =	wrdreg s2  }
0xaf: {  	[dreg:$0x3] =	wrdreg s24  }
0xb0: {  	[dreg:$0x4] =	wrdreg $0x9  }
0xb1: {  	_ =	task.clear_ibuf [dreg:s7], $0x5FFFF;
	_ =	strace $0x90000046  }
0xb2: {  	s29 =	simm.s32 $0x9;
	_ =	strace $0x80000048  }
0xb3: {  	_ =	swait.ge [sflag:s29], $0x1  }
0xb4: {  	[sflag:s29] =	ssyncadd.s32 $0xFFFFFFFF  }
0xb5: {  	_ =	strace $0x90000048  }
0xb6: {  	_ =	sfence  }
0xb7: {  	s30 =	sld [smem:$0x0];
	_ =	sdelay $0x2  }
0xb8: {  	s31 =	sshll.u32 s1, $0xD;
	s1 =	sshrl.u32 s1, $0x2  }
0xb9: {  	s3 =	sand.u32 $0x4000, s31;
	s1 =	sadd.s32 s1, s30  }
0xba: {  	s0 =	sor.u32 s3, s0;
	s1 =	sshll.u32 s1, $0x11  }
0xbb: {  	s0 =	sor.u32 s1, s0  }
0xbc: {  	s0 =	sadd.s32 $0x8F2B, s0  }
0xbd: {  	[sflag:s0] =	ssyncadd.remote.s32 $0x1  }
0xbe: {  	_ =	sfence.sel $0xFFFF  }
0xbf: {  	[dreg:$0x0] =	wrdreg $0xFFFFFFFF;
	(pc) =	sbr.abs _section_cstart, $3  }
0xc0: {  	[dreg:$0x1] =	wrdreg $0xFFFFFFFF  }
0xc1: {  	_ =	task.clear_ibuf [dreg:s7], $0x2FFFF;
	_ =	strace $0x9FFFFFFF  }
0xc2: {  	(tm) =	ssettm $0x7FFFFFFF  }
0xc3: {  	_ =	shalt  }
tec
execute0_lowered:
.L_overlay_start_1:
0x0: {  	(tag) =	ssettag $0x1  }
0x1: {  	v0 =	vimm.s32 $0xFEDCBA98  }
0x2: {  	v1 =	vimm.s32 $0x76543210;
	s3 =	rddreg [dreg:$0x0];
	v2 =	vimm.s32 $0xBA98FEDC;
	v3 =	vimm.s32 $0x32107654  }
0x3: {  	s4 =	rddreg [dreg:$0x1];
	v4 =	vimm.s32 $0xDCFE98BA;
	v5 =	vimm.s32 $0x54761032;
	v6 =	vimm.s32 $0xEFCDAB89  }
0x4: {  	s0 =	rddreg [dreg:$0x2];
	v7 =	vimm.s32 $0x67452301;
	vm0 =	vcmask $0x320;
	vm1 =	vcmask $0x720  }
0x5: {  	s2 =	simm.s32 $0x0;
	s5 =	srdreg.scid;
	s1 =	stileid.u32;
	vm2 =	vcmask $0xB20;
	vm3 =	vcmask $0xF20;
	vm4 =	vcmask $0x1320  }
0x6: {  	s13 =	simm.s32 $0x1;
	s14 =	simm.s32 $0x4080;
	s15 =	simm.s32 $0x2;
	v0 =	vunpack.c.l.s4.s8 v0;
	v1 =	vunpack.c.l.s4.s8 v1;
	v2 =	vunpack.c.l.s4.s8 v2  }
0x7: {  	s16 =	simm.s32 $0x4000;
	s17 =	simm.s32 $0x3;
	s18 =	simm.s32 $0x0;
	v3 =	vunpack.c.l.s4.s8 v3;
	v4 =	vunpack.c.l.s4.s8 v4;
	v5 =	vunpack.c.l.s4.s8 v5  }
0x8: {  	[smem:$0x7FF] =	sst s2;
	s5 =	sand.u32 $0x1, s5;
	s6 =	sshll.u32 s1, $0x1;
	v6 =	vunpack.c.l.s4.s8 v6;
	v7 =	vunpack.c.l.s4.s8 v7;
	v0 =	vunpack.c.0.s8.s32 v0  }
0x9: {  	_ =	strace $0x80000047;
	s6 =	sor.u32 s5, s6;
	s5 =	ssub.s32 $0x2, s5;
	v2 =	vunpack.c.0.s8.s32 v2;
	v3 =	vunpack.c.0.s8.s32 v3;
	v4 =	vunpack.c.0.s8.s32 v4  }
0xa: {  	s7 =	sshll.u32 s6, $0x4;
	s8 =	sshrl.u32 s5, $0x1;
	s6 =	sshll.u32 s6, $0xD;
	v5 =	vunpack.c.0.s8.s32 v5;
	v6 =	vunpack.c.0.s8.s32 v6;
	v7 =	vunpack.c.0.s8.s32 v7  }
0xb: {  	vm5 =	vcmask $0x1720;
	v1 =	vunpack.c.0.s8.s32 v1;
	s11 =	sadd.s32 s7, s4;
	s12 =	ssub.s32 s5, s8;
	s3 =	sadd.s32 s3, s6;
	v2 =	vcombine.low v3, v2  }
0xc: {  	v3 =	vcombine.low v5, v4;
	v4 =	vcombine.low v7, v6;
	s4 =	sadd.s32 $0x10, s3;
	s5 =	sadd.s32 $0x20, s3;
	s6 =	sadd.s32 $0x30, s3;
	v0 =	vand.u32 $0xF, v0  }
0xd: {  	vm6 =	vcmask $0x1B20;
	vm7 =	vmmov $0x1;
	s7 =	sadd.s32 $0x40, s3;
	s8 =	sadd.s32 $0x50, s3;
	s9 =	sadd.s32 $0x60, s3;
	v0 =	vcombine.low v0, v1  }
0xe: {  	s10 =	sadd.s32 $0x70, s3;
	s11 =	sadd.s32 $0xA00, s11;
	s12 =	smax.u32 s12, $0x1;
	v1 =	vand.u32 $0xF, v2;
	v2 =	vand.u32 $0xF, v3;
	v3 =	vand.u32 $0xF, v4  }
.LBB2_1:
0xf: {  	s19 =	simm.s32 $0x80  }
0x10: {  	s22 =	sadd.s32 $0x0, s3;
	s20 =	simm.s32 $0x100;
	s21 =	simm.s32 $0x0  }
.LBB2_2:
0x11: {  	[tilespmem:s21], [sflag:$0x1] =	stream.linear.gather [hbm4b:s22+s2], $0x80, $0x38;
	[tilespmem:$0x4100] =	vst v63  }
0x12: {  	s22 =	smov.u32 s19;
	s21 =	smov.u32 s20;
	p0 =	sne.s32 s19, $0x1F80  }
.Ltmp0:
0x13: {  	s19 =	sadd.s32 $0x80, s19;
	(pc) =	sbr.rel @p0 .LBB2_2-.Ltmp0, $2  }
0x14: {  	_ =	sdelay $0x2  }
0x15: {  	s20 =	sadd.s32 $0x100, s20;
	s22 =	sadd.s32 s22, s3  }
0x16: {  	[tilespmem:s21], [sflag:$0x1] =	stream.linear.gather [hbm4b:s22+s2], $0x80, $0x38;
	[tilespmem:$0x4100] =	vst v63  }
0x17: {  	_ =	swait.ge [sflag:s13], $0x2000  }
0x18: {  	s19 =	simm.s32 $0x0;
	[sflag:s13] =	ssyncset.done $0x0  }
0x19: {  	s20 =	simm.s32 $0x80;
	s21 =	simm.s32 $0x0;
	[sflag:s13] =	ssyncadd.s32 $0xFFFFE000  }
.LBB2_4:
0x1a: {  	p0 =	sne.s32 s21, $0x1F80  }
.Ltmp1:
0x1b: {  	_ = 	snop;
	(pc) =	sbr.rel @p0 .LBB2_4-.Ltmp1, $4  }
0x1c: {  	_ = 	snop  }
0x1d: {  	s22 =	sadd.s32 s21, s4  }
0x1e: {  	[tilespmem:s20], [sflag:$0x2] =	stream.linear.gather [hbm4b:s22+s19], $0x80, $0x38;
	[tilespmem:$0x4100] =	vst v63  }
0x1f: {  	s21 =	sadd.s32 $0x80, s21;
	s20 =	sadd.s32 $0x100, s20  }
0x20: {  	s21 =	simm.s32 $0x0  }
0x21: {  	v4 =	vld [tilespmem:s21+$0x70]  }
0x22: {  	v5 =	vld [tilespmem:s21+$0x0]  }
0x23: {  	v6 =	vld [tilespmem:s21+$0x10]  }
0x24: {  	v9 =	vld [tilespmem:s21+$0x20]  }
0x25: {  	v10 =	vld [tilespmem:s21+$0x30]  }
0x26: {  	v7 =	vimm.f32 $0.0e+00;
	v8 =	vimm.f32 $0.0e+00;
	v11 =	vld [tilespmem:s21+$0x40]  }
0x27: {  	v14 =	vimm.f32 $0.0e+00;
	v12 =	vimm.f32 $0.0e+00;
	v15 =	vld [tilespmem:s21+$0x50];
	v4 =	vadd.f32 v4, v7  }
0x28: {  	s19 =	simm.s32 $0x100;
	s20 =	simm.s32 $0x800;
	v13 =	vimm.f32 $0.0e+00;
	v16 =	vld [tilespmem:s21+$0x60];
	v5 =	vadd.f32 v5, v7;
	v6 =	vadd.f32 v6, v7  }
.LBB2_6:
0x29: {  	p0 =	sne.s32 s20, $0xFC00;
	v17 =	vld [tilespmem:s19+$0x70];
	v7 =	vadd.f32 v9, v7  }
0x2a: {  	v18 =	vld [tilespmem:s19+$0x0];
	v8 =	vadd.f32 v10, v8  }
0x2b: {  	v19 =	vld [tilespmem:s19+$0x10];
	v14 =	vadd.f32 v11, v14  }
.Ltmp2:
0x2c: {  	v9 =	vld [tilespmem:s19+$0x20];
	v12 =	vadd.f32 v15, v12;
	(pc) =	sbr.rel @p0 .LBB2_6-.Ltmp2, $4  }
0x2d: {  	v10 =	vld [tilespmem:s19+$0x30];
	v13 =	vadd.f32 v16, v13  }
0x2e: {  	v11 =	vld [tilespmem:s19+$0x40];
	v4 =	vadd.f32 v17, v4  }
0x2f: {  	v5 =	vadd.f32 v18, v5;
	v15 =	vld [tilespmem:s19+$0x50]  }
0x30: {  	v6 =	vadd.f32 v19, v6;
	v16 =	vld [tilespmem:s19+$0x60];
	s19 =	sshra.s32 s20, $0x2;
	s20 =	sadd.s32 $0x400, s20  }
0x31: {  	v17 =	vld [tilespmem:s19+$0x70]  }
0x32: {  	v18 =	vld [tilespmem:s19+$0x0]  }
0x33: {  	v19 =	vld [tilespmem:s19+$0x10]  }
0x34: {  	v20 =	vld [tilespmem:s19+$0x20]  }
0x35: {  	v21 =	vld [tilespmem:s19+$0x30]  }
0x36: {  	v22 =	vld [tilespmem:s19+$0x40]  }
0x37: {  	v7 =	vadd.f32 v9, v7;
	v61 =	vld [tilespmem:s19+$0x50]  }
0x38: {  	v63 =	vld [tilespmem:s19+$0x60];
	v8 =	vadd.f32 v10, v8;
	v62 =	vadd.f32 v11, v14  }
0x39: {  	v12 =	vadd.f32 v15, v12;
	v13 =	vadd.f32 v16, v13  }
0x3a: {  	v4 =	vadd.f32 v17, v4;
	v5 =	vadd.f32 v18, v5  }
0x3b: {  	v6 =	vadd.f32 v19, v6;
	v7 =	vadd.f32 v20, v7  }
0x3c: {  	v8 =	vadd.f32 v21, v8;
	v10 =	vadd.f32 v22, v62  }
0x3d: {  	v9 =	vadd.f32 v61, v12;
	v11 =	vadd.f32 v63, v13  }
0x3e: {  	v5 =	vadd.f32 v6, v5;
	v6 =	vadd.f32 v8, v7  }
0x3f: {  	v7 =	vadd.f32 v9, v10;
	v4 =	vadd.f32 v4, v11;
	_ =	sdelay $0x1  }
0x40: {  	v5 =	vadd.f32 v6, v5;
	v4 =	vadd.f32 v4, v7;
	_ =	sdelay $0x1  }
0x41: {  	v4 =	vadd.f32 v4, v5;
	_ =	sdelay $0x1  }
0x42: {  	[tilespmem:$0x4080] =	vst v4  }
0x43: {  	v5 =	vld.idx.msk [tilespmem:v0+s14+$0x0], $0xffff;
	_ =	sdelay $0x4  }
0x44: {  	v4 =	vadd.f32 v5, v4;
	_ =	sdelay $0x1  }
0x45: {  	[tilespmem:$0x4080] =	vst v4  }
0x46: {  	v5 =	vld.idx.msk [tilespmem:v1+s14+$0x0], $0xffff;
	_ =	sdelay $0x4  }
0x47: {  	v4 =	vadd.f32 v5, v4;
	_ =	sdelay $0x1  }
0x48: {  	[tilespmem:$0x4080] =	vst v4  }
0x49: {  	v5 =	vld.idx.msk [tilespmem:v2+s14+$0x0], $0xffff;
	_ =	sdelay $0x4  }
0x4a: {  	v4 =	vadd.f32 v5, v4;
	_ =	sdelay $0x1  }
0x4b: {  	[tilespmem:$0x4080] =	vst v4  }
0x4c: {  	v5 =	vld.idx.msk [tilespmem:v3+s14+$0x0], $0xffff;
	_ =	swait.ge [sflag:s15], $0x2000  }
0x4d: {  	s19 =	simm.s32 $0x0;
	[sflag:s15] =	ssyncset.done $0x0  }
0x4e: {  	s20 =	simm.s32 $0x0;
	s21 =	simm.s32 $0x0;
	[sflag:s15] =	ssyncadd.s32 $0xFFFFE000  }
.LBB2_8:
0x4f: {  	p0 =	sne.s32 s21, $0x1F80  }
.Ltmp3:
0x50: {  	_ = 	snop;
	(pc) =	sbr.rel @p0 .LBB2_8-.Ltmp3, $4  }
0x51: {  	_ = 	snop  }
0x52: {  	s22 =	sadd.s32 s21, s5  }
0x53: {  	[tilespmem:s20], [sflag:$0x1] =	stream.linear.gather [hbm4b:s22+s19], $0x80, $0x38;
	[tilespmem:$0x4100] =	vst v63  }
0x54: {  	s21 =	sadd.s32 $0x80, s21;
	s20 =	sadd.s32 $0x100, s20  }
0x55: {  	s21 =	simm.s32 $0x0  }
0x56: {  	v6 =	vld [tilespmem:s21+$0xF0]  }
0x57: {  	v7 =	vld [tilespmem:s21+$0x80]  }
0x58: {  	v8 =	vld [tilespmem:s21+$0x90]  }
0x59: {  	v11 =	vld [tilespmem:s21+$0xA0]  }
0x5a: {  	v12 =	vld [tilespmem:s21+$0xB0]  }
0x5b: {  	v9 =	vimm.f32 $0.0e+00;
	v10 =	vimm.f32 $0.0e+00;
	v13 =	vld [tilespmem:s21+$0xC0]  }
0x5c: {  	v16 =	vimm.f32 $0.0e+00;
	v14 =	vimm.f32 $0.0e+00;
	v17 =	vld [tilespmem:s21+$0xD0];
	v6 =	vadd.f32 v6, v9  }
0x5d: {  	s19 =	simm.s32 $0x100;
	s20 =	simm.s32 $0x800;
	v15 =	vimm.f32 $0.0e+00;
	v18 =	vld [tilespmem:s21+$0xE0];
	v7 =	vadd.f32 v7, v9;
	v8 =	vadd.f32 v8, v9  }
.LBB2_10:
0x5e: {  	p0 =	sne.s32 s20, $0xFC00;
	v19 =	vld [tilespmem:s19+$0xF0];
	v9 =	vadd.f32 v11, v9  }
0x5f: {  	v20 =	vld [tilespmem:s19+$0x80];
	v10 =	vadd.f32 v12, v10  }
0x60: {  	v21 =	vld [tilespmem:s19+$0x90];
	v16 =	vadd.f32 v13, v16  }
.Ltmp4:
0x61: {  	v11 =	vld [tilespmem:s19+$0xA0];
	v14 =	vadd.f32 v17, v14;
	(pc) =	sbr.rel @p0 .LBB2_10-.Ltmp4, $4  }
0x62: {  	v12 =	vld [tilespmem:s19+$0xB0];
	v15 =	vadd.f32 v18, v15  }
0x63: {  	v13 =	vld [tilespmem:s19+$0xC0];
	v6 =	vadd.f32 v19, v6  }
0x64: {  	v7 =	vadd.f32 v20, v7;
	v17 =	vld [tilespmem:s19+$0xD0]  }
0x65: {  	v8 =	vadd.f32 v21, v8;
	v18 =	vld [tilespmem:s19+$0xE0];
	s19 =	sshra.s32 s20, $0x2;
	s20 =	sadd.s32 $0x400, s20  }
0x66: {  	v19 =	vld [tilespmem:s19+$0xF0]  }
0x67: {  	v20 =	vld [tilespmem:s19+$0x80]  }
0x68: {  	v21 =	vld [tilespmem:s19+$0x90]  }
0x69: {  	v22 =	vld [tilespmem:s19+$0xA0]  }
0x6a: {  	v23 =	vld [tilespmem:s19+$0xB0]  }
0x6b: {  	v24 =	vld [tilespmem:s19+$0xC0]  }
0x6c: {  	v9 =	vadd.f32 v11, v9;
	v60 =	vld [tilespmem:s19+$0xD0]  }
0x6d: {  	v62 =	vld [tilespmem:s19+$0xE0];
	v10 =	vadd.f32 v12, v10;
	v61 =	vadd.f32 v13, v16  }
0x6e: {  	v14 =	vadd.f32 v17, v14;
	v15 =	vadd.f32 v18, v15  }
0x6f: {  	v6 =	vadd.f32 v19, v6;
	v7 =	vadd.f32 v20, v7  }
0x70: {  	v8 =	vadd.f32 v21, v8;
	v9 =	vadd.f32 v22, v9  }
0x71: {  	v10 =	vadd.f32 v23, v10;
	v12 =	vadd.f32 v24, v61  }
0x72: {  	v11 =	vadd.f32 v60, v14;
	v13 =	vadd.f32 v62, v15  }
0x73: {  	v7 =	vadd.f32 v8, v7;
	v8 =	vadd.f32 v10, v9  }
0x74: {  	v63 =	vadd.f32 v11, v12;
	v6 =	vadd.f32 v6, v13;
	_ =	sdelay $0x1  }
0x75: {  	v7 =	vadd.f32 v8, v7;
	v6 =	vadd.f32 v6, v63;
	_ =	sdelay $0x1  }
0x76: {  	v6 =	vadd.f32 v6, v7;
	_ =	sdelay $0x1  }
0x77: {  	[tilespmem:$0x4080] =	vst v6  }
0x78: {  	v7 =	vld.idx.msk [tilespmem:v0+s14+$0x0], $0xffff;
	_ =	sdelay $0x4  }
0x79: {  	v6 =	vadd.f32 v7, v6;
	_ =	sdelay $0x1  }
0x7a: {  	[tilespmem:$0x4080] =	vst v6  }
0x7b: {  	v7 =	vld.idx.msk [tilespmem:v1+s14+$0x0], $0xffff;
	_ =	sdelay $0x4  }
0x7c: {  	v6 =	vadd.f32 v7, v6;
	_ =	sdelay $0x1  }
0x7d: {  	[tilespmem:$0x4080] =	vst v6  }
0x7e: {  	v7 =	vld.idx.msk [tilespmem:v2+s14+$0x0], $0xffff;
	_ =	sdelay $0x4  }
0x7f: {  	v6 =	vadd.f32 v7, v6;
	_ =	sdelay $0x1  }
0x80: {  	[tilespmem:$0x4080] =	vst v6  }
0x81: {  	v7 =	vld.idx.msk [tilespmem:v3+s14+$0x0], $0xffff;
	_ =	swait.ge [sflag:s13], $0x2000  }
0x82: {  	s19 =	simm.s32 $0x0;
	[sflag:s13] =	ssyncset.done $0x0  }
0x83: {  	s20 =	simm.s32 $0x80;
	s21 =	simm.s32 $0x0;
	[sflag:s13] =	ssyncadd.s32 $0xFFFFE000  }
.LBB2_12:
0x84: {  	p0 =	sne.s32 s21, $0x1F80  }
.Ltmp5:
0x85: {  	_ = 	snop;
	(pc) =	sbr.rel @p0 .LBB2_12-.Ltmp5, $4  }
0x86: {  	_ = 	snop  }
0x87: {  	s22 =	sadd.s32 s21, s6  }
0x88: {  	[tilespmem:s20], [sflag:$0x2] =	stream.linear.gather [hbm4b:s22+s19], $0x80, $0x38;
	[tilespmem:$0x4100] =	vst v63  }
0x89: {  	s21 =	sadd.s32 $0x80, s21;
	s20 =	sadd.s32 $0x100, s20  }
0x8a: {  	s21 =	simm.s32 $0x0  }
0x8b: {  	v8 =	vld [tilespmem:s21+$0x70]  }
0x8c: {  	v9 =	vld [tilespmem:s21+$0x0]  }
0x8d: {  	v10 =	vld [tilespmem:s21+$0x10]  }
0x8e: {  	v13 =	vld [tilespmem:s21+$0x20]  }
0x8f: {  	v14 =	vld [tilespmem:s21+$0x30]  }
0x90: {  	v11 =	vimm.f32 $0.0e+00;
	v12 =	vimm.f32 $0.0e+00;
	v15 =	vld [tilespmem:s21+$0x40]  }
0x91: {  	v18 =	vimm.f32 $0.0e+00;
	v16 =	vimm.f32 $0.0e+00;
	v19 =	vld [tilespmem:s21+$0x50];
	v8 =	vadd.f32 v8, v11  }
0x92: {  	s19 =	simm.s32 $0x100;
	s20 =	simm.s32 $0x800;
	v17 =	vimm.f32 $0.0e+00;
	v20 =	vld [tilespmem:s21+$0x60];
	v9 =	vadd.f32 v9, v11;
	v10 =	vadd.f32 v10, v11  }
.LBB2_14:
0x93: {  	p0 =	sne.s32 s20, $0xFC00;
	v21 =	vld [tilespmem:s19+$0x70];
	v11 =	vadd.f32 v13, v11  }
0x94: {  	v22 =	vld [tilespmem:s19+$0x0];
	v12 =	vadd.f32 v14, v12  }
0x95: {  	v23 =	vld [tilespmem:s19+$0x10];
	v18 =	vadd.f32 v15, v18  }
.Ltmp6:
0x96: {  	v13 =	vld [tilespmem:s19+$0x20];
	v16 =	vadd.f32 v19, v16;
	(pc) =	sbr.rel @p0 .LBB2_14-.Ltmp6, $4  }
0x97: {  	v14 =	vld [tilespmem:s19+$0x30];
	v17 =	vadd.f32 v20, v17  }
0x98: {  	v15 =	vld [tilespmem:s19+$0x40];
	v8 =	vadd.f32 v21, v8  }
0x99: {  	v9 =	vadd.f32 v22, v9;
	v19 =	vld [tilespmem:s19+$0x50]  }
0x9a: {  	v10 =	vadd.f32 v23, v10;
	v20 =	vld [tilespmem:s19+$0x60];
	s19 =	sshra.s32 s20, $0x2;
	s20 =	sadd.s32 $0x400, s20  }
0x9b: {  	v21 =	vld [tilespmem:s19+$0x70]  }
0x9c: {  	v22 =	vld [tilespmem:s19+$0x0]  }
0x9d: {  	v23 =	vld [tilespmem:s19+$0x10]  }
0x9e: {  	v24 =	vld [tilespmem:s19+$0x20]  }
0x9f: {  	v25 =	vld [tilespmem:s19+$0x30]  }
0xa0: {  	v26 =	vld [tilespmem:s19+$0x40]  }
0xa1: {  	v11 =	vadd.f32 v13, v11;
	v61 =	vld [tilespmem:s19+$0x50]  }
0xa2: {  	v63 =	vld [tilespmem:s19+$0x60];
	v12 =	vadd.f32 v14, v12;
	v62 =	vadd.f32 v15, v18  }
0xa3: {  	v16 =	vadd.f32 v19, v16;
	v17 =	vadd.f32 v20, v17  }
0xa4: {  	v8 =	vadd.f32 v21, v8;
	v9 =	vadd.f32 v22, v9  }
0xa5: {  	v10 =	vadd.f32 v23, v10;
	v11 =	vadd.f32 v24, v11  }
0xa6: {  	v12 =	vadd.f32 v25, v12;
	v14 =	vadd.f32 v26, v62  }
0xa7: {  	v13 =	vadd.f32 v61, v16;
	v15 =	vadd.f32 v63, v17  }
0xa8: {  	v9 =	vadd.f32 v10, v9;
	v10 =	vadd.f32 v12, v11  }
0xa9: {  	v11 =	vadd.f32 v13, v14;
	v8 =	vadd.f32 v8, v15;
	_ =	sdelay $0x1  }
0xaa: {  	v9 =	vadd.f32 v10, v9;
	v8 =	vadd.f32 v8, v11;
	_ =	sdelay $0x1  }
0xab: {  	v8 =	vadd.f32 v8, v9;
	_ =	sdelay $0x1  }
0xac: {  	[tilespmem:$0x4080] =	vst v8  }
0xad: {  	v9 =	vld.idx.msk [tilespmem:v0+s14+$0x0], $0xffff;
	_ =	sdelay $0x4  }
0xae: {  	v8 =	vadd.f32 v9, v8;
	_ =	sdelay $0x1  }
0xaf: {  	[tilespmem:$0x4080] =	vst v8  }
0xb0: {  	v9 =	vld.idx.msk [tilespmem:v1+s14+$0x0], $0xffff;
	_ =	sdelay $0x4  }
0xb1: {  	v8 =	vadd.f32 v9, v8;
	_ =	sdelay $0x1  }
0xb2: {  	[tilespmem:$0x4080] =	vst v8  }
0xb3: {  	v9 =	vld.idx.msk [tilespmem:v2+s14+$0x0], $0xffff;
	_ =	sdelay $0x4  }
0xb4: {  	v8 =	vadd.f32 v9, v8;
	_ =	sdelay $0x1  }
0xb5: {  	[tilespmem:$0x4080] =	vst v8  }
0xb6: {  	v9 =	vld.idx.msk [tilespmem:v3+s14+$0x0], $0xffff;
	_ =	swait.ge [sflag:s15], $0x2000  }
0xb7: {  	s19 =	simm.s32 $0x0;
	[sflag:s15] =	ssyncset.done $0x0  }
0xb8: {  	s20 =	simm.s32 $0x0;
	s21 =	simm.s32 $0x0;
	[sflag:s15] =	ssyncadd.s32 $0xFFFFE000  }
.LBB2_16:
0xb9: {  	p0 =	sne.s32 s21, $0x1F80  }
.Ltmp7:
0xba: {  	_ = 	snop;
	(pc) =	sbr.rel @p0 .LBB2_16-.Ltmp7, $4  }
0xbb: {  	_ = 	snop  }
0xbc: {  	s22 =	sadd.s32 s21, s7  }
0xbd: {  	[tilespmem:s20], [sflag:$0x1] =	stream.linear.gather [hbm4b:s22+s19], $0x80, $0x38;
	[tilespmem:$0x4100] =	vst v63  }
0xbe: {  	s21 =	sadd.s32 $0x80, s21;
	s20 =	sadd.s32 $0x100, s20  }
0xbf: {  	s21 =	simm.s32 $0x0  }
0xc0: {  	v10 =	vld [tilespmem:s21+$0xF0]  }
0xc1: {  	v11 =	vld [tilespmem:s21+$0x80]  }
0xc2: {  	v12 =	vld [tilespmem:s21+$0x90]  }
0xc3: {  	v15 =	vld [tilespmem:s21+$0xA0]  }
0xc4: {  	v16 =	vld [tilespmem:s21+$0xB0]  }
0xc5: {  	v13 =	vimm.f32 $0.0e+00;
	v14 =	vimm.f32 $0.0e+00;
	v17 =	vld [tilespmem:s21+$0xC0]  }
0xc6: {  	v20 =	vimm.f32 $0.0e+00;
	v18 =	vimm.f32 $0.0e+00;
	v21 =	vld [tilespmem:s21+$0xD0];
	v10 =	vadd.f32 v10, v13  }
0xc7: {  	s19 =	simm.s32 $0x100;
	s20 =	simm.s32 $0x800;
	v19 =	vimm.f32 $0.0e+00;
	v22 =	vld [tilespmem:s21+$0xE0];
	v11 =	vadd.f32 v11, v13;
	v12 =	vadd.f32 v12, v13  }
.LBB2_18:
0xc8: {  	p0 =	sne.s32 s20, $0xFC00;
	v23 =	vld [tilespmem:s19+$0xF0];
	v13 =	vadd.f32 v15, v13  }
0xc9: {  	v24 =	vld [tilespmem:s19+$0x80];
	v14 =	vadd.f32 v16, v14  }
0xca: {  	v25 =	vld [tilespmem:s19+$0x90];
	v20 =	vadd.f32 v17, v20  }
.Ltmp8:
0xcb: {  	v15 =	vld [tilespmem:s19+$0xA0];
	v18 =	vadd.f32 v21, v18;
	(pc) =	sbr.rel @p0 .LBB2_18-.Ltmp8, $4  }
0xcc: {  	v16 =	vld [tilespmem:s19+$0xB0];
	v19 =	vadd.f32 v22, v19  }
0xcd: {  	v17 =	vld [tilespmem:s19+$0xC0];
	v10 =	vadd.f32 v23, v10  }
0xce: {  	v11 =	vadd.f32 v24, v11;
	v21 =	vld [tilespmem:s19+$0xD0]  }
0xcf: {  	v12 =	vadd.f32 v25, v12;
	v22 =	vld [tilespmem:s19+$0xE0];
	s19 =	sshra.s32 s20, $0x2;
	s20 =	sadd.s32 $0x400, s20  }
0xd0: {  	v23 =	vld [tilespmem:s19+$0xF0]  }
0xd1: {  	v24 =	vld [tilespmem:s19+$0x80]  }
0xd2: {  	v25 =	vld [tilespmem:s19+$0x90]  }
0xd3: {  	v26 =	vld [tilespmem:s19+$0xA0]  }
0xd4: {  	v27 =	vld [tilespmem:s19+$0xB0]  }
0xd5: {  	v28 =	vld [tilespmem:s19+$0xC0]  }
0xd6: {  	v13 =	vadd.f32 v15, v13;
	v59 =	vld [tilespmem:s19+$0xD0]  }
0xd7: {  	v61 =	vld [tilespmem:s19+$0xE0];
	v14 =	vadd.f32 v16, v14;
	v60 =	vadd.f32 v17, v20  }
0xd8: {  	v18 =	vadd.f32 v21, v18;
	v19 =	vadd.f32 v22, v19  }
0xd9: {  	v10 =	vadd.f32 v23, v10;
	v11 =	vadd.f32 v24, v11  }
0xda: {  	v12 =	vadd.f32 v25, v12;
	v13 =	vadd.f32 v26, v13  }
0xdb: {  	v14 =	vadd.f32 v27, v14;
	v16 =	vadd.f32 v28, v60  }
0xdc: {  	v15 =	vadd.f32 v59, v18;
	v17 =	vadd.f32 v61, v19  }
0xdd: {  	v11 =	vadd.f32 v12, v11;
	v62 =	vadd.f32 v14, v13  }
0xde: {  	v63 =	vadd.f32 v15, v16;
	v10 =	vadd.f32 v10, v17;
	_ =	sdelay $0x1  }
0xdf: {  	v11 =	vadd.f32 v62, v11;
	v10 =	vadd.f32 v10, v63;
	_ =	sdelay $0x1  }
0xe0: {  	v10 =	vadd.f32 v10, v11;
	_ =	sdelay $0x1  }
0xe1: {  	[tilespmem:$0x4080] =	vst v10  }
0xe2: {  	v11 =	vld.idx.msk [tilespmem:v0+s14+$0x0], $0xffff;
	_ =	sdelay $0x4  }
0xe3: {  	v10 =	vadd.f32 v11, v10;
	_ =	sdelay $0x1  }
0xe4: {  	[tilespmem:$0x4080] =	vst v10  }
0xe5: {  	v11 =	vld.idx.msk [tilespmem:v1+s14+$0x0], $0xffff;
	_ =	sdelay $0x4  }
0xe6: {  	v10 =	vadd.f32 v11, v10;
	_ =	sdelay $0x1  }
0xe7: {  	[tilespmem:$0x4080] =	vst v10  }
0xe8: {  	v11 =	vld.idx.msk [tilespmem:v2+s14+$0x0], $0xffff;
	_ =	sdelay $0x4  }
0xe9: {  	v10 =	vadd.f32 v11, v10;
	_ =	sdelay $0x1  }
0xea: {  	[tilespmem:$0x4080] =	vst v10  }
0xeb: {  	v11 =	vld.idx.msk [tilespmem:v3+s14+$0x0], $0xffff;
	_ =	swait.ge [sflag:s13], $0x2000  }
0xec: {  	s19 =	simm.s32 $0x0;
	[sflag:s13] =	ssyncset.done $0x0  }
0xed: {  	s20 =	simm.s32 $0x80;
	s21 =	simm.s32 $0x0;
	[sflag:s13] =	ssyncadd.s32 $0xFFFFE000  }
.LBB2_20:
0xee: {  	p0 =	sne.s32 s21, $0x1F80  }
.Ltmp9:
0xef: {  	_ = 	snop;
	(pc) =	sbr.rel @p0 .LBB2_20-.Ltmp9, $4  }
0xf0: {  	_ = 	snop  }
0xf1: {  	s22 =	sadd.s32 s21, s8  }
0xf2: {  	[tilespmem:s20], [sflag:$0x2] =	stream.linear.gather [hbm4b:s22+s19], $0x80, $0x38;
	[tilespmem:$0x4100] =	vst v63  }
0xf3: {  	s21 =	sadd.s32 $0x80, s21;
	s20 =	sadd.s32 $0x100, s20  }
0xf4: {  	s21 =	simm.s32 $0x0  }
0xf5: {  	v12 =	vld [tilespmem:s21+$0x70]  }
0xf6: {  	v13 =	vld [tilespmem:s21+$0x0]  }
0xf7: {  	v14 =	vld [tilespmem:s21+$0x10]  }
0xf8: {  	v17 =	vld [tilespmem:s21+$0x20]  }
0xf9: {  	v18 =	vld [tilespmem:s21+$0x30]  }
0xfa: {  	v15 =	vimm.f32 $0.0e+00;
	v16 =	vimm.f32 $0.0e+00;
	v19 =	vld [tilespmem:s21+$0x40]  }
0xfb: {  	v22 =	vimm.f32 $0.0e+00;
	v20 =	vimm.f32 $0.0e+00;
	v23 =	vld [tilespmem:s21+$0x50];
	v12 =	vadd.f32 v12, v15  }
0xfc: {  	s19 =	simm.s32 $0x100;
	s20 =	simm.s32 $0x800;
	v21 =	vimm.f32 $0.0e+00;
	v24 =	vld [tilespmem:s21+$0x60];
	v13 =	vadd.f32 v13, v15;
	v14 =	vadd.f32 v14, v15  }
.LBB2_22:
0xfd: {  	p0 =	sne.s32 s20, $0xFC00;
	v25 =	vld [tilespmem:s19+$0x70];
	v15 =	vadd.f32 v17, v15  }
0xfe: {  	v26 =	vld [tilespmem:s19+$0x0];
	v16 =	vadd.f32 v18, v16  }
0xff: {  	v27 =	vld [tilespmem:s19+$0x10];
	v22 =	vadd.f32 v19, v22  }
.Ltmp10:
0x100: {  	v17 =	vld [tilespmem:s19+$0x20];
	v20 =	vadd.f32 v23, v20;
	(pc) =	sbr.rel @p0 .LBB2_22-.Ltmp10, $4  }
0x101: {  	v18 =	vld [tilespmem:s19+$0x30];
	v21 =	vadd.f32 v24, v21  }
0x102: {  	v19 =	vld [tilespmem:s19+$0x40];
	v12 =	vadd.f32 v25, v12  }
0x103: {  	v13 =	vadd.f32 v26, v13;
	v23 =	vld [tilespmem:s19+$0x50]  }
0x104: {  	v14 =	vadd.f32 v27, v14;
	v24 =	vld [tilespmem:s19+$0x60];
	s19 =	sshra.s32 s20, $0x2;
	s20 =	sadd.s32 $0x400, s20  }
0x105: {  	v25 =	vld [tilespmem:s19+$0x70]  }
0x106: {  	v26 =	vld [tilespmem:s19+$0x0]  }
0x107: {  	v27 =	vld [tilespmem:s19+$0x10]  }
0x108: {  	v28 =	vld [tilespmem:s19+$0x20]  }
0x109: {  	v29 =	vld [tilespmem:s19+$0x30]  }
0x10a: {  	v30 =	vld [tilespmem:s19+$0x40]  }
0x10b: {  	v15 =	vadd.f32 v17, v15;
	v61 =	vld [tilespmem:s19+$0x50]  }
0x10c: {  	v63 =	vld [tilespmem:s19+$0x60];
	v16 =	vadd.f32 v18, v16;
	v62 =	vadd.f32 v19, v22  }
0x10d: {  	v20 =	vadd.f32 v23, v20;
	v21 =	vadd.f32 v24, v21  }
0x10e: {  	v12 =	vadd.f32 v25, v12;
	v13 =	vadd.f32 v26, v13  }
0x10f: {  	v14 =	vadd.f32 v27, v14;
	v15 =	vadd.f32 v28, v15  }
0x110: {  	v16 =	vadd.f32 v29, v16;
	v18 =	vadd.f32 v30, v62  }
0x111: {  	v17 =	vadd.f32 v61, v20;
	v19 =	vadd.f32 v63, v21  }
0x112: {  	v13 =	vadd.f32 v14, v13;
	v14 =	vadd.f32 v16, v15  }
0x113: {  	v15 =	vadd.f32 v17, v18;
	v12 =	vadd.f32 v12, v19;
	_ =	sdelay $0x1  }
0x114: {  	v13 =	vadd.f32 v14, v13;
	v12 =	vadd.f32 v12, v15;
	_ =	sdelay $0x1  }
0x115: {  	v12 =	vadd.f32 v12, v13;
	_ =	sdelay $0x1  }
0x116: {  	[tilespmem:$0x4080] =	vst v12  }
0x117: {  	v13 =	vld.idx.msk [tilespmem:v0+s14+$0x0], $0xffff;
	_ =	sdelay $0x4  }
0x118: {  	v12 =	vadd.f32 v13, v12;
	_ =	sdelay $0x1  }
0x119: {  	[tilespmem:$0x4080] =	vst v12  }
0x11a: {  	v13 =	vld.idx.msk [tilespmem:v1+s14+$0x0], $0xffff;
	_ =	sdelay $0x4  }
0x11b: {  	v12 =	vadd.f32 v13, v12;
	_ =	sdelay $0x1  }
0x11c: {  	[tilespmem:$0x4080] =	vst v12  }
0x11d: {  	v13 =	vld.idx.msk [tilespmem:v2+s14+$0x0], $0xffff;
	_ =	sdelay $0x4  }
0x11e: {  	v12 =	vadd.f32 v13, v12;
	_ =	sdelay $0x1  }
0x11f: {  	[tilespmem:$0x4080] =	vst v12  }
0x120: {  	v13 =	vld.idx.msk [tilespmem:v3+s14+$0x0], $0xffff;
	_ =	swait.ge [sflag:s15], $0x2000  }
0x121: {  	s19 =	simm.s32 $0x0;
	[sflag:s15] =	ssyncset.done $0x0  }
0x122: {  	s20 =	simm.s32 $0x0;
	s21 =	simm.s32 $0x0;
	[sflag:s15] =	ssyncadd.s32 $0xFFFFE000  }
.LBB2_24:
0x123: {  	p0 =	sne.s32 s21, $0x1F80  }
.Ltmp11:
0x124: {  	_ = 	snop;
	(pc) =	sbr.rel @p0 .LBB2_24-.Ltmp11, $4  }
0x125: {  	_ = 	snop  }
0x126: {  	s22 =	sadd.s32 s21, s9  }
0x127: {  	[tilespmem:s20], [sflag:$0x1] =	stream.linear.gather [hbm4b:s22+s19], $0x80, $0x38;
	[tilespmem:$0x4100] =	vst v63  }
0x128: {  	s21 =	sadd.s32 $0x80, s21;
	s20 =	sadd.s32 $0x100, s20  }
0x129: {  	s21 =	simm.s32 $0x0  }
0x12a: {  	v14 =	vld [tilespmem:s21+$0xF0]  }
0x12b: {  	v15 =	vld [tilespmem:s21+$0x80]  }
0x12c: {  	v16 =	vld [tilespmem:s21+$0x90]  }
0x12d: {  	v19 =	vld [tilespmem:s21+$0xA0]  }
0x12e: {  	v20 =	vld [tilespmem:s21+$0xB0]  }
0x12f: {  	v17 =	vimm.f32 $0.0e+00;
	v18 =	vimm.f32 $0.0e+00;
	v21 =	vld [tilespmem:s21+$0xC0]  }
0x130: {  	v24 =	vimm.f32 $0.0e+00;
	v22 =	vimm.f32 $0.0e+00;
	v25 =	vld [tilespmem:s21+$0xD0];
	v14 =	vadd.f32 v14, v17  }
0x131: {  	s19 =	simm.s32 $0x100;
	s20 =	simm.s32 $0x800;
	v23 =	vimm.f32 $0.0e+00;
	v26 =	vld [tilespmem:s21+$0xE0];
	v15 =	vadd.f32 v15, v17;
	v16 =	vadd.f32 v16, v17  }
.LBB2_26:
0x132: {  	p0 =	sne.s32 s20, $0xFC00;
	v27 =	vld [tilespmem:s19+$0xF0];
	v17 =	vadd.f32 v19, v17  }
0x133: {  	v28 =	vld [tilespmem:s19+$0x80];
	v18 =	vadd.f32 v20, v18  }
0x134: {  	v29 =	vld [tilespmem:s19+$0x90];
	v24 =	vadd.f32 v21, v24  }
.Ltmp12:
0x135: {  	v19 =	vld [tilespmem:s19+$0xA0];
	v22 =	vadd.f32 v25, v22;
	(pc) =	sbr.rel @p0 .LBB2_26-.Ltmp12, $4  }
0x136: {  	v20 =	vld [tilespmem:s19+$0xB0];
	v23 =	vadd.f32 v26, v23  }
0x137: {  	v21 =	vld [tilespmem:s19+$0xC0];
	v14 =	vadd.f32 v27, v14  }
0x138: {  	v15 =	vadd.f32 v28, v15;
	v25 =	vld [tilespmem:s19+$0xD0]  }
0x139: {  	v16 =	vadd.f32 v29, v16;
	v26 =	vld [tilespmem:s19+$0xE0];
	s19 =	sshra.s32 s20, $0x2;
	s20 =	sadd.s32 $0x400, s20  }
0x13a: {  	v27 =	vld [tilespmem:s19+$0xF0]  }
0x13b: {  	v28 =	vld [tilespmem:s19+$0x80]  }
0x13c: {  	v29 =	vld [tilespmem:s19+$0x90]  }
0x13d: {  	v30 =	vld [tilespmem:s19+$0xA0]  }
0x13e: {  	v31 =	vld [tilespmem:s19+$0xB0]  }
0x13f: {  	v32 =	vld [tilespmem:s19+$0xC0]  }
0x140: {  	v17 =	vadd.f32 v19, v17;
	v61 =	vld [tilespmem:s19+$0xD0]  }
0x141: {  	v63 =	vld [tilespmem:s19+$0xE0];
	v18 =	vadd.f32 v20, v18;
	v62 =	vadd.f32 v21, v24  }
0x142: {  	v22 =	vadd.f32 v25, v22;
	v23 =	vadd.f32 v26, v23  }
0x143: {  	v14 =	vadd.f32 v27, v14;
	v15 =	vadd.f32 v28, v15  }
0x144: {  	v16 =	vadd.f32 v29, v16;
	v17 =	vadd.f32 v30, v17  }
0x145: {  	v18 =	vadd.f32 v31, v18;
	v20 =	vadd.f32 v32, v62  }
0x146: {  	v19 =	vadd.f32 v61, v22;
	v21 =	vadd.f32 v63, v23  }
0x147: {  	v15 =	vadd.f32 v16, v15;
	v16 =	vadd.f32 v18, v17  }
0x148: {  	v17 =	vadd.f32 v19, v20;
	v14 =	vadd.f32 v14, v21;
	_ =	sdelay $0x1  }
0x149: {  	v15 =	vadd.f32 v16, v15;
	v14 =	vadd.f32 v14, v17;
	_ =	sdelay $0x1  }
0x14a: {  	v14 =	vadd.f32 v14, v15;
	_ =	sdelay $0x1  }
0x14b: {  	[tilespmem:$0x4080] =	vst v14  }
0x14c: {  	v15 =	vld.idx.msk [tilespmem:v0+s14+$0x0], $0xffff;
	_ =	sdelay $0x4  }
0x14d: {  	v14 =	vadd.f32 v15, v14;
	_ =	sdelay $0x1  }
0x14e: {  	[tilespmem:$0x4080] =	vst v14  }
0x14f: {  	v15 =	vld.idx.msk [tilespmem:v1+s14+$0x0], $0xffff;
	_ =	sdelay $0x4  }
0x150: {  	v14 =	vadd.f32 v15, v14;
	_ =	sdelay $0x1  }
0x151: {  	[tilespmem:$0x4080] =	vst v14  }
0x152: {  	v15 =	vld.idx.msk [tilespmem:v2+s14+$0x0], $0xffff;
	_ =	sdelay $0x4  }
0x153: {  	v14 =	vadd.f32 v15, v14;
	_ =	sdelay $0x1  }
0x154: {  	[tilespmem:$0x4080] =	vst v14  }
0x155: {  	v15 =	vld.idx.msk [tilespmem:v3+s14+$0x0], $0xffff;
	_ =	swait.ge [sflag:s13], $0x2000  }
0x156: {  	s19 =	simm.s32 $0x0;
	[sflag:s13] =	ssyncset.done $0x0  }
0x157: {  	s20 =	simm.s32 $0x80;
	s21 =	simm.s32 $0x0;
	[sflag:s13] =	ssyncadd.s32 $0xFFFFE000  }
.LBB2_28:
0x158: {  	p0 =	sne.s32 s21, $0x1F80  }
.Ltmp13:
0x159: {  	_ = 	snop;
	(pc) =	sbr.rel @p0 .LBB2_28-.Ltmp13, $4  }
0x15a: {  	_ = 	snop  }
0x15b: {  	s22 =	sadd.s32 s21, s10  }
0x15c: {  	[tilespmem:s20], [sflag:$0x2] =	stream.linear.gather [hbm4b:s22+s19], $0x80, $0x38;
	[tilespmem:$0x4100] =	vst v63  }
0x15d: {  	s21 =	sadd.s32 $0x80, s21;
	s20 =	sadd.s32 $0x100, s20  }
0x15e: {  	s21 =	simm.s32 $0x0  }
0x15f: {  	v16 =	vld [tilespmem:s21+$0x70]  }
0x160: {  	v17 =	vld [tilespmem:s21+$0x0]  }
0x161: {  	v18 =	vld [tilespmem:s21+$0x10]  }
0x162: {  	v21 =	vld [tilespmem:s21+$0x20]  }
0x163: {  	v22 =	vld [tilespmem:s21+$0x30]  }
0x164: {  	v19 =	vimm.f32 $0.0e+00;
	v20 =	vimm.f32 $0.0e+00;
	v23 =	vld [tilespmem:s21+$0x40]  }
0x165: {  	v26 =	vimm.f32 $0.0e+00;
	v24 =	vimm.f32 $0.0e+00;
	v27 =	vld [tilespmem:s21+$0x50];
	v16 =	vadd.f32 v16, v19  }
0x166: {  	s19 =	simm.s32 $0x100;
	s20 =	simm.s32 $0x800;
	v25 =	vimm.f32 $0.0e+00;
	v28 =	vld [tilespmem:s21+$0x60];
	v17 =	vadd.f32 v17, v19;
	v18 =	vadd.f32 v18, v19  }
.LBB2_30:
0x167: {  	p0 =	sne.s32 s20, $0xFC00;
	v29 =	vld [tilespmem:s19+$0x70];
	v19 =	vadd.f32 v21, v19  }
0x168: {  	v30 =	vld [tilespmem:s19+$0x0];
	v20 =	vadd.f32 v22, v20  }
0x169: {  	v31 =	vld [tilespmem:s19+$0x10];
	v26 =	vadd.f32 v23, v26  }
.Ltmp14:
0x16a: {  	v21 =	vld [tilespmem:s19+$0x20];
	v24 =	vadd.f32 v27, v24;
	(pc) =	sbr.rel @p0 .LBB2_30-.Ltmp14, $4  }
0x16b: {  	v22 =	vld [tilespmem:s19+$0x30];
	v25 =	vadd.f32 v28, v25  }
0x16c: {  	v23 =	vld [tilespmem:s19+$0x40];
	v16 =	vadd.f32 v29, v16  }
0x16d: {  	v17 =	vadd.f32 v30, v17;
	v27 =	vld [tilespmem:s19+$0x50]  }
0x16e: {  	v18 =	vadd.f32 v31, v18;
	v28 =	vld [tilespmem:s19+$0x60];
	s19 =	sshra.s32 s20, $0x2;
	s20 =	sadd.s32 $0x400, s20  }
0x16f: {  	v29 =	vld [tilespmem:s19+$0x70]  }
0x170: {  	v30 =	vld [tilespmem:s19+$0x0]  }
0x171: {  	v31 =	vld [tilespmem:s19+$0x10]  }
0x172: {  	v32 =	vld [tilespmem:s19+$0x20]  }
0x173: {  	v33 =	vld [tilespmem:s19+$0x30]  }
0x174: {  	v34 =	vld [tilespmem:s19+$0x40]  }
0x175: {  	v19 =	vadd.f32 v21, v19;
	v21 =	vld [tilespmem:s19+$0x50]  }
0x176: {  	v20 =	vadd.f32 v22, v20;
	v22 =	vadd.f32 v23, v26;
	v23 =	vld [tilespmem:s19+$0x60]  }
0x177: {  	v24 =	vadd.f32 v27, v24;
	v25 =	vadd.f32 v28, v25  }
0x178: {  	v16 =	vadd.f32 v29, v16;
	v17 =	vadd.f32 v30, v17  }
0x179: {  	v18 =	vadd.f32 v31, v18;
	v19 =	vadd.f32 v32, v19  }
0x17a: {  	v20 =	vadd.f32 v33, v20;
	v22 =	vadd.f32 v34, v22  }
0x17b: {  	v21 =	vadd.f32 v21, v24;
	v23 =	vadd.f32 v23, v25  }
0x17c: {  	v17 =	vadd.f32 v18, v17;
	v18 =	vadd.f32 v20, v19  }
0x17d: {  	v19 =	vadd.f32 v21, v22;
	v16 =	vadd.f32 v16, v23;
	_ =	sdelay $0x1  }
0x17e: {  	v17 =	vadd.f32 v18, v17;
	v16 =	vadd.f32 v16, v19;
	_ =	sdelay $0x1  }
0x17f: {  	v16 =	vadd.f32 v16, v17;
	_ =	sdelay $0x1  }
0x180: {  	[tilespmem:$0x4080] =	vst v16  }
0x181: {  	v17 =	vld.idx.msk [tilespmem:v0+s14+$0x0], $0xffff;
	_ =	sdelay $0x4  }
0x182: {  	v16 =	vadd.f32 v17, v16;
	_ =	sdelay $0x1  }
0x183: {  	[tilespmem:$0x4080] =	vst v16  }
0x184: {  	v17 =	vld.idx.msk [tilespmem:v1+s14+$0x0], $0xffff;
	_ =	sdelay $0x4  }
0x185: {  	v16 =	vadd.f32 v17, v16;
	_ =	sdelay $0x1  }
0x186: {  	[tilespmem:$0x4080] =	vst v16  }
0x187: {  	v17 =	vld.idx.msk [tilespmem:v2+s14+$0x0], $0xffff;
	_ =	sdelay $0x4  }
0x188: {  	v16 =	vadd.f32 v17, v16;
	_ =	sdelay $0x1  }
0x189: {  	[tilespmem:$0x4080] =	vst v16  }
0x18a: {  	v17 =	vld.idx.msk [tilespmem:v3+s14+$0x0], $0xffff;
	_ =	swait.ge [sflag:s15], $0x2000  }
0x18b: {  	[sflag:s15] =	ssyncset.done $0x0  }
0x18c: {  	s21 =	simm.s32 $0x0;
	[sflag:s15] =	ssyncadd.s32 $0xFFFFE000  }
0x18d: {  	v18 =	vld [tilespmem:s21+$0xF0]  }
0x18e: {  	v19 =	vld [tilespmem:s21+$0x80]  }
0x18f: {  	v20 =	vld [tilespmem:s21+$0x90]  }
0x190: {  	v23 =	vld [tilespmem:s21+$0xA0]  }
0x191: {  	v24 =	vld [tilespmem:s21+$0xB0]  }
0x192: {  	v26 =	vimm.f32 $0.0e+00;
	v21 =	vimm.f32 $0.0e+00;
	v25 =	vld [tilespmem:s21+$0xC0]  }
0x193: {  	v27 =	vimm.f32 $0.0e+00;
	v28 =	vimm.f32 $0.0e+00;
	v29 =	vld [tilespmem:s21+$0xD0];
	v18 =	vadd.f32 v18, v21  }
0x194: {  	s20 =	simm.s32 $0x800;
	s19 =	simm.s32 $0x100;
	v22 =	vimm.f32 $0.0e+00;
	v30 =	vld [tilespmem:s21+$0xE0];
	v19 =	vadd.f32 v19, v21;
	v20 =	vadd.f32 v20, v21  }
.LBB2_32:
0x195: {  	p0 =	sne.s32 s20, $0xFC00;
	v31 =	vld [tilespmem:s19+$0xF0];
	v21 =	vadd.f32 v23, v21  }
0x196: {  	v32 =	vld [tilespmem:s19+$0x80];
	v22 =	vadd.f32 v24, v22  }
0x197: {  	v33 =	vld [tilespmem:s19+$0x90];
	v28 =	vadd.f32 v25, v28  }
.Ltmp15:
0x198: {  	v23 =	vld [tilespmem:s19+$0xA0];
	v26 =	vadd.f32 v29, v26;
	(pc) =	sbr.rel @p0 .LBB2_32-.Ltmp15, $4  }
0x199: {  	v24 =	vld [tilespmem:s19+$0xB0];
	v27 =	vadd.f32 v30, v27  }
0x19a: {  	v25 =	vld [tilespmem:s19+$0xC0];
	v18 =	vadd.f32 v31, v18  }
0x19b: {  	v19 =	vadd.f32 v32, v19;
	v29 =	vld [tilespmem:s19+$0xD0]  }
0x19c: {  	v20 =	vadd.f32 v33, v20;
	v30 =	vld [tilespmem:s19+$0xE0];
	s19 =	sshra.s32 s20, $0x2;
	s20 =	sadd.s32 $0x400, s20  }
0x19d: {  	v31 =	vld [tilespmem:s19+$0xF0]  }
0x19e: {  	v32 =	vld [tilespmem:s19+$0x80]  }
0x19f: {  	v33 =	vld [tilespmem:s19+$0x90]  }
0x1a0: {  	v34 =	vld [tilespmem:s19+$0xA0]  }
0x1a1: {  	v35 =	vld [tilespmem:s19+$0xB0]  }
0x1a2: {  	v36 =	vld [tilespmem:s19+$0xC0]  }
0x1a3: {  	v21 =	vadd.f32 v23, v21;
	v46 =	vld [tilespmem:s19+$0xD0]  }
0x1a4: {  	v48 =	vld [tilespmem:s19+$0xE0];
	v22 =	vadd.f32 v24, v22;
	v47 =	vadd.f32 v25, v28  }
0x1a5: {  	v26 =	vadd.f32 v29, v26;
	v27 =	vadd.f32 v30, v27  }
0x1a6: {  	v18 =	vadd.f32 v31, v18;
	v19 =	vadd.f32 v32, v19  }
0x1a7: {  	v20 =	vadd.f32 v33, v20;
	v21 =	vadd.f32 v34, v21  }
0x1a8: {  	v22 =	vadd.f32 v35, v22;
	v24 =	vadd.f32 v36, v47  }
0x1a9: {  	v23 =	vadd.f32 v46, v26;
	v25 =	vadd.f32 v48, v27  }
0x1aa: {  	v19 =	vadd.f32 v20, v19;
	v49 =	vadd.f32 v22, v21  }
0x1ab: {  	v50 =	vadd.f32 v23, v24;
	v18 =	vadd.f32 v18, v25;
	_ =	sdelay $0x1  }
0x1ac: {  	v19 =	vadd.f32 v49, v19;
	v18 =	vadd.f32 v18, v50;
	_ =	sdelay $0x1  }
0x1ad: {  	v18 =	vadd.f32 v18, v19;
	_ =	sdelay $0x1  }
0x1ae: {  	[tilespmem:$0x4080] =	vst v18  }
0x1af: {  	v51 =	vld.idx.msk [tilespmem:v0+s14+$0x0], $0xffff;
	_ =	sdelay $0x4  }
0x1b0: {  	v18 =	vadd.f32 v51, v18;
	_ =	sdelay $0x1  }
0x1b1: {  	[tilespmem:$0x4080] =	vst v18  }
0x1b2: {  	v52 =	vld.idx.msk [tilespmem:v1+s14+$0x0], $0xffff;
	_ =	sdelay $0x4  }
0x1b3: {  	v18 =	vadd.f32 v52, v18;
	_ =	sdelay $0x1  }
0x1b4: {  	[tilespmem:$0x4080] =	vst v18  }
0x1b5: {  	v53 =	vld.idx.msk [tilespmem:v2+s14+$0x0], $0xffff;
	_ =	sdelay $0x3  }
0x1b6: {  	v4 =	vadd.f32 v5, v4  }
0x1b7: {  	v5 =	vadd.f32 v7, v6;
	v54 =	vadd.f32 v53, v18  }
0x1b8: {  	v4 =	vadd.f32 $8.192000000e+03, v4  }
0x1b9: {  	v5 =	vadd.f32 $8.192000000e+03, v5;
	[tilespmem:$0x4080] =	vst v54  }
0x1ba: {  	v55 =	vadd.f32 v9, v8;
	v4 =	vmul.f32 $5.000000000e-01, v4;
	v56 =	vld.idx.msk [tilespmem:v3+s14+$0x0], $0xffff  }
0x1bb: {  	v57 =	vadd.f32 v11, v10;
	v5 =	vmul.f32 $5.000000000e-01, v5  }
0x1bc: {  	v58 =	vadd.f32 v13, v12;
	v7 =	vadd.f32 $8.192000000e+03, v55;
	v4 =	vnsel vm7, $0x0, v4  }
0x1bd: {  	v59 =	vadd.f32 v15, v14;
	v4 =	vsel vm0, v4, v5;
	v5 =	vadd.f32 $8.192000000e+03, v57  }
0x1be: {  	v60 =	vadd.f32 v17, v16;
	v10 =	vadd.f32 $8.192000000e+03, v58;
	v7 =	vmul.f32 $5.000000000e-01, v7  }
0x1bf: {  	v9 =	vadd.f32 $8.192000000e+03, v59;
	v5 =	vmul.f32 $5.000000000e-01, v5;
	v6 =	vadd.f32 v56, v54  }
0x1c0: {  	v62 =	vadd.f32 $8.192000000e+03, v60;
	v61 =	vmul.f32 $5.000000000e-01, v10;
	v4 =	vsel vm1, v4, v7  }
0x1c1: {  	v4 =	vsel vm2, v4, v5;
	v5 =	vmul.f32 $5.000000000e-01, v9;
	v6 =	vadd.f32 $8.192000000e+03, v6  }
0x1c2: {  	v63 =	vmul.f32 $5.000000000e-01, v62;
	v4 =	vsel vm3, v4, v61  }
0x1c3: {  	v4 =	vsel vm4, v4, v5;
	v5 =	vmul.f32 $5.000000000e-01, v6  }
0x1c4: {  	s18 =	sadd.s32 $0x1, s18;
	v4 =	vsel vm5, v4, v63  }
0x1c5: {  	p0 =	sne.s32 s18, s12;
	v4 =	vsel vm6, v4, v5  }
.Ltmp16:
0x1c6: {  	[tilespmem:$0x4000] =	vst v4;
	(pc) =	sbr.rel @p0 .LBB2_1-.Ltmp16, $4  }
0x1c7: {  	[hbm4b:s11+s2] =	stream.linear.scatter [tilespmem:s16], [sflag:$0x3], $0x80, $0x38;
	[tilespmem:$0x4100] =	vst v63  }
0x1c8: {  	_ =	swait.ge [sflag:s17], $0x80  }
0x1c9: {  	[sflag:s17] =	ssyncset.done $0x0  }
0x1ca: {  	[sflag:s17] =	ssyncadd.s32 $0xFFFFFF80  }
0x1cb: {  	_ =	sfence.sel $0x180000  }
0x1cc: {  	[bflag:$0x0] =	sbarrier.arrive $0xFFFF  }
0x1cd: {  	p0 =	sne.s32 s1, $0x0;
	_ =	strace $0x90000047  }
0x1ce: {  	s0 =	sadd.s32 @!p0 $0x100000, s0;
	[bflag:$0x2] =	sbarrier.arrive $0xFFFF  }
0x1cf: {  	[sflag:s0] =	ssyncadd.tile.s32 @!p0 $0x1;
	_ =	shalt  }
.Lfunc_end2:
_tile_overlayer_lowered:
.L_overlay_start_2:
0x1d0: {  	(tag) =	ssettag $0x2  }
0x1d1: {  	s0 =	rddreg [dreg:$0x0];
	s2 =	stileid.u32  }
0x1d2: {  	s1 =	rddreg [dreg:$0x1];
	p0 =	sne.s32 s2, $0x0  }
0x1d3: {  	s3 =	rddreg [dreg:$0x2];
	[bflag:$0x3] =	sbarrier.arrive $0xFFFF;
	s2 =	simm.s32 @!p0 $0x1C03  }
0x1d4: {  	[timem:s3], [sflag:s2] =	dma.local @!p0 [hbm:s0], s1  }
0x1d5: {  	s0 =	simm.s32 @!p0 $0x3  }
0x1d6: {  	_ =	swait.ge @!p0 [sflag:s0], s1  }
0x1d7: {  	s1 =	ssub.s32 @!p0 $0x0, s1;
	[sflag:s0] =	ssyncset.done @!p0 $0x0  }
0x1d8: {  	[sflag:s0] =	ssyncadd.s32 @!p0 s1  }
0x1d9: {  	[bflag:$0x3] =	sbarrier.arrive $0xFFFF  }
0x1da: {  	_ =	shalt  }

// kernel: kernel.8.cloned.1.call-start
scs
__scs_entry_jumppad:
0x0: {  	(pc) =	sbr.rel $0x88, $3  }
0x1: {  	(tag) =	ssettag $0x0;
	lr =	simm.s32 $0x1  }
0x2: {  	[smem:$0x3F9C] =	sst lr;
	_ =	strace $0xD0000000  }
0x3: {  	_ = 	snop  }
0x4: {  	_ = 	snop  }
0x5: {  	_ = 	snop  }
0x6: {  	_ = 	snop  }
0x7: {  	_ = 	snop  }
__scs_overlays_trampoline_lowered:
0x8: {  	[smem:$0x3FAB] =	sst s0  }
0x9: {  	[smem:$0x3FAC] =	sst s1  }
0xa: {  	[smem:$0x3FAD] =	sst s2  }
0xb: {  	[smem:$0x3FAE] =	sst s3  }
0xc: {  	[smem:$0x3FAF] =	sst s4  }
0xd: {  	[smem:$0x3FB0] =	sst s5  }
0xe: {  	[smem:$0x3FB1] =	sst s6  }
0xf: {  	[smem:$0x3FB2] =	sst s7  }
0x10: {  	[smem:$0x3FB3] =	sst s8  }
0x11: {  	[smem:$0x3FB4] =	sst s9;
	s0 =	simm.s32 @!p0 $0x0  }
0x12: {  	s1 =	sld [smem:$0x3F9A];
	s0 =	simm.s32 @p0 $0x1  }
0x13: {  	[smem:$0x3FB5] =	sst s0;
	s0 =	simm.s32 @!p1 $0x0  }
0x14: {  	s2 =	sld [smem:$0x3F99];
	s0 =	simm.s32 @p1 $0x1  }
0x15: {  	[smem:$0x3FB6] =	sst s0;
	s0 =	simm.s32 @!p2 $0x0  }
0x16: {  	s3 =	sld [smem:$0x3FDB];
	s0 =	simm.s32 @p2 $0x1  }
0x17: {  	s4 =	simm.s32 $0x1BF5;
	[smem:$0x3FB8] =	sst s0  }
0x18: {  	s0 =	sld [smem:$0x3F9B];
	_ =	swait.ge [sflag:s4], $0x0  }
0x19: {  	s7 =	sld [smem:$0x3F9C]  }
0x1a: {  	s8 =	sadd.s32 $0xFFFFE003, lr  }
0x1b: {  	s9 =	sadd.s32 $0xFFFFFEF7, lr;
	s5 =	simm.s32 $0xFFFFFFFF;
	p2 =	slt.u32 s8, $0xFFFFF086  }
0x1c: {  	p1 =	slt.u32 s9, $0xF7A;
	s5 =	simm.s32 @!p2 $0x0  }
0x1d: {  	s5 =	simm.s32 @p1 $0x1;
	p0 =	seq.s32 s7, s2  }
0x1e: {  	s7 =	smul.u32 @!p0 $0xF7A, s2;
	p2 =	seq.s32 @!p0 s5, $0x0  }
0x1f: {  	s9 =	smul.u32 $0xF7A, s1;
	s8 =	simm.s32 @!p0 $0x1BF5;
	p2 =	por !p2, p0  }
0x20: {  	[sflag:s8] =	ssyncset.s32 @!p0 $0xFFFFF086;
	s6 =	sadd.s32 @!p0 s3, s7;
	s7 =	simm.s32 @!p0 $0x108  }
0x21: {  	s3 =	sadd.s32 s3, s9;
	s6 =	sadd.s32 @!p0 $0x88, s6;
	s7 =	simm.s32 @p2 $0x1082  }
0x22: {  	[simem:s7], [sflag:s8] =	dma.local @!p0 [hbm:s6], $0xF7A  }
0x23: {  	s9 =	sor.u32 $0xD0000000, s2;
	s6 =	simm.s32 $0x108;
	_ =	swait.ge @!p0 [sflag:s8], $0x0  }
0x24: {  	s3 =	sadd.s32 $0x88, s3;
	s6 =	simm.s32 @!p1 $0x1082;
	[sflag:s4] =	ssyncset.s32 $0xFFFFF086  }
0x25: {  	[simem:s6], [sflag:s4] =	dma.local [hbm:s3], $0xF7A  }
0x26: {  	[smem:$0x3F9C] =	sst s1;
	(tag) =	ssettag s2;
	_ =	strace s9  }
0x27: {  	s1 =	sld [smem:$0x3FAC]  }
0x28: {  	s2 =	sld [smem:$0x3FAD]  }
0x29: {  	s4 =	sld [smem:$0x3FAF]  }
0x2a: {  	p0 =	seq.s32 s5, $0x0;
	s5 =	sld [smem:$0x3FB0]  }
0x2b: {  	s6 =	sld [smem:$0x3FB1]  }
0x2c: {  	s7 =	sld [smem:$0x3FB2]  }
0x2d: {  	s3 =	simm.s32 $0x108;
	s8 =	sld [smem:$0x3FB3]  }
0x2e: {  	s3 =	simm.s32 @!p0 $0x1082;
	s9 =	sld [smem:$0x3FB4]  }
0x2f: {  	lr =	sadd.s32 s0, s3;
	s0 =	sld [smem:$0x3FAB]  }
0x30: {  	s3 =	sld [smem:$0x3FAE]  }
0x31: {  	[smem:$0x3FB7] =	sst s10  }
0x32: {  	s10 =	sld [smem:$0x3FB5];
	_ =	sdelay $0x3  }
0x33: {  	p0 =	seq.s32 s10, $0x1;
	s10 =	sld [smem:$0x3FB7];
	_ =	sdelay $0x3  }
0x34: {  	[smem:$0x3FB7] =	sst s10  }
0x35: {  	s10 =	sld [smem:$0x3FB6];
	_ =	sdelay $0x3  }
0x36: {  	p1 =	seq.s32 s10, $0x1;
	s10 =	sld [smem:$0x3FB7];
	_ =	sdelay $0x3  }
0x37: {  	[smem:$0x3FB7] =	sst s10  }
0x38: {  	s10 =	sld [smem:$0x3FB8]  }
0x39: {  	_ = 	snop;
	(pc) =	sbr.ind lr, $3  }
0x3a: {  	_ = 	snop  }
0x3b: {  	_ = 	snop  }
0x3c: {  	p2 =	seq.s32 s10, $0x1;
	s10 =	sld [smem:$0x3FB7]  }
0x3d: {  	_ =	shalt  }
0x3e: {  	_ =	shalt  }
0x3f: {  	_ =	shalt  }
0x40: {  	_ =	shalt  }
0x41: {  	_ =	shalt  }
0x42: {  	_ =	shalt  }
0x43: {  	_ =	shalt  }
0x44: {  	_ =	shalt  }
0x45: {  	_ =	shalt  }
0x46: {  	_ =	shalt  }
0x47: {  	_ =	shalt  }
0x48: {  	_ =	shalt  }
0x49: {  	_ =	shalt  }
0x4a: {  	_ =	shalt  }
0x4b: {  	_ =	shalt  }
0x4c: {  	_ =	shalt  }
0x4d: {  	_ =	shalt  }
0x4e: {  	_ =	shalt  }
0x4f: {  	_ =	shalt  }
0x50: {  	_ =	shalt  }
0x51: {  	_ =	shalt  }
0x52: {  	_ =	shalt  }
0x53: {  	_ =	shalt  }
0x54: {  	_ =	shalt  }
0x55: {  	_ =	shalt  }
0x56: {  	_ =	shalt  }
0x57: {  	_ =	shalt  }
0x58: {  	_ =	shalt  }
0x59: {  	_ =	shalt  }
0x5a: {  	_ =	shalt  }
0x5b: {  	_ =	shalt  }
0x5c: {  	_ =	shalt  }
0x5d: {  	_ =	shalt  }
0x5e: {  	_ =	shalt  }
0x5f: {  	_ =	shalt  }
0x60: {  	_ =	shalt  }
0x61: {  	_ =	shalt  }
0x62: {  	_ =	shalt  }
0x63: {  	_ =	shalt  }
0x64: {  	_ =	shalt  }
0x65: {  	_ =	shalt  }
0x66: {  	_ =	shalt  }
0x67: {  	_ =	shalt  }
0x68: {  	_ =	shalt  }
0x69: {  	_ =	shalt  }
0x6a: {  	_ =	shalt  }
0x6b: {  	_ =	shalt  }
0x6c: {  	_ =	shalt  }
0x6d: {  	_ =	shalt  }
0x6e: {  	_ =	shalt  }
0x6f: {  	_ =	shalt  }
0x70: {  	_ =	shalt  }
0x71: {  	_ =	shalt  }
0x72: {  	_ =	shalt  }
0x73: {  	_ =	shalt  }
0x74: {  	_ =	shalt  }
0x75: {  	_ =	shalt  }
0x76: {  	_ =	shalt  }
0x77: {  	_ =	shalt  }
0x78: {  	_ =	shalt  }
0x79: {  	_ =	shalt  }
0x7a: {  	_ =	shalt  }
0x7b: {  	_ =	shalt  }
0x7c: {  	_ =	shalt  }
0x7d: {  	_ =	shalt  }
0x7e: {  	_ =	shalt  }
0x7f: {  	_ =	shalt  }
0x80: {  	_ =	shalt  }
0x81: {  	_ =	shalt  }
0x82: {  	_ =	shalt  }
0x83: {  	_ =	shalt  }
0x84: {  	_ =	shalt  }
0x85: {  	_ =	shalt  }
0x86: {  	_ =	shalt  }
0x87: {  	_ =	shalt  }
.Lfunc_end0:
.L_simem_size_0:
called_computation.1_lowered:
.L_overlay_start_0:
0x88: {  	s2 =	sld [smem:$0x3FD9]  }
0x89: {  	s3 =	sld [smem:$0x3FFE];
	_ =	sdelay $0x1  }
0x8a: {  	s1 =	srdreg.scid  }
0x8b: {  	s0 =	sand.u32 $0x1, s1  }
0x8c: {  	s17 =	sshll.u32 s0, $0xA;
	s2 =	sadd.s32 s3, s2  }
0x8d: {  	s2 =	sadd.s32 s2, s17  }
0x8e: {  	[smem:$0x3FC3] =	sst s2  }
0x8f: {  	_ = 	snop  }
0x90: {  	s2 =	sld [smem:$0x3FD0];
	(tm) =	ssettm $0x1  }
0x91: {  	s18 =	sld [smem:$0x3FFB];
	_ =	sdelay $0x3  }
0x92: {  	_ =	strace s18  }
0x93: {  	s3 =	sld [smem:$0x3FFC];
	_ =	sdelay $0x3  }
0x94: {  	_ =	strace s3  }
0x95: {  	s3 =	sld [smem:$0x3FFD];
	_ =	sdelay $0x3  }
0x96: {  	_ =	strace s3  }
0x97: {  	_ =	strace $0x8FFFFFFF  }
0x98: {  	s19 =	sld [smem:$0x3FDB];
	_ =	sdelay $0x1  }
0x99: {  	s4 =	simm.s32 $_scs_section_size  }
0x9a: {  	s5 =	simm.s32 $_size__tile_overlayer_lowered;
	s6 =	simm.s32 $_tile_overlayer_lowered  }
0x9b: {  	s22 =	simm.s32 $0x1BFF;
	s21 =	sshll.u32 s6, $0x1;
	s3 =	sadd.s32 s4, s19  }
0x9c: {  	s7 =	simm.s32 $0x0;
	s20 =	sshll.u32 s5, $0x1;
	s5 =	sadd.s32 s21, s3  }
0x9d: {  	[timem:s7], [sflag:s22] =	dma.local [hbm:s5], s20  }
0x9e: {  	_ =	swait.ge [sflag:s22], s20  }
0x9f: {  	s4 =	ssub.s32 $0x0, s20;
	[sflag:s22] =	ssyncset.done $0x0  }
0xa0: {  	[sflag:s22] =	ssyncadd.s32 s4;
	_ =	sdelay $0x1  }
0xa1: {  	s23 =	simm.s32 $0x1B8B  }
0xa2: {  	_ =	swait.ge [sflag:s23], $0x1  }
0xa3: {  	[sflag:s23] =	ssyncset.done $0x0  }
0xa4: {  	s25 =	simm.s32 $0x1B8E;
	s24 =	sld [smem:$0x3FFE];
	[sflag:s23] =	ssyncadd.s32 $0xFFFFFFFF  }
0xa5: {  	s26 =	simm.s32 $execute0_lowered;
	[smem:$0x3FD2] =	sst s25  }
0xa6: {  	s5 =	sshll.u32 s26, $0x1;
	_ =	strace $0x80000049;
	[dreg:$0x1] =	wrdreg $0xFFFFFFFF  }
0xa7: {  	s28 =	simm.s32 $_size_execute0_lowered;
	s3 =	sadd.s32 s3, s5;
	[dreg:$0x0] =	wrdreg $0x0  }
0xa8: {  	s5 =	sshll.u32 s28, $0x1;
	[dreg:$0x2] =	wrdreg s3  }
0xa9: {  	[dreg:$0x3] =	wrdreg s5  }
0xaa: {  	[dreg:$0x4] =	wrdreg $0xC0  }
0xab: {  	_ =	task [dreg:s7], $0x5FFFF  }
0xac: {  	[dreg:$0x1] =	wrdreg $0xFFFFFFFF  }
0xad: {  	[dreg:$0x0] =	wrdreg $0x60  }
0xae: {  	[dreg:$0x2] =	wrdreg s24  }
0xaf: {  	[dreg:$0x3] =	wrdreg s2  }
0xb0: {  	[dreg:$0x4] =	wrdreg $0x9  }
0xb1: {  	_ =	task.clear_ibuf [dreg:s7], $0x5FFFF;
	_ =	strace $0x90000049  }
0xb2: {  	s29 =	simm.s32 $0x9;
	_ =	strace $0x8000004B  }
0xb3: {  	_ =	swait.ge [sflag:s29], $0x1  }
0xb4: {  	[sflag:s29] =	ssyncadd.s32 $0xFFFFFFFF  }
0xb5: {  	_ =	strace $0x9000004B  }
0xb6: {  	_ =	sfence  }
0xb7: {  	s30 =	sld [smem:$0x0];
	_ =	sdelay $0x2  }
0xb8: {  	s31 =	sshll.u32 s1, $0xD;
	s1 =	sshrl.u32 s1, $0x2  }
0xb9: {  	s3 =	sand.u32 $0x4000, s31;
	s1 =	sadd.s32 s1, s30  }
0xba: {  	s0 =	sor.u32 s3, s0;
	s1 =	sshll.u32 s1, $0x11  }
0xbb: {  	s0 =	sor.u32 s1, s0  }
0xbc: {  	s0 =	sadd.s32 $0x8F2B, s0  }
0xbd: {  	[sflag:s0] =	ssyncadd.remote.s32 $0x1  }
0xbe: {  	_ =	sfence.sel $0xFFFF  }
0xbf: {  	[dreg:$0x0] =	wrdreg $0xFFFFFFFF;
	(pc) =	sbr.abs _section_cstart, $3  }
0xc0: {  	[dreg:$0x1] =	wrdreg $0xFFFFFFFF  }
0xc1: {  	_ =	task.clear_ibuf [dreg:s7], $0x2FFFF;
	_ =	strace $0x9FFFFFFF  }
0xc2: {  	(tm) =	ssettm $0x7FFFFFFF  }
0xc3: {  	_ =	shalt  }
tec
execute0_lowered:
.L_overlay_start_1:
0x0: {  	(tag) =	ssettag $0x1  }
0x1: {  	s1 =	srdreg.scid;
	s0 =	stileid.u32  }
0x2: {  	s7 =	sand.u32 $0x1, s1;
	s31 =	sshll.u32 s0, $0x1  }
0x3: {  	s4 =	rddreg [dreg:$0x0];
	s1 =	sor.u32 s7, s31  }
0x4: {  	s2 =	rddreg [dreg:$0x1];
	s3 =	simm.s32 $0x0;
	s5 =	smul.u32 $0x16, s1  }
0x5: {  	[smem:$0x7FF] =	sst s3  }
0x6: {  	s1 =	rddreg [dreg:$0x2];
	s8 =	sadd.s32 s5, s4  }
0x7: {  	_ =	strace $0x8000004A;
	s4 =	simm.s32 $0x1;
	s5 =	sadd.s32 $0xC00, s8  }
0x8: {  	[tilespmem:s3], [sflag:$0x1] =	stream.linear.gather [hbm4b:s5+s3], $0xB0, $0x38;
	[tilespmem:$0x400] =	vst v63  }
0x9: {  	_ =	swait.ge [sflag:s4], $0xB0  }
0xa: {  	[sflag:s4] =	ssyncset.done $0x0  }
0xb: {  	s6 =	simm.s32 $0x100;
	[sflag:s4] =	ssyncadd.s32 $0xFFFFFF50  }
0xc: {  	[tilespmem:s6], [sflag:$0x1] =	stream.linear.gather [hbm4b:s2+s3], $0x200, $0x38;
	[tilespmem:$0x400] =	vst v63  }
0xd: {  	_ =	swait.ge [sflag:s4], $0x200  }
0xe: {  	[sflag:s4] =	ssyncset.done $0x0  }
0xf: {  	[sflag:s4] =	ssyncadd.s32 $0xFFFFFE00  }
0x10: {  	v0 =	vld [tilespmem:$0x0];
	_ =	sdelay $0x4  }
0x11: {  	v0 =	vmul.f32 $2.550000000e+02, v0  }
0x12: {  	v1 =	vld [tilespmem:$0x10]  }
0x13: {  	v0 =	vadd.f32 $5.000000000e-01, v0;
	_ =	sdelay $0x1  }
0x14: {  	v0 =	vmax.f32 v0, $0.0e+00  }
0x15: {  	v0 =	vmin.f32 v0, $2.550000000e+02  }
0x16: {  	v1 =	vmul.f32 $2.550000000e+02, v1;
	v0 =	vtrunc.f32 v0  }
0x17: {  	v2 =	vld [tilespmem:$0x20];
	v0 =	vcvt.f32.s32 v0  }
0x18: {  	v1 =	vadd.f32 $5.000000000e-01, v1  }
0x19: {  	v3 =	vshll.u32 v0, $0x1  }
0x1a: {  	v1 =	vmax.f32 v1, $0.0e+00;
	v0 =	vand.u32 $0x7, v0;
	v3 =	vand.u32 $0xFFFFFFF0, v3  }
0x1b: {  	v1 =	vmin.f32 v1, $2.550000000e+02;
	v0 =	vor.u32 v0, v3  }
0x1c: {  	v2 =	vmul.f32 $2.550000000e+02, v2;
	v1 =	vtrunc.f32 v1  }
0x1d: {  	v24 =	vld [tilespmem:$0x30];
	v1 =	vcvt.f32.s32 v1  }
0x1e: {  	v2 =	vadd.f32 $5.000000000e-01, v2  }
0x1f: {  	v4 =	vshll.u32 v1, $0x1  }
0x20: {  	v2 =	vmax.f32 v2, $0.0e+00;
	v1 =	vand.u32 $0x7, v1;
	v4 =	vand.u32 $0xFFFFFFF0, v4;
	v0 =	vld.idx.msk [tilespmem:v0+s6+$0x0], $0xffff  }
0x21: {  	v2 =	vmin.f32 v2, $2.550000000e+02;
	v1 =	vor.u32 v1, v4  }
0x22: {  	v2 =	vtrunc.f32 v2;
	v3 =	vmul.f32 $2.550000000e+02, v24  }
0x23: {  	v25 =	vld [tilespmem:$0x40];
	v2 =	vcvt.f32.s32 v2  }
0x24: {  	v3 =	vadd.f32 $5.000000000e-01, v3  }
0x25: {  	v5 =	vshll.u32 v2, $0x1;
	[tilespmem:$0x300] =	vst v0  }
0x26: {  	v2 =	vand.u32 $0x7, v2;
	v27 =	vand.u32 $0xFFFFFFF0, v5;
	v26 =	vmax.f32 v3, $0.0e+00;
	v1 =	vld.idx.msk [tilespmem:v1+s6+$0x0], $0xffff  }
0x27: {  	v2 =	vor.u32 v2, v27;
	v0 =	vmin.f32 v26, $2.550000000e+02  }
0x28: {  	v28 =	vmul.f32 $2.550000000e+02, v25;
	v0 =	vtrunc.f32 v0  }
0x29: {  	v29 =	vld [tilespmem:$0x50];
	v0 =	vcvt.f32.s32 v0  }
0x2a: {  	v3 =	vadd.f32 $5.000000000e-01, v28  }
0x2b: {  	v30 =	vshll.u32 v0, $0x1;
	[tilespmem:$0x310] =	vst v1  }
0x2c: {  	v31 =	vmax.f32 v3, $0.0e+00;
	v0 =	vand.u32 $0x7, v0;
	v32 =	vand.u32 $0xFFFFFFF0, v30;
	v2 =	vld.idx.msk [tilespmem:v2+s6+$0x0], $0xffff  }
0x2d: {  	v1 =	vmin.f32 v31, $2.550000000e+02;
	v0 =	vor.u32 v0, v32  }
0x2e: {  	v33 =	vmul.f32 $2.550000000e+02, v29;
	v1 =	vtrunc.f32 v1  }
0x2f: {  	v34 =	vld [tilespmem:$0x60];
	v1 =	vcvt.f32.s32 v1  }
0x30: {  	v3 =	vadd.f32 $5.000000000e-01, v33  }
0x31: {  	v35 =	vshll.u32 v1, $0x1;
	[tilespmem:$0x320] =	vst v2  }
0x32: {  	v36 =	vmax.f32 v3, $0.0e+00;
	v1 =	vand.u32 $0x7, v1;
	v37 =	vand.u32 $0xFFFFFFF0, v35;
	v0 =	vld.idx.msk [tilespmem:v0+s6+$0x0], $0xffff  }
0x33: {  	v2 =	vmin.f32 v36, $2.550000000e+02;
	v1 =	vor.u32 v1, v37  }
0x34: {  	v38 =	vmul.f32 $2.550000000e+02, v34;
	v2 =	vtrunc.f32 v2  }
0x35: {  	v39 =	vld [tilespmem:$0x70];
	v2 =	vcvt.f32.s32 v2  }
0x36: {  	v3 =	vadd.f32 $5.000000000e-01, v38  }
0x37: {  	v40 =	vshll.u32 v2, $0x1;
	[tilespmem:$0x330] =	vst v0  }
0x38: {  	v41 =	vmax.f32 v3, $0.0e+00;
	v2 =	vand.u32 $0x7, v2;
	v42 =	vand.u32 $0xFFFFFFF0, v40;
	v1 =	vld.idx.msk [tilespmem:v1+s6+$0x0], $0xffff  }
0x39: {  	v0 =	vmin.f32 v41, $2.550000000e+02;
	v2 =	vor.u32 v2, v42  }
0x3a: {  	v43 =	vmul.f32 $2.550000000e+02, v39;
	v0 =	vtrunc.f32 v0  }
0x3b: {  	v44 =	vld [tilespmem:$0x80];
	v0 =	vcvt.f32.s32 v0  }
0x3c: {  	v3 =	vadd.f32 $5.000000000e-01, v43  }
0x3d: {  	v45 =	vshll.u32 v0, $0x1;
	[tilespmem:$0x340] =	vst v1  }
0x3e: {  	v46 =	vmax.f32 v3, $0.0e+00;
	v0 =	vand.u32 $0x7, v0;
	v47 =	vand.u32 $0xFFFFFFF0, v45;
	v2 =	vld.idx.msk [tilespmem:v2+s6+$0x0], $0xffff  }
0x3f: {  	v1 =	vmin.f32 v46, $2.550000000e+02;
	v0 =	vor.u32 v0, v47  }
0x40: {  	v48 =	vmul.f32 $2.550000000e+02, v44;
	v1 =	vtrunc.f32 v1  }
0x41: {  	v49 =	vld [tilespmem:$0x90];
	v1 =	vcvt.f32.s32 v1  }
0x42: {  	v3 =	vadd.f32 $5.000000000e-01, v48  }
0x43: {  	v50 =	vshll.u32 v1, $0x1;
	[tilespmem:$0x350] =	vst v2  }
0x44: {  	v51 =	vmax.f32 v3, $0.0e+00;
	v1 =	vand.u32 $0x7, v1;
	v52 =	vand.u32 $0xFFFFFFF0, v50;
	v0 =	vld.idx.msk [tilespmem:v0+s6+$0x0], $0xffff  }
0x45: {  	v2 =	vmin.f32 v51, $2.550000000e+02;
	v1 =	vor.u32 v1, v52  }
0x46: {  	v53 =	vmul.f32 $2.550000000e+02, v49;
	v2 =	vtrunc.f32 v2  }
0x47: {  	v54 =	vld [tilespmem:$0xA0];
	v2 =	vcvt.f32.s32 v2  }
0x48: {  	v3 =	vadd.f32 $5.000000000e-01, v53  }
0x49: {  	v55 =	vshll.u32 v2, $0x1;
	[tilespmem:$0x360] =	vst v0  }
0x4a: {  	v56 =	vmax.f32 v3, $0.0e+00;
	v2 =	vand.u32 $0x7, v2;
	v57 =	vand.u32 $0xFFFFFFF0, v55;
	v1 =	vld.idx.msk [tilespmem:v1+s6+$0x0], $0xffff  }
0x4b: {  	v0 =	vmin.f32 v56, $2.550000000e+02;
	v2 =	vor.u32 v2, v57  }
0x4c: {  	v58 =	vmul.f32 $2.550000000e+02, v54;
	v0 =	vtrunc.f32 v0  }
0x4d: {  	v0 =	vcvt.f32.s32 v0  }
0x4e: {  	v3 =	vadd.f32 $5.000000000e-01, v58  }
0x4f: {  	v59 =	vshll.u32 v0, $0x1;
	[tilespmem:$0x370] =	vst v1  }
0x50: {  	v60 =	vmax.f32 v3, $0.0e+00;
	v0 =	vand.u32 $0x7, v0;
	v61 =	vand.u32 $0xFFFFFFF0, v59;
	v2 =	vld.idx.msk [tilespmem:v2+s6+$0x0], $0xffff  }
0x51: {  	v1 =	vmin.f32 v60, $2.550000000e+02;
	v0 =	vor.u32 v0, v61  }
0x52: {  	v1 =	vtrunc.f32 v1  }
0x53: {  	v1 =	vcvt.f32.s32 v1;
	_ =	sdelay $0x1  }
0x54: {  	v62 =	vshll.u32 v1, $0x1;
	[tilespmem:$0x380] =	vst v2  }
0x55: {  	v1 =	vand.u32 $0x7, v1;
	v63 =	vand.u32 $0xFFFFFFF0, v62;
	v0 =	vld.idx.msk [tilespmem:v0+s6+$0x0], $0xffff  }
0x56: {  	v1 =	vor.u32 v1, v63;
	_ =	sdelay $0x3  }
0x57: {  	s7 =	ssub.s32 $0x2, s7;
	[tilespmem:$0x390] =	vst v0  }
0x58: {  	s9 =	sshrl.u32 s7, $0x1;
	v0 =	vld.idx.msk [tilespmem:v1+s6+$0x0], $0xffff  }
0x59: {  	s9 =	ssub.s32 s7, s9  }
0x5a: {  	s9 =	smax.u32 s9, $0x1  }
0x5b: {  	p0 =	sne.s32 s9, $0x1  }
.Ltmp0:
0x5c: {  	_ = 	snop;
	(pc) =	sbr.rel @!p0 .LBB2_2-.Ltmp0, $4  }
0x5d: {  	s7 =	sadd.s32 $0x1000, s8;
	s8 =	simm.s32 $0x300;
	[tilespmem:$0x3A0] =	vst v0  }
0x5e: {  	[hbm4b:s7+s3] =	stream.linear.scatter [tilespmem:s8], [sflag:$0x1], $0xB0, $0x38;
	[tilespmem:$0x400] =	vst v63  }
0x5f: {  	_ =	swait.ge [sflag:s4], $0xB0  }
0x60: {  	s9 =	sadd.s32 $0xFFFFFFFF, s9;
	[sflag:s4] =	ssyncset.done $0x0  }
.LBB2_1:
0x61: {  	p0 =	sne.s32 s9, $0x1;
	s9 =	sadd.s32 $0xFFFFFFFF, s9;
	[sflag:s4] =	ssyncadd.s32 $0xFFFFFF50  }
0x62: {  	[tilespmem:s3], [sflag:$0x1] =	stream.linear.gather [hbm4b:s5+s3], $0xB0, $0x38;
	[tilespmem:$0x400] =	vst v63  }
0x63: {  	_ =	swait.ge [sflag:s4], $0xB0  }
0x64: {  	[sflag:s4] =	ssyncset.done $0x0  }
0x65: {  	[sflag:s4] =	ssyncadd.s32 $0xFFFFFF50  }
0x66: {  	[tilespmem:s6], [sflag:$0x1] =	stream.linear.gather [hbm4b:s2+s3], $0x200, $0x38;
	[tilespmem:$0x400] =	vst v63  }
0x67: {  	_ =	swait.ge [sflag:s4], $0x200  }
0x68: {  	[sflag:s4] =	ssyncset.done $0x0  }
0x69: {  	[sflag:s4] =	ssyncadd.s32 $0xFFFFFE00  }
0x6a: {  	v0 =	vld [tilespmem:$0x0]  }
0x6b: {  	v1 =	vld [tilespmem:$0x10]  }
0x6c: {  	v2 =	vld [tilespmem:$0x20]  }
0x6d: {  	v3 =	vld [tilespmem:$0x30]  }
0x6e: {  	v4 =	vld [tilespmem:$0x40]  }
0x6f: {  	v0 =	vmul.f32 $2.550000000e+02, v0;
	v5 =	vld [tilespmem:$0x50]  }
0x70: {  	v1 =	vmul.f32 $2.550000000e+02, v1;
	v6 =	vld [tilespmem:$0x60]  }
0x71: {  	v0 =	vadd.f32 $5.000000000e-01, v0;
	v2 =	vmul.f32 $2.550000000e+02, v2;
	v7 =	vld [tilespmem:$0x70]  }
0x72: {  	v1 =	vadd.f32 $5.000000000e-01, v1;
	v3 =	vmul.f32 $2.550000000e+02, v3;
	v8 =	vld [tilespmem:$0x80]  }
0x73: {  	v0 =	vmax.f32 v0, $0.0e+00;
	v2 =	vadd.f32 $5.000000000e-01, v2;
	v4 =	vmul.f32 $2.550000000e+02, v4;
	v9 =	vld [tilespmem:$0x90]  }
0x74: {  	v0 =	vmin.f32 v0, $2.550000000e+02;
	v1 =	vmax.f32 v1, $0.0e+00;
	v3 =	vadd.f32 $5.000000000e-01, v3;
	v10 =	vld [tilespmem:$0xA0]  }
0x75: {  	v0 =	vtrunc.f32 v0;
	v1 =	vmin.f32 v1, $2.550000000e+02;
	v2 =	vmax.f32 v2, $0.0e+00  }
0x76: {  	v0 =	vcvt.f32.s32 v0;
	v1 =	vtrunc.f32 v1;
	v2 =	vmin.f32 v2, $2.550000000e+02  }
0x77: {  	v3 =	vmax.f32 v3, $0.0e+00;
	v1 =	vcvt.f32.s32 v1;
	v2 =	vtrunc.f32 v2  }
0x78: {  	v3 =	vmin.f32 v3, $2.550000000e+02;
	v11 =	vshll.u32 v0, $0x1;
	v2 =	vcvt.f32.s32 v2  }
0x79: {  	v0 =	vand.u32 $0x7, v0;
	v11 =	vand.u32 $0xFFFFFFF0, v11;
	v12 =	vshll.u32 v1, $0x1  }
0x7a: {  	v0 =	vor.u32 v0, v11;
	v11 =	vand.u32 $0xFFFFFFF0, v12;
	v12 =	vshll.u32 v2, $0x1  }
0x7b: {  	v4 =	vadd.f32 $5.000000000e-01, v4;
	v3 =	vtrunc.f32 v3;
	v12 =	vand.u32 $0xFFFFFFF0, v12  }
0x7c: {  	v5 =	vmul.f32 $2.550000000e+02, v5;
	v3 =	vcvt.f32.s32 v3  }
0x7d: {  	v6 =	vmul.f32 $2.550000000e+02, v6;
	v7 =	vmul.f32 $2.550000000e+02, v7;
	v4 =	vmax.f32 v4, $0.0e+00  }
0x7e: {  	v5 =	vadd.f32 $5.000000000e-01, v5;
	v4 =	vmin.f32 v4, $2.550000000e+02;
	v13 =	vshll.u32 v3, $0x1  }
0x7f: {  	v6 =	vadd.f32 $5.000000000e-01, v6;
	v4 =	vtrunc.f32 v4;
	v13 =	vand.u32 $0xFFFFFFF0, v13;
	v0 =	vld.idx.msk [tilespmem:v0+s6+$0x0], $0xffff  }
0x80: {  	v5 =	vmax.f32 v5, $0.0e+00;
	v1 =	vand.u32 $0x7, v1;
	v4 =	vcvt.f32.s32 v4  }
0x81: {  	v5 =	vmin.f32 v5, $2.550000000e+02;
	v6 =	vmax.f32 v6, $0.0e+00;
	v1 =	vor.u32 v1, v11  }
0x82: {  	v5 =	vtrunc.f32 v5;
	v6 =	vmin.f32 v6, $2.550000000e+02;
	v11 =	vshll.u32 v4, $0x1  }
0x83: {  	v5 =	vcvt.f32.s32 v5;
	v6 =	vtrunc.f32 v6;
	v11 =	vand.u32 $0xFFFFFFF0, v11  }
0x84: {  	v8 =	vmul.f32 $2.550000000e+02, v8;
	v7 =	vadd.f32 $5.000000000e-01, v7;
	v6 =	vcvt.f32.s32 v6  }
0x85: {  	v9 =	vmul.f32 $2.550000000e+02, v9;
	v10 =	vmul.f32 $2.550000000e+02, v10;
	[tilespmem:$0x300] =	vst v0;
	v0 =	vshll.u32 v5, $0x1  }
0x86: {  	v7 =	vmax.f32 v7, $0.0e+00;
	v14 =	vshll.u32 v6, $0x1;
	v1 =	vld.idx.msk [tilespmem:v1+s6+$0x0], $0xffff;
	v0 =	vand.u32 $0xFFFFFFF0, v0  }
0x87: {  	v2 =	vand.u32 $0x7, v2;
	v7 =	vmin.f32 v7, $2.550000000e+02;
	v14 =	vand.u32 $0xFFFFFFF0, v14  }
0x88: {  	v8 =	vadd.f32 $5.000000000e-01, v8;
	v2 =	vor.u32 v2, v12;
	v7 =	vtrunc.f32 v7  }
0x89: {  	v9 =	vadd.f32 $5.000000000e-01, v9;
	v10 =	vadd.f32 $5.000000000e-01, v10;
	v7 =	vcvt.f32.s32 v7  }
0x8a: {  	v8 =	vmax.f32 v8, $0.0e+00  }
0x8b: {  	v8 =	vmin.f32 v8, $2.550000000e+02;
	v9 =	vmax.f32 v9, $0.0e+00;
	v12 =	vshll.u32 v7, $0x1  }
0x8c: {  	v8 =	vtrunc.f32 v8;
	v9 =	vmin.f32 v9, $2.550000000e+02;
	[tilespmem:$0x310] =	vst v1;
	v1 =	vand.u32 $0xFFFFFFF0, v12  }
0x8d: {  	v10 =	vmax.f32 v10, $0.0e+00;
	v8 =	vcvt.f32.s32 v8;
	v9 =	vtrunc.f32 v9;
	v2 =	vld.idx.msk [tilespmem:v2+s6+$0x0], $0xffff  }
0x8e: {  	v3 =	vand.u32 $0x7, v3;
	v10 =	vmin.f32 v10, $2.550000000e+02;
	v9 =	vcvt.f32.s32 v9  }
0x8f: {  	v3 =	vor.u32 v3, v13;
	v10 =	vtrunc.f32 v10;
	v12 =	vshll.u32 v8, $0x1  }
0x90: {  	v10 =	vcvt.f32.s32 v10;
	v13 =	vshll.u32 v9, $0x1;
	v12 =	vand.u32 $0xFFFFFFF0, v12  }
0x91: {  	v13 =	vand.u32 $0xFFFFFFF0, v13  }
0x92: {  	v15 =	vshll.u32 v10, $0x1  }
0x93: {  	[tilespmem:$0x320] =	vst v2;
	v2 =	vand.u32 $0xFFFFFFF0, v15  }
0x94: {  	v3 =	vld.idx.msk [tilespmem:v3+s6+$0x0], $0xffff  }
0x95: {  	v4 =	vand.u32 $0x7, v4  }
0x96: {  	v4 =	vor.u32 v4, v11;
	_ =	sdelay $0x3  }
0x97: {  	[tilespmem:$0x330] =	vst v3  }
0x98: {  	v3 =	vld.idx.msk [tilespmem:v4+s6+$0x0], $0xffff  }
0x99: {  	v4 =	vand.u32 $0x7, v5  }
0x9a: {  	v0 =	vor.u32 v4, v0;
	_ =	sdelay $0x3  }
0x9b: {  	[tilespmem:$0x340] =	vst v3  }
0x9c: {  	v0 =	vld.idx.msk [tilespmem:v0+s6+$0x0], $0xffff  }
0x9d: {  	v3 =	vand.u32 $0x7, v6  }
0x9e: {  	v3 =	vor.u32 v3, v14;
	_ =	sdelay $0x3  }
0x9f: {  	[tilespmem:$0x350] =	vst v0  }
0xa0: {  	v0 =	vld.idx.msk [tilespmem:v3+s6+$0x0], $0xffff  }
0xa1: {  	v3 =	vand.u32 $0x7, v7  }
0xa2: {  	v1 =	vor.u32 v3, v1;
	_ =	sdelay $0x3  }
0xa3: {  	[tilespmem:$0x360] =	vst v0  }
0xa4: {  	v0 =	vld.idx.msk [tilespmem:v1+s6+$0x0], $0xffff  }
0xa5: {  	v1 =	vand.u32 $0x7, v8  }
0xa6: {  	v1 =	vor.u32 v1, v12;
	_ =	sdelay $0x3  }
0xa7: {  	[tilespmem:$0x370] =	vst v0  }
0xa8: {  	v0 =	vld.idx.msk [tilespmem:v1+s6+$0x0], $0xffff  }
0xa9: {  	v1 =	vand.u32 $0x7, v9  }
0xaa: {  	v1 =	vor.u32 v1, v13;
	_ =	sdelay $0x3  }
0xab: {  	[tilespmem:$0x380] =	vst v0  }
0xac: {  	v0 =	vld.idx.msk [tilespmem:v1+s6+$0x0], $0xffff  }
0xad: {  	v1 =	vand.u32 $0x7, v10  }
0xae: {  	v1 =	vor.u32 v1, v2;
	_ =	sdelay $0x3  }
0xaf: {  	[tilespmem:$0x390] =	vst v0  }
0xb0: {  	v0 =	vld.idx.msk [tilespmem:v1+s6+$0x0], $0xffff;
	_ =	sdelay $0x4  }
.Ltmp1:
0xb1: {  	(pc) =	sbr.rel @p0 .LBB2_1-.Ltmp1, $4  }
0xb2: {  	[tilespmem:$0x3A0] =	vst v0  }
0xb3: {  	[hbm4b:s7+s3] =	stream.linear.scatter [tilespmem:s8], [sflag:$0x1], $0xB0, $0x38;
	[tilespmem:$0x400] =	vst v63  }
0xb4: {  	_ =	swait.ge [sflag:s4], $0xB0  }
0xb5: {  	[sflag:s4] =	ssyncset.done $0x0  }
.LBB2_2:
0xb6: {  	[sflag:s4] =	ssyncadd.s32 $0xFFFFFF50  }
0xb7: {  	_ =	sfence.sel $0x180000  }
0xb8: {  	[bflag:$0x0] =	sbarrier.arrive $0xFFFF  }
0xb9: {  	p0 =	sne.s32 s0, $0x0;
	_ =	strace $0x9000004A  }
0xba: {  	s0 =	sadd.s32 @!p0 $0x100000, s1;
	[bflag:$0x2] =	sbarrier.arrive $0xFFFF  }
0xbb: {  	[sflag:s0] =	ssyncadd.tile.s32 @!p0 $0x1;
	_ =	shalt  }
.Lfunc_end2:
_tile_overlayer_lowered:
.L_overlay_start_2:
0xbc: {  	(tag) =	ssettag $0x2  }
0xbd: {  	s0 =	rddreg [dreg:$0x0];
	s2 =	stileid.u32  }
0xbe: {  	s1 =	rddreg [dreg:$0x1];
	p0 =	sne.s32 s2, $0x0  }
0xbf: {  	s3 =	rddreg [dreg:$0x2];
	[bflag:$0x3] =	sbarrier.arrive $0xFFFF;
	s2 =	simm.s32 @!p0 $0x1C01  }
0xc0: {  	[timem:s3], [sflag:s2] =	dma.local @!p0 [hbm:s0], s1  }
0xc1: {  	s0 =	simm.s32 @!p0 $0x1  }
0xc2: {  	_ =	swait.ge @!p0 [sflag:s0], s1  }
0xc3: {  	s1 =	ssub.s32 @!p0 $0x0, s1;
	[sflag:s0] =	ssyncset.done @!p0 $0x0  }
0xc4: {  	[sflag:s0] =	ssyncadd.s32 @!p0 s1  }
0xc5: {  	[bflag:$0x3] =	sbarrier.arrive $0xFFFF  }
0xc6: {  	_ =	shalt  }

</sc_bundles>
